<compile_context>
chip_gen: v7x
topology: tpu7x:2x2x1
jax: 0.10.2.dev20260603
libtpu: 0.0.44.dev20260713+nightly
codegen_flags: <defaults>
</compile_context>

<pallas_src>
import functools

import jax
import jax.numpy as jnp
from jax import lax
from jax.experimental import pallas as pl
from jax.experimental.pallas import tpu as pltpu
from jax.experimental.pallas import tpu_sc as plsc

NC = 2
NS = 16
NW = NC * NS
LANES = 16
CHUNK = 128
_BLK = 1024


def _sc_mesh():
    return plsc.VectorSubcoreMesh(
        core_axis_name="c", subcore_axis_name="s",
        num_cores=NC, num_subcores=NS)


def _make_deg_kernel(R, RW):
    rpt = R // NS

    nfull, rem = divmod(rpt, CHUNK)
    sizes = [CHUNK] * nfull + ([rem] if rem else [])

    @functools.partial(
        pl.kernel,
        out_type=jax.ShapeDtypeStruct((NC * R,), jnp.float32),
        mesh=_sc_mesh(),
        scratch_types=[
            pltpu.VMEM((RW, CHUNK), jnp.int32),
            pltpu.VMEM((CHUNK,), jnp.float32),
            pltpu.VMEM((CHUNK,), jnp.float32),
            pltpu.VMEM_SHARED((R,), jnp.float32),
            pltpu.SemaphoreType.DMA,
            pltpu.SemaphoreType.DMA,
        ],
    )
    def deg_kernel(dst_hbm, zdeg_hbm, out_hbm, idx_v, ones_v, stage_v, hist_s,
                   dsem0, dsem1):
        cid = lax.axis_index("c")
        sid = lax.axis_index("s")
        wid = cid * NS + sid
        for k in range(CHUNK // LANES):
            ones_v[pl.ds(k * LANES, LANES)] = jnp.ones((LANES,), jnp.float32)
        pltpu.sync_copy(zdeg_hbm.at[pl.ds(0, CHUNK)], stage_v)
        off = 0
        for sz in sizes:
            pltpu.sync_copy(stage_v.at[pl.ds(0, sz)],
                            hist_s.at[pl.ds(sid * rpt + off, sz)])
            off += sz
        pltpu.sync_copy(dst_hbm.at[pl.ds(wid * RW, RW)], idx_v)
        plsc.subcore_barrier()

        def body(jj, carry):
            hs = [pltpu.async_copy(ones_v, hist_s.at[idx_v.at[8 * jj + k]],
                                   dsem0 if k % 2 == 0 else dsem1, add=True)
                  for k in range(8)]
            for h in hs:
                h.wait()
            return carry

        lax.fori_loop(0, RW // 8, body, 0)
        plsc.subcore_barrier()
        off = 0
        for sz in sizes:
            pltpu.sync_copy(hist_s.at[pl.ds(sid * rpt + off, sz)],
                            stage_v.at[pl.ds(0, sz)])
            pltpu.sync_copy(stage_v.at[pl.ds(0, sz)],
                            out_hbm.at[pl.ds(cid * R + sid * rpt + off, sz)])
            off += sz

    return deg_kernel


def _make_agg_kernel(R, RW, F):
    rpt = R // NS
    nfull, rem = divmod(rpt, CHUNK)
    sizes = [CHUNK] * nfull + ([rem] if rem else [])
    assert RW % 16 == 0 or RW % 8 == 0
    HALF = RW // 2

    @functools.partial(
        pl.kernel,
        out_type=jax.ShapeDtypeStruct((NC * R, F), jnp.float32),
        mesh=_sc_mesh(),
        scratch_types=[
            pltpu.VMEM((HALF, CHUNK), jnp.int32),
            pltpu.VMEM((HALF, CHUNK), jnp.int32),
            pltpu.VMEM((CHUNK, F), jnp.float32),
            pltpu.VMEM((CHUNK, F), jnp.float32),
            pltpu.VMEM_SHARED((R, F), jnp.float32),
            pltpu.SemaphoreType.DMA,
            pltpu.SemaphoreType.DMA,
            pltpu.SemaphoreType.DMA,
            pltpu.SemaphoreType.DMA,
        ],
    )
    def agg_kernel(xs_hbm, src_hbm, dst_hbm, zacc_hbm, out_hbm,
                   src_v, dst_v, buf0, buf1, acc_s, gsem0, gsem1, ssem0, ssem1):
        cid = lax.axis_index("c")
        sid = lax.axis_index("s")
        wid = cid * NS + sid
        pltpu.sync_copy(zacc_hbm.at[pl.ds(0, CHUNK)], buf0)
        hs = []
        off = 0
        for i, sz in enumerate(sizes):
            hs.append(pltpu.async_copy(
                buf0.at[pl.ds(0, sz)],
                acc_s.at[pl.ds(sid * rpt + off, sz)],
                ssem0 if i % 2 == 0 else ssem1))
            off += sz
        for h in hs:
            h.wait()
        plsc.subcore_barrier()

        def g_wait():
            pltpu.make_async_copy(xs_hbm.at[src_v.at[0]], buf0, gsem0).wait()

        def g_wait1():
            pltpu.make_async_copy(xs_hbm.at[src_v.at[0]], buf1, gsem1).wait()

        def s_wait():
            pltpu.make_async_copy(buf0, acc_s.at[dst_v.at[0]], ssem0).wait()

        def s_wait1():
            pltpu.make_async_copy(buf1, acc_s.at[dst_v.at[0]], ssem1).wait()

        npair = HALF // 2

        def body(jj, carry):
            j0 = 2 * jj
            j1 = j0 + 1
            g_wait()

            @pl.when(jj > 0)
            def _():
                s_wait1()

            pltpu.async_copy(xs_hbm.at[src_v.at[j1]], buf1, gsem1)
            pltpu.async_copy(buf0, acc_s.at[dst_v.at[j0]], ssem0, add=True)
            g_wait1()
            s_wait()

            @pl.when(jj < npair - 1)
            def _():
                pltpu.async_copy(xs_hbm.at[src_v.at[j0 + 2]], buf0, gsem0)

            pltpu.async_copy(buf1, acc_s.at[dst_v.at[j1]], ssem1, add=True)
            return carry

        for half in range(2):
            pltpu.sync_copy(src_hbm.at[pl.ds(wid * RW + half * HALF, HALF)],
                            src_v)
            pltpu.sync_copy(dst_hbm.at[pl.ds(wid * RW + half * HALF, HALF)],
                            dst_v)
            pltpu.async_copy(xs_hbm.at[src_v.at[0]], buf0, gsem0)
            lax.fori_loop(0, npair, body, 0)
            s_wait1()
        plsc.subcore_barrier()
        off = 0
        whs = [None, None]
        for i, sz in enumerate(sizes):
            b = buf0 if i % 2 == 0 else buf1
            sem = ssem0 if i % 2 == 0 else ssem1
            if whs[i % 2] is not None:
                whs[i % 2].wait()
            pltpu.sync_copy(acc_s.at[pl.ds(sid * rpt + off, sz)],
                            b.at[pl.ds(0, sz)])
            whs[i % 2] = pltpu.async_copy(
                b.at[pl.ds(0, sz)],
                out_hbm.at[pl.ds(cid * R + sid * rpt + off, sz), :], sem)
            off += sz
        for h in whs:
            if h is not None:
                h.wait()

    return agg_kernel


def _tc_prep(degp, x):
    N, F = x.shape

    def body(degp_ref, x_ref, dinvb_ref, xs_ref):
        deg = degp_ref[0, :] + degp_ref[1, :] + 1.0
        dinv = lax.rsqrt(deg)
        d2 = jnp.broadcast_to(dinv[:, None], x_ref.shape)
        dinvb_ref[...] = d2
        xs_ref[...] = x_ref[...] * d2

    return pl.pallas_call(
        body,
        grid=(pl.cdiv(N, _BLK),),
        in_specs=[pl.BlockSpec((NC, _BLK), lambda i: (0, i)),
                  pl.BlockSpec((_BLK, F), lambda i: (i, 0))],
        out_specs=[pl.BlockSpec((_BLK, F), lambda i: (i, 0)),
                   pl.BlockSpec((_BLK, F), lambda i: (i, 0))],
        out_shape=[jax.ShapeDtypeStruct((N, F), jnp.float32),
                   jax.ShapeDtypeStruct((N, F), jnp.float32)],
    )(degp, x)


def _tc_mid(p, xs, dinvb, W1, b1, W2):
    N, F = xs.shape
    H = W1.shape[1]

    def body(p_ref, xs_ref, dinvb_ref, w1_ref, b1_ref, w2_ref, out_ref):
        dinv = dinvb_ref[...]
        u = dinv * (p_ref[0] + p_ref[1] + xs_ref[...])
        h = jnp.dot(u, w1_ref[...], preferred_element_type=jnp.float32)
        h = jnp.maximum(h + b1_ref[...], 0.0)
        t = jnp.dot(h, w2_ref[...], preferred_element_type=jnp.float32)
        out_ref[...] = dinv * t

    return pl.pallas_call(
        body,
        grid=(pl.cdiv(N, _BLK),),
        in_specs=[pl.BlockSpec((NC, _BLK, F), lambda i: (0, i, 0)),
                  pl.BlockSpec((_BLK, F), lambda i: (i, 0)),
                  pl.BlockSpec((_BLK, F), lambda i: (i, 0)),
                  pl.BlockSpec((F, H), lambda i: (0, 0)),
                  pl.BlockSpec((1, H), lambda i: (0, 0)),
                  pl.BlockSpec((H, F), lambda i: (0, 0))],
        out_specs=pl.BlockSpec((_BLK, F), lambda i: (i, 0)),
        out_shape=jax.ShapeDtypeStruct((N, F), jnp.float32),
    )(p, xs, dinvb, W1, b1.reshape(1, H), W2)


def _tc_fin(q, ts, dinvb, b2):
    N, F = ts.shape

    def body(q_ref, ts_ref, dinvb_ref, b2_ref, out_ref):
        out_ref[...] = (dinvb_ref[...] * (q_ref[0] + q_ref[1] + ts_ref[...])
                        + b2_ref[...])

    return pl.pallas_call(
        body,
        grid=(pl.cdiv(N, _BLK),),
        in_specs=[pl.BlockSpec((NC, _BLK, F), lambda i: (0, i, 0)),
                  pl.BlockSpec((_BLK, F), lambda i: (i, 0)),
                  pl.BlockSpec((_BLK, F), lambda i: (i, 0)),
                  pl.BlockSpec((1, F), lambda i: (0, 0))],
        out_specs=pl.BlockSpec((_BLK, F), lambda i: (i, 0)),
        out_shape=jax.ShapeDtypeStruct((N, F), jnp.float32),
    )(q, ts, dinvb, b2.reshape(1, F))


def kernel(x, edge_index, W1, b1, W2, b2):
    N, F = x.shape
    E = edge_index.shape[1]
    R = ((N + 127) // 128) * 128
    EP = pl.cdiv(E, CHUNK * NW * 8) * (CHUNK * NW * 8)
    RW = EP // (CHUNK * NW)
    padn = EP - E

    ei = edge_index.astype(jnp.int32)
    pad_src = (jnp.arange(padn, dtype=jnp.int32) * 97) % N
    pad_dst = N + (jnp.arange(padn, dtype=jnp.int32) % (R - N))
    src2d = jnp.concatenate([ei[0], pad_src]).reshape(EP // CHUNK, CHUNK)
    dst2d = jnp.concatenate([ei[1], pad_dst]).reshape(EP // CHUNK, CHUNK)
    zdeg = jnp.zeros((R,), jnp.float32)
    zacc = jnp.zeros((R, F), jnp.float32)

    degp = _make_deg_kernel(R, RW)(dst2d, zdeg).reshape(NC, R)
    dinvb, xs = _tc_prep(degp, x)
    agg = _make_agg_kernel(R, RW, F)
    p = agg(xs, src2d, dst2d, zacc).reshape(NC, R, F)
    ts = _tc_mid(p, xs, dinvb, W1, b1, W2)
    q = agg(ts, src2d, dst2d, zacc).reshape(NC, R, F)
    return _tc_fin(q, ts, dinvb, b2)

# --- scband reference (transcript-rebuilt; emitter-appended) ---
"""Pipeline reference for scband-gcnrecommender-1529008357533 (READ-ONLY COPY).

The authoritative reference and input builder live on the scoring server;
editing this copy changes nothing except your own understanding.
"""

import jax, jax.numpy as jnp
import numpy as np

N_NODES = 10000
N_EDGES = 320000
IN_CH = 128
HIDDEN = 256
EMBED = 128


def gcn_conv(x, edge_index, W, b):
    # PyG GCNConv semantics: add self-loops, symmetric normalization,
    # linear transform, scatter-add aggregation, bias.
    n = x.shape[0]
    loop = jnp.arange(n, dtype=edge_index.dtype)
    src = jnp.concatenate([edge_index[0], loop])
    dst = jnp.concatenate([edge_index[1], loop])
    deg = jnp.zeros((n,), dtype=x.dtype).at[dst].add(1.0)
    dinv = jnp.where(deg > 0, deg ** -0.5, 0.0)
    norm = dinv[src] * dinv[dst]
    h = x @ W
    msg = h[src] * norm[:, None]
    out = jnp.zeros((n, W.shape[1]), dtype=x.dtype).at[dst].add(msg)
    return out + b


def setup_inputs(seed: int = 0) -> dict:
    key = jax.random.key(seed)
    k1, k2, k3, k4, k5, k6 = jax.random.split(key, 6)
    x = jax.random.normal(k1, (N_NODES, IN_CH), dtype=jnp.float32)
    edge_index = jax.random.randint(k2, (2, N_EDGES), 0, N_NODES, dtype=jnp.int64)
    s1 = (1.0 / IN_CH) ** 0.5
    s2 = (1.0 / HIDDEN) ** 0.5
    W1 = jax.random.uniform(k3, (IN_CH, HIDDEN), dtype=jnp.float32, minval=-s1, maxval=s1)
    b1 = jnp.zeros((HIDDEN,), dtype=jnp.float32)
    W2 = jax.random.uniform(k4, (HIDDEN, EMBED), dtype=jnp.float32, minval=-s2, maxval=s2)
    b2 = jnp.zeros((EMBED,), dtype=jnp.float32)
    return {"x": x, "edge_index": edge_index, "W1": W1, "b1": b1, "W2": W2, "b2": b2}


def reference(x, edge_index, W1, b1, W2, b2):
    # layer 0: conv -> relu -> dropout (identity in eval mode)
    h = gcn_conv(x, edge_index, W1, b1)
    h = jax.nn.relu(h)
    # final layer: conv (no activation)
    out = gcn_conv(h, edge_index, W2, b2)
    return out

if __name__ == "__main__":
    import jax
    _d = setup_inputs()
    print(jax.jit(kernel)(*tuple(_d.values())))

</pallas_src>

<mosaic_0001>
#map = affine_map<(d0, d1) -> (0, 0)>
#map1 = affine_map<(d0, d1) -> (0)>
module attributes {stable_mosaic.version = 14 : i64} {
  func.func @deg_kernel(%arg0: i32, %arg1: i32, %arg2: memref<2560x128xi32, #tpu.memory_space<hbm>>, %arg3: memref<10112xf32, #tpu.memory_space<hbm>>, %arg4: memref<20224xf32, #tpu.memory_space<hbm>>, %arg5: memref<80x128xi32, #tpu.memory_space<vmem>>, %arg6: memref<128xf32, #tpu.memory_space<vmem>>, %arg7: memref<128xf32, #tpu.memory_space<vmem>>, %arg8: memref<10112xf32, #tpu.memory_space<vmem_shared>>, %arg9: memref<!tpu.dma_semaphore, #tpu.memory_space<semaphore_mem>>, %arg10: memref<!tpu.dma_semaphore, #tpu.memory_space<semaphore_mem>>) attributes {dimension_semantics = [#tpu.dimension_semantics<core_parallel>, #tpu.dimension_semantics<subcore_parallel>], iteration_bounds = array<i64: 2, 16>, scalar_prefetch = 0 : i64, scratch_operands = 6 : i64, tpu.core_type = #tpu.core_type<sc_vector_subcore>, window_params = [{transform_indices = #map}, {transform_indices = #map1}, {transform_indices = #map1}]} {
    %mul3A = arith.constant 16 : i32
    %mul3A_0 = arith.muli %arg0, %mul3A : i32
    %add3A = arith.addi %mul3A_0, %arg1 : i32
    %broadcast_in_dim3A = arith.constant 1.000000e+00 : f32
    %broadcast_in_dim3A_1 = vector.broadcast %broadcast_in_dim3A : f32 to vector<16xf32>
    %swap3A = arith.constant 0 : index
    %swap3A_2 = tpu.vector_load %arg6[%swap3A] {strides = array<i32>} : memref<128xf32, #tpu.memory_space<vmem>>, vector<16xf32>,
    %swap3A_3 = vector.shape_cast %swap3A_2 : vector<16xf32> to vector<16xf32>
    %swap3A_4 = vector.shape_cast %broadcast_in_dim3A_1 : vector<16xf32> to vector<16xf32>
    tpu.vector_store %arg6[%swap3A], %swap3A_4 {strides = array<i32>} : memref<128xf32, #tpu.memory_space<vmem>>, vector<16xf32>,
    %broadcast_in_dim3A_5 = arith.constant 1.000000e+00 : f32
    %broadcast_in_dim3A_6 = vector.broadcast %broadcast_in_dim3A_5 : f32 to vector<16xf32>
    %swap3A_7 = arith.constant 16 : index
    %swap3A_8 = tpu.vector_load %arg6[%swap3A_7] {strides = array<i32>} : memref<128xf32, #tpu.memory_space<vmem>>, vector<16xf32>,
    %swap3A_9 = vector.shape_cast %swap3A_8 : vector<16xf32> to vector<16xf32>
    %swap3A_10 = vector.shape_cast %broadcast_in_dim3A_6 : vector<16xf32> to vector<16xf32>
    tpu.vector_store %arg6[%swap3A_7], %swap3A_10 {strides = array<i32>} : memref<128xf32, #tpu.memory_space<vmem>>, vector<16xf32>,
    %broadcast_in_dim3A_11 = arith.constant 1.000000e+00 : f32
    %broadcast_in_dim3A_12 = vector.broadcast %broadcast_in_dim3A_11 : f32 to vector<16xf32>
    %swap3A_13 = arith.constant 32 : index
    %swap3A_14 = tpu.vector_load %arg6[%swap3A_13] {strides = array<i32>} : memref<128xf32, #tpu.memory_space<vmem>>, vector<16xf32>,
    %swap3A_15 = vector.shape_cast %swap3A_14 : vector<16xf32> to vector<16xf32>
    %swap3A_16 = vector.shape_cast %broadcast_in_dim3A_12 : vector<16xf32> to vector<16xf32>
    tpu.vector_store %arg6[%swap3A_13], %swap3A_16 {strides = array<i32>} : memref<128xf32, #tpu.memory_space<vmem>>, vector<16xf32>,
    %broadcast_in_dim3A_17 = arith.constant 1.000000e+00 : f32
    %broadcast_in_dim3A_18 = vector.broadcast %broadcast_in_dim3A_17 : f32 to vector<16xf32>
    %swap3A_19 = arith.constant 48 : index
    %swap3A_20 = tpu.vector_load %arg6[%swap3A_19] {strides = array<i32>} : memref<128xf32, #tpu.memory_space<vmem>>, vector<16xf32>,
    %swap3A_21 = vector.shape_cast %swap3A_20 : vector<16xf32> to vector<16xf32>
    %swap3A_22 = vector.shape_cast %broadcast_in_dim3A_18 : vector<16xf32> to vector<16xf32>
    tpu.vector_store %arg6[%swap3A_19], %swap3A_22 {strides = array<i32>} : memref<128xf32, #tpu.memory_space<vmem>>, vector<16xf32>,
    %broadcast_in_dim3A_23 = arith.constant 1.000000e+00 : f32
    %broadcast_in_dim3A_24 = vector.broadcast %broadcast_in_dim3A_23 : f32 to vector<16xf32>
    %swap3A_25 = arith.constant 64 : index
    %swap3A_26 = tpu.vector_load %arg6[%swap3A_25] {strides = array<i32>} : memref<128xf32, #tpu.memory_space<vmem>>, vector<16xf32>,
    %swap3A_27 = vector.shape_cast %swap3A_26 : vector<16xf32> to vector<16xf32>
    %swap3A_28 = vector.shape_cast %broadcast_in_dim3A_24 : vector<16xf32> to vector<16xf32>
    tpu.vector_store %arg6[%swap3A_25], %swap3A_28 {strides = array<i32>} : memref<128xf32, #tpu.memory_space<vmem>>, vector<16xf32>,
    %broadcast_in_dim3A_29 = arith.constant 1.000000e+00 : f32
    %broadcast_in_dim3A_30 = vector.broadcast %broadcast_in_dim3A_29 : f32 to vector<16xf32>
    %swap3A_31 = arith.constant 80 : index
    %swap3A_32 = tpu.vector_load %arg6[%swap3A_31] {strides = array<i32>} : memref<128xf32, #tpu.memory_space<vmem>>, vector<16xf32>,
    %swap3A_33 = vector.shape_cast %swap3A_32 : vector<16xf32> to vector<16xf32>
    %swap3A_34 = vector.shape_cast %broadcast_in_dim3A_30 : vector<16xf32> to vector<16xf32>
    tpu.vector_store %arg6[%swap3A_31], %swap3A_34 {strides = array<i32>} : memref<128xf32, #tpu.memory_space<vmem>>, vector<16xf32>,
    %broadcast_in_dim3A_35 = arith.constant 1.000000e+00 : f32
    %broadcast_in_dim3A_36 = vector.broadcast %broadcast_in_dim3A_35 : f32 to vector<16xf32>
    %swap3A_37 = arith.constant 96 : index
    %swap3A_38 = tpu.vector_load %arg6[%swap3A_37] {strides = array<i32>} : memref<128xf32, #tpu.memory_space<vmem>>, vector<16xf32>,
    %swap3A_39 = vector.shape_cast %swap3A_38 : vector<16xf32> to vector<16xf32>
    %swap3A_40 = vector.shape_cast %broadcast_in_dim3A_36 : vector<16xf32> to vector<16xf32>
    tpu.vector_store %arg6[%swap3A_37], %swap3A_40 {strides = array<i32>} : memref<128xf32, #tpu.memory_space<vmem>>, vector<16xf32>,
    %broadcast_in_dim3A_41 = arith.constant 1.000000e+00 : f32
    %broadcast_in_dim3A_42 = vector.broadcast %broadcast_in_dim3A_41 : f32 to vector<16xf32>
    %swap3A_43 = arith.constant 112 : index
    %swap3A_44 = tpu.vector_load %arg6[%swap3A_43] {strides = array<i32>} : memref<128xf32, #tpu.memory_space<vmem>>, vector<16xf32>,
    %swap3A_45 = vector.shape_cast %swap3A_44 : vector<16xf32> to vector<16xf32>
    %swap3A_46 = vector.shape_cast %broadcast_in_dim3A_42 : vector<16xf32> to vector<16xf32>
    tpu.vector_store %arg6[%swap3A_43], %swap3A_46 {strides = array<i32>} : memref<128xf32, #tpu.memory_space<vmem>>, vector<16xf32>,
    "tpu.region"() ({
      %run_scoped3A = tpu.sem_alloc : memref<!tpu.dma_semaphore, #tpu.memory_space<semaphore_mem>>
      %dma_start3A = arith.constant 0 : i32
      %dma_start3A_130 = tpu.memref_slice %arg3[%dma_start3A] : memref<10112xf32, #tpu.memory_space<hbm>> -> memref<128xf32, #tpu.memory_space<hbm>>
      %dma_start3A_131 = arith.constant 0 : i32
      %dma_start3A_132 = tpu.memref_slice %arg3[%dma_start3A_131] : memref<10112xf32, #tpu.memory_space<hbm>> -> memref<128xf32, #tpu.memory_space<hbm>>
      tpu.enqueue_dma source(%dma_start3A_132 : memref<128xf32, #tpu.memory_space<hbm>>) target(%arg7 : memref<128xf32, #tpu.memory_space<vmem>>) target_semaphore(%run_scoped3A : memref<!tpu.dma_semaphore, #tpu.memory_space<semaphore_mem>>)
      %dma_wait3A = arith.constant 0 : i32
      %dma_wait3A_133 = tpu.memref_slice %arg3[%dma_wait3A] : memref<10112xf32, #tpu.memory_space<hbm>> -> memref<128xf32, #tpu.memory_space<hbm>>
      %dma_wait3A_134 = arith.constant 0 : i32
      %dma_wait3A_135 = tpu.memref_slice %arg3[%dma_wait3A_134] : memref<10112xf32, #tpu.memory_space<hbm>> -> memref<128xf32, #tpu.memory_space<hbm>>
      tpu.wait_dma2 semaphore(%run_scoped3A : memref<!tpu.dma_semaphore, #tpu.memory_space<semaphore_mem>>) src(%dma_wait3A_135 : memref<128xf32, #tpu.memory_space<hbm>>) dst(%arg7 : memref<128xf32, #tpu.memory_space<vmem>>)
      tpu.yield
    }) : () -> ()
    %mul3A_47 = arith.constant 632 : i32
    %mul3A_48 = arith.muli %arg1, %mul3A_47 : i32
    %add3A_49 = arith.constant 0 : i32
    %add3A_50 = arith.addi %mul3A_48, %add3A_49 : i32
    "tpu.region"() ({
      %run_scoped3A = tpu.sem_alloc : memref<!tpu.dma_semaphore, #tpu.memory_space<semaphore_mem>>
      %dma_start3A = arith.constant 0 : i32
      %dma_start3A_130 = tpu.memref_slice %arg7[%dma_start3A] : memref<128xf32, #tpu.memory_space<vmem>> -> memref<128xf32, #tpu.memory_space<vmem>>
      %dma_start3A_131 = tpu.memref_slice %arg8[%add3A_50] : memref<10112xf32, #tpu.memory_space<vmem_shared>> -> memref<128xf32, #tpu.memory_space<vmem_shared>>
      %dma_start3A_132 = tpu.memref_slice %arg8[%add3A_50] : memref<10112xf32, #tpu.memory_space<vmem_shared>> -> memref<128xf32, #tpu.memory_space<vmem_shared>>
      %dma_start3A_133 = arith.constant 0 : i32
      %dma_start3A_134 = tpu.memref_slice %arg7[%dma_start3A_133] : memref<128xf32, #tpu.memory_space<vmem>> -> memref<128xf32, #tpu.memory_space<vmem>>
      tpu.enqueue_dma source(%dma_start3A_134 : memref<128xf32, #tpu.memory_space<vmem>>) target(%dma_start3A_132 : memref<128xf32, #tpu.memory_space<vmem_shared>>) target_semaphore(%run_scoped3A : memref<!tpu.dma_semaphore, #tpu.memory_space<semaphore_mem>>)
      %dma_wait3A = arith.constant 0 : i32
      %dma_wait3A_135 = tpu.memref_slice %arg7[%dma_wait3A] : memref<128xf32, #tpu.memory_space<vmem>> -> memref<128xf32, #tpu.memory_space<vmem>>
      %dma_wait3A_136 = tpu.memref_slice %arg8[%add3A_50] : memref<10112xf32, #tpu.memory_space<vmem_shared>> -> memref<128xf32, #tpu.memory_space<vmem_shared>>
      %dma_wait3A_137 = tpu.memref_slice %arg8[%add3A_50] : memref<10112xf32, #tpu.memory_space<vmem_shared>> -> memref<128xf32, #tpu.memory_space<vmem_shared>>
      %dma_wait3A_138 = arith.constant 0 : i32
      %dma_wait3A_139 = tpu.memref_slice %arg7[%dma_wait3A_138] : memref<128xf32, #tpu.memory_space<vmem>> -> memref<128xf32, #tpu.memory_space<vmem>>
      tpu.wait_dma2 semaphore(%run_scoped3A : memref<!tpu.dma_semaphore, #tpu.memory_space<semaphore_mem>>) src(%dma_wait3A_139 : memref<128xf32, #tpu.memory_space<vmem>>) dst(%dma_wait3A_137 : memref<128xf32, #tpu.memory_space<vmem_shared>>)
      tpu.yield
    }) : () -> ()
    %mul3A_51 = arith.constant 632 : i32
    %mul3A_52 = arith.muli %arg1, %mul3A_51 : i32
    %add3A_53 = arith.constant 128 : i32
    %add3A_54 = arith.addi %mul3A_52, %add3A_53 : i32
    "tpu.region"() ({
      %run_scoped3A = tpu.sem_alloc : memref<!tpu.dma_semaphore, #tpu.memory_space<semaphore_mem>>
      %dma_start3A = arith.constant 0 : i32
      %dma_start3A_130 = tpu.memref_slice %arg7[%dma_start3A] : memref<128xf32, #tpu.memory_space<vmem>> -> memref<128xf32, #tpu.memory_space<vmem>>
      %dma_start3A_131 = tpu.memref_slice %arg8[%add3A_54] : memref<10112xf32, #tpu.memory_space<vmem_shared>> -> memref<128xf32, #tpu.memory_space<vmem_shared>>
      %dma_start3A_132 = tpu.memref_slice %arg8[%add3A_54] : memref<10112xf32, #tpu.memory_space<vmem_shared>> -> memref<128xf32, #tpu.memory_space<vmem_shared>>
      %dma_start3A_133 = arith.constant 0 : i32
      %dma_start3A_134 = tpu.memref_slice %arg7[%dma_start3A_133] : memref<128xf32, #tpu.memory_space<vmem>> -> memref<128xf32, #tpu.memory_space<vmem>>
      tpu.enqueue_dma source(%dma_start3A_134 : memref<128xf32, #tpu.memory_space<vmem>>) target(%dma_start3A_132 : memref<128xf32, #tpu.memory_space<vmem_shared>>) target_semaphore(%run_scoped3A : memref<!tpu.dma_semaphore, #tpu.memory_space<semaphore_mem>>)
      %dma_wait3A = arith.constant 0 : i32
      %dma_wait3A_135 = tpu.memref_slice %arg7[%dma_wait3A] : memref<128xf32, #tpu.memory_space<vmem>> -> memref<128xf32, #tpu.memory_space<vmem>>
      %dma_wait3A_136 = tpu.memref_slice %arg8[%add3A_54] : memref<10112xf32, #tpu.memory_space<vmem_shared>> -> memref<128xf32, #tpu.memory_space<vmem_shared>>
      %dma_wait3A_137 = tpu.memref_slice %arg8[%add3A_54] : memref<10112xf32, #tpu.memory_space<vmem_shared>> -> memref<128xf32, #tpu.memory_space<vmem_shared>>
      %dma_wait3A_138 = arith.constant 0 : i32
      %dma_wait3A_139 = tpu.memref_slice %arg7[%dma_wait3A_138] : memref<128xf32, #tpu.memory_space<vmem>> -> memref<128xf32, #tpu.memory_space<vmem>>
      tpu.wait_dma2 semaphore(%run_scoped3A : memref<!tpu.dma_semaphore, #tpu.memory_space<semaphore_mem>>) src(%dma_wait3A_139 : memref<128xf32, #tpu.memory_space<vmem>>) dst(%dma_wait3A_137 : memref<128xf32, #tpu.memory_space<vmem_shared>>)
      tpu.yield
    }) : () -> ()
    %mul3A_55 = arith.constant 632 : i32
    %mul3A_56 = arith.muli %arg1, %mul3A_55 : i32
    %add3A_57 = arith.constant 256 : i32
    %add3A_58 = arith.addi %mul3A_56, %add3A_57 : i32
    "tpu.region"() ({
      %run_scoped3A = tpu.sem_alloc : memref<!tpu.dma_semaphore, #tpu.memory_space<semaphore_mem>>
      %dma_start3A = arith.constant 0 : i32
      %dma_start3A_130 = tpu.memref_slice %arg7[%dma_start3A] : memref<128xf32, #tpu.memory_space<vmem>> -> memref<128xf32, #tpu.memory_space<vmem>>
      %dma_start3A_131 = tpu.memref_slice %arg8[%add3A_58] : memref<10112xf32, #tpu.memory_space<vmem_shared>> -> memref<128xf32, #tpu.memory_space<vmem_shared>>
      %dma_start3A_132 = tpu.memref_slice %arg8[%add3A_58] : memref<10112xf32, #tpu.memory_space<vmem_shared>> -> memref<128xf32, #tpu.memory_space<vmem_shared>>
      %dma_start3A_133 = arith.constant 0 : i32
      %dma_start3A_134 = tpu.memref_slice %arg7[%dma_start3A_133] : memref<128xf32, #tpu.memory_space<vmem>> -> memref<128xf32, #tpu.memory_space<vmem>>
      tpu.enqueue_dma source(%dma_start3A_134 : memref<128xf32, #tpu.memory_space<vmem>>) target(%dma_start3A_132 : memref<128xf32, #tpu.memory_space<vmem_shared>>) target_semaphore(%run_scoped3A : memref<!tpu.dma_semaphore, #tpu.memory_space<semaphore_mem>>)
      %dma_wait3A = arith.constant 0 : i32
      %dma_wait3A_135 = tpu.memref_slice %arg7[%dma_wait3A] : memref<128xf32, #tpu.memory_space<vmem>> -> memref<128xf32, #tpu.memory_space<vmem>>
      %dma_wait3A_136 = tpu.memref_slice %arg8[%add3A_58] : memref<10112xf32, #tpu.memory_space<vmem_shared>> -> memref<128xf32, #tpu.memory_space<vmem_shared>>
      %dma_wait3A_137 = tpu.memref_slice %arg8[%add3A_58] : memref<10112xf32, #tpu.memory_space<vmem_shared>> -> memref<128xf32, #tpu.memory_space<vmem_shared>>
      %dma_wait3A_138 = arith.constant 0 : i32
      %dma_wait3A_139 = tpu.memref_slice %arg7[%dma_wait3A_138] : memref<128xf32, #tpu.memory_space<vmem>> -> memref<128xf32, #tpu.memory_space<vmem>>
      tpu.wait_dma2 semaphore(%run_scoped3A : memref<!tpu.dma_semaphore, #tpu.memory_space<semaphore_mem>>) src(%dma_wait3A_139 : memref<128xf32, #tpu.memory_space<vmem>>) dst(%dma_wait3A_137 : memref<128xf32, #tpu.memory_space<vmem_shared>>)
      tpu.yield
    }) : () -> ()
    %mul3A_59 = arith.constant 632 : i32
    %mul3A_60 = arith.muli %arg1, %mul3A_59 : i32
    %add3A_61 = arith.constant 384 : i32
    %add3A_62 = arith.addi %mul3A_60, %add3A_61 : i32
    "tpu.region"() ({
      %run_scoped3A = tpu.sem_alloc : memref<!tpu.dma_semaphore, #tpu.memory_space<semaphore_mem>>
      %dma_start3A = arith.constant 0 : i32
      %dma_start3A_130 = tpu.memref_slice %arg7[%dma_start3A] : memref<128xf32, #tpu.memory_space<vmem>> -> memref<128xf32, #tpu.memory_space<vmem>>
      %dma_start3A_131 = tpu.memref_slice %arg8[%add3A_62] : memref<10112xf32, #tpu.memory_space<vmem_shared>> -> memref<128xf32, #tpu.memory_space<vmem_shared>>
      %dma_start3A_132 = tpu.memref_slice %arg8[%add3A_62] : memref<10112xf32, #tpu.memory_space<vmem_shared>> -> memref<128xf32, #tpu.memory_space<vmem_shared>>
      %dma_start3A_133 = arith.constant 0 : i32
      %dma_start3A_134 = tpu.memref_slice %arg7[%dma_start3A_133] : memref<128xf32, #tpu.memory_space<vmem>> -> memref<128xf32, #tpu.memory_space<vmem>>
      tpu.enqueue_dma source(%dma_start3A_134 : memref<128xf32, #tpu.memory_space<vmem>>) target(%dma_start3A_132 : memref<128xf32, #tpu.memory_space<vmem_shared>>) target_semaphore(%run_scoped3A : memref<!tpu.dma_semaphore, #tpu.memory_space<semaphore_mem>>)
      %dma_wait3A = arith.constant 0 : i32
      %dma_wait3A_135 = tpu.memref_slice %arg7[%dma_wait3A] : memref<128xf32, #tpu.memory_space<vmem>> -> memref<128xf32, #tpu.memory_space<vmem>>
      %dma_wait3A_136 = tpu.memref_slice %arg8[%add3A_62] : memref<10112xf32, #tpu.memory_space<vmem_shared>> -> memref<128xf32, #tpu.memory_space<vmem_shared>>
      %dma_wait3A_137 = tpu.memref_slice %arg8[%add3A_62] : memref<10112xf32, #tpu.memory_space<vmem_shared>> -> memref<128xf32, #tpu.memory_space<vmem_shared>>
      %dma_wait3A_138 = arith.constant 0 : i32
      %dma_wait3A_139 = tpu.memref_slice %arg7[%dma_wait3A_138] : memref<128xf32, #tpu.memory_space<vmem>> -> memref<128xf32, #tpu.memory_space<vmem>>
      tpu.wait_dma2 semaphore(%run_scoped3A : memref<!tpu.dma_semaphore, #tpu.memory_space<semaphore_mem>>) src(%dma_wait3A_139 : memref<128xf32, #tpu.memory_space<vmem>>) dst(%dma_wait3A_137 : memref<128xf32, #tpu.memory_space<vmem_shared>>)
      tpu.yield
    }) : () -> ()
    %mul3A_63 = arith.constant 632 : i32
    %mul3A_64 = arith.muli %arg1, %mul3A_63 : i32
    %add3A_65 = arith.constant 512 : i32
    %add3A_66 = arith.addi %mul3A_64, %add3A_65 : i32
    "tpu.region"() ({
      %run_scoped3A = tpu.sem_alloc : memref<!tpu.dma_semaphore, #tpu.memory_space<semaphore_mem>>
      %dma_start3A = arith.constant 0 : i32
      %dma_start3A_130 = tpu.memref_slice %arg7[%dma_start3A] : memref<128xf32, #tpu.memory_space<vmem>> -> memref<120xf32, #tpu.memory_space<vmem>>
      %dma_start3A_131 = tpu.memref_slice %arg8[%add3A_66] : memref<10112xf32, #tpu.memory_space<vmem_shared>> -> memref<120xf32, #tpu.memory_space<vmem_shared>>
      %dma_start3A_132 = tpu.memref_slice %arg8[%add3A_66] : memref<10112xf32, #tpu.memory_space<vmem_shared>> -> memref<120xf32, #tpu.memory_space<vmem_shared>>
      %dma_start3A_133 = arith.constant 0 : i32
      %dma_start3A_134 = tpu.memref_slice %arg7[%dma_start3A_133] : memref<128xf32, #tpu.memory_space<vmem>> -> memref<120xf32, #tpu.memory_space<vmem>>
      tpu.enqueue_dma source(%dma_start3A_134 : memref<120xf32, #tpu.memory_space<vmem>>) target(%dma_start3A_132 : memref<120xf32, #tpu.memory_space<vmem_shared>>) target_semaphore(%run_scoped3A : memref<!tpu.dma_semaphore, #tpu.memory_space<semaphore_mem>>)
      %dma_wait3A = arith.constant 0 : i32
      %dma_wait3A_135 = tpu.memref_slice %arg7[%dma_wait3A] : memref<128xf32, #tpu.memory_space<vmem>> -> memref<120xf32, #tpu.memory_space<vmem>>
      %dma_wait3A_136 = tpu.memref_slice %arg8[%add3A_66] : memref<10112xf32, #tpu.memory_space<vmem_shared>> -> memref<120xf32, #tpu.memory_space<vmem_shared>>
      %dma_wait3A_137 = tpu.memref_slice %arg8[%add3A_66] : memref<10112xf32, #tpu.memory_space<vmem_shared>> -> memref<120xf32, #tpu.memory_space<vmem_shared>>
      %dma_wait3A_138 = arith.constant 0 : i32
      %dma_wait3A_139 = tpu.memref_slice %arg7[%dma_wait3A_138] : memref<128xf32, #tpu.memory_space<vmem>> -> memref<120xf32, #tpu.memory_space<vmem>>
      tpu.wait_dma2 semaphore(%run_scoped3A : memref<!tpu.dma_semaphore, #tpu.memory_space<semaphore_mem>>) src(%dma_wait3A_139 : memref<120xf32, #tpu.memory_space<vmem>>) dst(%dma_wait3A_137 : memref<120xf32, #tpu.memory_space<vmem_shared>>)
      tpu.yield
    }) : () -> ()
    %mul3A_67 = arith.constant 80 : i32
    %mul3A_68 = arith.muli %add3A, %mul3A_67 : i32
    "tpu.region"() ({
      %run_scoped3A = tpu.sem_alloc : memref<!tpu.dma_semaphore, #tpu.memory_space<semaphore_mem>>
      %dma_start3A = arith.constant 0 : i32
      %dma_start3A_130 = tpu.memref_slice %arg2[%mul3A_68, %dma_start3A] : memref<2560x128xi32, #tpu.memory_space<hbm>> -> memref<80x128xi32, #tpu.memory_space<hbm>>
      %dma_start3A_131 = arith.constant 0 : i32
      %dma_start3A_132 = tpu.memref_slice %arg2[%mul3A_68, %dma_start3A_131] : memref<2560x128xi32, #tpu.memory_space<hbm>> -> memref<80x128xi32, #tpu.memory_space<hbm>>
      tpu.enqueue_dma source(%dma_start3A_132 : memref<80x128xi32, #tpu.memory_space<hbm>>) target(%arg5 : memref<80x128xi32, #tpu.memory_space<vmem>>) target_semaphore(%run_scoped3A : memref<!tpu.dma_semaphore, #tpu.memory_space<semaphore_mem>>)
      %dma_wait3A = arith.constant 0 : i32
      %dma_wait3A_133 = tpu.memref_slice %arg2[%mul3A_68, %dma_wait3A] : memref<2560x128xi32, #tpu.memory_space<hbm>> -> memref<80x128xi32, #tpu.memory_space<hbm>>
      %dma_wait3A_134 = arith.constant 0 : i32
      %dma_wait3A_135 = tpu.memref_slice %arg2[%mul3A_68, %dma_wait3A_134] : memref<2560x128xi32, #tpu.memory_space<hbm>> -> memref<80x128xi32, #tpu.memory_space<hbm>>
      tpu.wait_dma2 semaphore(%run_scoped3A : memref<!tpu.dma_semaphore, #tpu.memory_space<semaphore_mem>>) src(%dma_wait3A_135 : memref<80x128xi32, #tpu.memory_space<hbm>>) dst(%arg5 : memref<80x128xi32, #tpu.memory_space<vmem>>)
      tpu.yield
    }) : () -> ()
    %barrier3A = arith.constant 0 : index
    tpu.barrier barrier_id(%barrier3A)
    %scan3A = arith.constant 0 : i32
    %scan3A_69 = arith.constant 0 : i32
    %scan3A_70 = arith.constant 10 : i32
    %scan3A_71 = arith.addi %scan3A_69, %scan3A_70 : i32
    %scan3A_72 = arith.constant 1 : i32
    scf.for %scan3A_130 = %scan3A_69 to %scan3A_71 step %scan3A_72  : i32 {
      %mul3A_131 = arith.constant 8 : i32
      %mul3A_132 = arith.muli %mul3A_131, %scan3A_130 : i32
      %add3A_133 = arith.constant 0 : i32
      %add3A_134 = arith.addi %mul3A_132, %add3A_133 : i32
      %dma_start3A = arith.constant 0 : i32
      %dma_start3A_135 = tpu.memref_slice %arg5[%add3A_134, %dma_start3A] : memref<80x128xi32, #tpu.memory_space<vmem>> -> memref<1x128xi32, #tpu.memory_space<vmem>>
      %dma_start3A_136 = tpu.memref_squeeze %dma_start3A_135 : memref<1x128xi32, #tpu.memory_space<vmem>> -> memref<128xi32, #tpu.memory_space<vmem>>
      %dma_start3A_137 = arith.constant 0 : i32
      %dma_start3A_138 = tpu.memref_slice %arg8[%dma_start3A_137] : memref<10112xf32, #tpu.memory_space<vmem_shared>> -> memref<10112xf32, #tpu.memory_space<vmem_shared>>
      tpu.enqueue_indirect_dma source(%arg6 : memref<128xf32, #tpu.memory_space<vmem>>) target(%dma_start3A_138 : memref<10112xf32, #tpu.memory_space<vmem_shared>>) offsets(%dma_start3A_136 : memref<128xi32, #tpu.memory_space<vmem>>) semaphore(%arg9 : memref<!tpu.dma_semaphore, #tpu.memory_space<semaphore_mem>>) {add = true}
      %mul3A_139 = arith.constant 8 : i32
      %mul3A_140 = arith.muli %mul3A_139, %scan3A_130 : i32
      %add3A_141 = arith.constant 1 : i32
      %add3A_142 = arith.addi %mul3A_140, %add3A_141 : i32
      %dma_start3A_143 = arith.constant 0 : i32
      %dma_start3A_144 = tpu.memref_slice %arg5[%add3A_142, %dma_start3A_143] : memref<80x128xi32, #tpu.memory_space<vmem>> -> memref<1x128xi32, #tpu.memory_space<vmem>>
      %dma_start3A_145 = tpu.memref_squeeze %dma_start3A_144 : memref<1x128xi32, #tpu.memory_space<vmem>> -> memref<128xi32, #tpu.memory_space<vmem>>
      %dma_start3A_146 = arith.constant 0 : i32
      %dma_start3A_147 = tpu.memref_slice %arg8[%dma_start3A_146] : memref<10112xf32, #tpu.memory_space<vmem_shared>> -> memref<10112xf32, #tpu.memory_space<vmem_shared>>
      tpu.enqueue_indirect_dma source(%arg6 : memref<128xf32, #tpu.memory_space<vmem>>) target(%dma_start3A_147 : memref<10112xf32, #tpu.memory_space<vmem_shared>>) offsets(%dma_start3A_145 : memref<128xi32, #tpu.memory_space<vmem>>) semaphore(%arg10 : memref<!tpu.dma_semaphore, #tpu.memory_space<semaphore_mem>>) {add = true}
      %mul3A_148 = arith.constant 8 : i32
      %mul3A_149 = arith.muli %mul3A_148, %scan3A_130 : i32
      %add3A_150 = arith.constant 2 : i32
      %add3A_151 = arith.addi %mul3A_149, %add3A_150 : i32
      %dma_start3A_152 = arith.constant 0 : i32
      %dma_start3A_153 = tpu.memref_slice %arg5[%add3A_151, %dma_start3A_152] : memref<80x128xi32, #tpu.memory_space<vmem>> -> memref<1x128xi32, #tpu.memory_space<vmem>>
      %dma_start3A_154 = tpu.memref_squeeze %dma_start3A_153 : memref<1x128xi32, #tpu.memory_space<vmem>> -> memref<128xi32, #tpu.memory_space<vmem>>
      %dma_start3A_155 = arith.constant 0 : i32
      %dma_start3A_156 = tpu.memref_slice %arg8[%dma_start3A_155] : memref<10112xf32, #tpu.memory_space<vmem_shared>> -> memref<10112xf32, #tpu.memory_space<vmem_shared>>
      tpu.enqueue_indirect_dma source(%arg6 : memref<128xf32, #tpu.memory_space<vmem>>) target(%dma_start3A_156 : memref<10112xf32, #tpu.memory_space<vmem_shared>>) offsets(%dma_start3A_154 : memref<128xi32, #tpu.memory_space<vmem>>) semaphore(%arg9 : memref<!tpu.dma_semaphore, #tpu.memory_space<semaphore_mem>>) {add = true}
      %mul3A_157 = arith.constant 8 : i32
      %mul3A_158 = arith.muli %mul3A_157, %scan3A_130 : i32
      %add3A_159 = arith.constant 3 : i32
      %add3A_160 = arith.addi %mul3A_158, %add3A_159 : i32
      %dma_start3A_161 = arith.constant 0 : i32
      %dma_start3A_162 = tpu.memref_slice %arg5[%add3A_160, %dma_start3A_161] : memref<80x128xi32, #tpu.memory_space<vmem>> -> memref<1x128xi32, #tpu.memory_space<vmem>>
      %dma_start3A_163 = tpu.memref_squeeze %dma_start3A_162 : memref<1x128xi32, #tpu.memory_space<vmem>> -> memref<128xi32, #tpu.memory_space<vmem>>
      %dma_start3A_164 = arith.constant 0 : i32
      %dma_start3A_165 = tpu.memref_slice %arg8[%dma_start3A_164] : memref<10112xf32, #tpu.memory_space<vmem_shared>> -> memref<10112xf32, #tpu.memory_space<vmem_shared>>
      tpu.enqueue_indirect_dma source(%arg6 : memref<128xf32, #tpu.memory_space<vmem>>) target(%dma_start3A_165 : memref<10112xf32, #tpu.memory_space<vmem_shared>>) offsets(%dma_start3A_163 : memref<128xi32, #tpu.memory_space<vmem>>) semaphore(%arg10 : memref<!tpu.dma_semaphore, #tpu.memory_space<semaphore_mem>>) {add = true}
      %mul3A_166 = arith.constant 8 : i32
      %mul3A_167 = arith.muli %mul3A_166, %scan3A_130 : i32
      %add3A_168 = arith.constant 4 : i32
      %add3A_169 = arith.addi %mul3A_167, %add3A_168 : i32
      %dma_start3A_170 = arith.constant 0 : i32
      %dma_start3A_171 = tpu.memref_slice %arg5[%add3A_169, %dma_start3A_170] : memref<80x128xi32, #tpu.memory_space<vmem>> -> memref<1x128xi32, #tpu.memory_space<vmem>>
      %dma_start3A_172 = tpu.memref_squeeze %dma_start3A_171 : memref<1x128xi32, #tpu.memory_space<vmem>> -> memref<128xi32, #tpu.memory_space<vmem>>
      %dma_start3A_173 = arith.constant 0 : i32
      %dma_start3A_174 = tpu.memref_slice %arg8[%dma_start3A_173] : memref<10112xf32, #tpu.memory_space<vmem_shared>> -> memref<10112xf32, #tpu.memory_space<vmem_shared>>
      tpu.enqueue_indirect_dma source(%arg6 : memref<128xf32, #tpu.memory_space<vmem>>) target(%dma_start3A_174 : memref<10112xf32, #tpu.memory_space<vmem_shared>>) offsets(%dma_start3A_172 : memref<128xi32, #tpu.memory_space<vmem>>) semaphore(%arg9 : memref<!tpu.dma_semaphore, #tpu.memory_space<semaphore_mem>>) {add = true}
      %mul3A_175 = arith.constant 8 : i32
      %mul3A_176 = arith.muli %mul3A_175, %scan3A_130 : i32
      %add3A_177 = arith.constant 5 : i32
      %add3A_178 = arith.addi %mul3A_176, %add3A_177 : i32
      %dma_start3A_179 = arith.constant 0 : i32
      %dma_start3A_180 = tpu.memref_slice %arg5[%add3A_178, %dma_start3A_179] : memref<80x128xi32, #tpu.memory_space<vmem>> -> memref<1x128xi32, #tpu.memory_space<vmem>>
      %dma_start3A_181 = tpu.memref_squeeze %dma_start3A_180 : memref<1x128xi32, #tpu.memory_space<vmem>> -> memref<128xi32, #tpu.memory_space<vmem>>
      %dma_start3A_182 = arith.constant 0 : i32
      %dma_start3A_183 = tpu.memref_slice %arg8[%dma_start3A_182] : memref<10112xf32, #tpu.memory_space<vmem_shared>> -> memref<10112xf32, #tpu.memory_space<vmem_shared>>
      tpu.enqueue_indirect_dma source(%arg6 : memref<128xf32, #tpu.memory_space<vmem>>) target(%dma_start3A_183 : memref<10112xf32, #tpu.memory_space<vmem_shared>>) offsets(%dma_start3A_181 : memref<128xi32, #tpu.memory_space<vmem>>) semaphore(%arg10 : memref<!tpu.dma_semaphore, #tpu.memory_space<semaphore_mem>>) {add = true}
      %mul3A_184 = arith.constant 8 : i32
      %mul3A_185 = arith.muli %mul3A_184, %scan3A_130 : i32
      %add3A_186 = arith.constant 6 : i32
      %add3A_187 = arith.addi %mul3A_185, %add3A_186 : i32
      %dma_start3A_188 = arith.constant 0 : i32
      %dma_start3A_189 = tpu.memref_slice %arg5[%add3A_187, %dma_start3A_188] : memref<80x128xi32, #tpu.memory_space<vmem>> -> memref<1x128xi32, #tpu.memory_space<vmem>>
      %dma_start3A_190 = tpu.memref_squeeze %dma_start3A_189 : memref<1x128xi32, #tpu.memory_space<vmem>> -> memref<128xi32, #tpu.memory_space<vmem>>
      %dma_start3A_191 = arith.constant 0 : i32
      %dma_start3A_192 = tpu.memref_slice %arg8[%dma_start3A_191] : memref<10112xf32, #tpu.memory_space<vmem_shared>> -> memref<10112xf32, #tpu.memory_space<vmem_shared>>
      tpu.enqueue_indirect_dma source(%arg6 : memref<128xf32, #tpu.memory_space<vmem>>) target(%dma_start3A_192 : memref<10112xf32, #tpu.memory_space<vmem_shared>>) offsets(%dma_start3A_190 : memref<128xi32, #tpu.memory_space<vmem>>) semaphore(%arg9 : memref<!tpu.dma_semaphore, #tpu.memory_space<semaphore_mem>>) {add = true}
      %mul3A_193 = arith.constant 8 : i32
      %mul3A_194 = arith.muli %mul3A_193, %scan3A_130 : i32
      %add3A_195 = arith.constant 7 : i32
      %add3A_196 = arith.addi %mul3A_194, %add3A_195 : i32
      %dma_start3A_197 = arith.constant 0 : i32
      %dma_start3A_198 = tpu.memref_slice %arg5[%add3A_196, %dma_start3A_197] : memref<80x128xi32, #tpu.memory_space<vmem>> -> memref<1x128xi32, #tpu.memory_space<vmem>>
      %dma_start3A_199 = tpu.memref_squeeze %dma_start3A_198 : memref<1x128xi32, #tpu.memory_space<vmem>> -> memref<128xi32, #tpu.memory_space<vmem>>
      %dma_start3A_200 = arith.constant 0 : i32
      %dma_start3A_201 = tpu.memref_slice %arg8[%dma_start3A_200] : memref<10112xf32, #tpu.memory_space<vmem_shared>> -> memref<10112xf32, #tpu.memory_space<vmem_shared>>
      tpu.enqueue_indirect_dma source(%arg6 : memref<128xf32, #tpu.memory_space<vmem>>) target(%dma_start3A_201 : memref<10112xf32, #tpu.memory_space<vmem_shared>>) offsets(%dma_start3A_199 : memref<128xi32, #tpu.memory_space<vmem>>) semaphore(%arg10 : memref<!tpu.dma_semaphore, #tpu.memory_space<semaphore_mem>>) {add = true}
      %dma_wait3A = arith.constant 0 : i32
      %dma_wait3A_202 = tpu.memref_slice %arg5[%add3A_134, %dma_wait3A] : memref<80x128xi32, #tpu.memory_space<vmem>> -> memref<1x128xi32, #tpu.memory_space<vmem>>
      %dma_wait3A_203 = tpu.memref_squeeze %dma_wait3A_202 : memref<1x128xi32, #tpu.memory_space<vmem>> -> memref<128xi32, #tpu.memory_space<vmem>>
      %dma_wait3A_204 = arith.constant 0 : i32
      %dma_wait3A_205 = tpu.memref_slice %arg8[%dma_wait3A_204] : memref<10112xf32, #tpu.memory_space<vmem_shared>> -> memref<10112xf32, #tpu.memory_space<vmem_shared>>
      tpu.wait_indirect_dma semaphore(%arg9 : memref<!tpu.dma_semaphore, #tpu.memory_space<semaphore_mem>>) src(%arg6 : memref<128xf32, #tpu.memory_space<vmem>>) dst(%dma_wait3A_205 : memref<10112xf32, #tpu.memory_space<vmem_shared>>)
      %dma_wait3A_206 = arith.constant 0 : i32
      %dma_wait3A_207 = tpu.memref_slice %arg5[%add3A_142, %dma_wait3A_206] : memref<80x128xi32, #tpu.memory_space<vmem>> -> memref<1x128xi32, #tpu.memory_space<vmem>>
      %dma_wait3A_208 = tpu.memref_squeeze %dma_wait3A_207 : memref<1x128xi32, #tpu.memory_space<vmem>> -> memref<128xi32, #tpu.memory_space<vmem>>
      %dma_wait3A_209 = arith.constant 0 : i32
      %dma_wait3A_210 = tpu.memref_slice %arg8[%dma_wait3A_209] : memref<10112xf32, #tpu.memory_space<vmem_shared>> -> memref<10112xf32, #tpu.memory_space<vmem_shared>>
      tpu.wait_indirect_dma semaphore(%arg10 : memref<!tpu.dma_semaphore, #tpu.memory_space<semaphore_mem>>) src(%arg6 : memref<128xf32, #tpu.memory_space<vmem>>) dst(%dma_wait3A_210 : memref<10112xf32, #tpu.memory_space<vmem_shared>>)
      %dma_wait3A_211 = arith.constant 0 : i32
      %dma_wait3A_212 = tpu.memref_slice %arg5[%add3A_151, %dma_wait3A_211] : memref<80x128xi32, #tpu.memory_space<vmem>> -> memref<1x128xi32, #tpu.memory_space<vmem>>
      %dma_wait3A_213 = tpu.memref_squeeze %dma_wait3A_212 : memref<1x128xi32, #tpu.memory_space<vmem>> -> memref<128xi32, #tpu.memory_space<vmem>>
      %dma_wait3A_214 = arith.constant 0 : i32
      %dma_wait3A_215 = tpu.memref_slice %arg8[%dma_wait3A_214] : memref<10112xf32, #tpu.memory_space<vmem_shared>> -> memref<10112xf32, #tpu.memory_space<vmem_shared>>
      tpu.wait_indirect_dma semaphore(%arg9 : memref<!tpu.dma_semaphore, #tpu.memory_space<semaphore_mem>>) src(%arg6 : memref<128xf32, #tpu.memory_space<vmem>>) dst(%dma_wait3A_215 : memref<10112xf32, #tpu.memory_space<vmem_shared>>)
      %dma_wait3A_216 = arith.constant 0 : i32
      %dma_wait3A_217 = tpu.memref_slice %arg5[%add3A_160, %dma_wait3A_216] : memref<80x128xi32, #tpu.memory_space<vmem>> -> memref<1x128xi32, #tpu.memory_space<vmem>>
      %dma_wait3A_218 = tpu.memref_squeeze %dma_wait3A_217 : memref<1x128xi32, #tpu.memory_space<vmem>> -> memref<128xi32, #tpu.memory_space<vmem>>
      %dma_wait3A_219 = arith.constant 0 : i32
      %dma_wait3A_220 = tpu.memref_slice %arg8[%dma_wait3A_219] : memref<10112xf32, #tpu.memory_space<vmem_shared>> -> memref<10112xf32, #tpu.memory_space<vmem_shared>>
      tpu.wait_indirect_dma semaphore(%arg10 : memref<!tpu.dma_semaphore, #tpu.memory_space<semaphore_mem>>) src(%arg6 : memref<128xf32, #tpu.memory_space<vmem>>) dst(%dma_wait3A_220 : memref<10112xf32, #tpu.memory_space<vmem_shared>>)
      %dma_wait3A_221 = arith.constant 0 : i32
      %dma_wait3A_222 = tpu.memref_slice %arg5[%add3A_169, %dma_wait3A_221] : memref<80x128xi32, #tpu.memory_space<vmem>> -> memref<1x128xi32, #tpu.memory_space<vmem>>
      %dma_wait3A_223 = tpu.memref_squeeze %dma_wait3A_222 : memref<1x128xi32, #tpu.memory_space<vmem>> -> memref<128xi32, #tpu.memory_space<vmem>>
      %dma_wait3A_224 = arith.constant 0 : i32
      %dma_wait3A_225 = tpu.memref_slice %arg8[%dma_wait3A_224] : memref<10112xf32, #tpu.memory_space<vmem_shared>> -> memref<10112xf32, #tpu.memory_space<vmem_shared>>
      tpu.wait_indirect_dma semaphore(%arg9 : memref<!tpu.dma_semaphore, #tpu.memory_space<semaphore_mem>>) src(%arg6 : memref<128xf32, #tpu.memory_space<vmem>>) dst(%dma_wait3A_225 : memref<10112xf32, #tpu.memory_space<vmem_shared>>)
      %dma_wait3A_226 = arith.constant 0 : i32
      %dma_wait3A_227 = tpu.memref_slice %arg5[%add3A_178, %dma_wait3A_226] : memref<80x128xi32, #tpu.memory_space<vmem>> -> memref<1x128xi32, #tpu.memory_space<vmem>>
      %dma_wait3A_228 = tpu.memref_squeeze %dma_wait3A_227 : memref<1x128xi32, #tpu.memory_space<vmem>> -> memref<128xi32, #tpu.memory_space<vmem>>
      %dma_wait3A_229 = arith.constant 0 : i32
      %dma_wait3A_230 = tpu.memref_slice %arg8[%dma_wait3A_229] : memref<10112xf32, #tpu.memory_space<vmem_shared>> -> memref<10112xf32, #tpu.memory_space<vmem_shared>>
      tpu.wait_indirect_dma semaphore(%arg10 : memref<!tpu.dma_semaphore, #tpu.memory_space<semaphore_mem>>) src(%arg6 : memref<128xf32, #tpu.memory_space<vmem>>) dst(%dma_wait3A_230 : memref<10112xf32, #tpu.memory_space<vmem_shared>>)
      %dma_wait3A_231 = arith.constant 0 : i32
      %dma_wait3A_232 = tpu.memref_slice %arg5[%add3A_187, %dma_wait3A_231] : memref<80x128xi32, #tpu.memory_space<vmem>> -> memref<1x128xi32, #tpu.memory_space<vmem>>
      %dma_wait3A_233 = tpu.memref_squeeze %dma_wait3A_232 : memref<1x128xi32, #tpu.memory_space<vmem>> -> memref<128xi32, #tpu.memory_space<vmem>>
      %dma_wait3A_234 = arith.constant 0 : i32
      %dma_wait3A_235 = tpu.memref_slice %arg8[%dma_wait3A_234] : memref<10112xf32, #tpu.memory_space<vmem_shared>> -> memref<10112xf32, #tpu.memory_space<vmem_shared>>
      tpu.wait_indirect_dma semaphore(%arg9 : memref<!tpu.dma_semaphore, #tpu.memory_space<semaphore_mem>>) src(%arg6 : memref<128xf32, #tpu.memory_space<vmem>>) dst(%dma_wait3A_235 : memref<10112xf32, #tpu.memory_space<vmem_shared>>)
      %dma_wait3A_236 = arith.constant 0 : i32
      %dma_wait3A_237 = tpu.memref_slice %arg5[%add3A_196, %dma_wait3A_236] : memref<80x128xi32, #tpu.memory_space<vmem>> -> memref<1x128xi32, #tpu.memory_space<vmem>>
      %dma_wait3A_238 = tpu.memref_squeeze %dma_wait3A_237 : memref<1x128xi32, #tpu.memory_space<vmem>> -> memref<128xi32, #tpu.memory_space<vmem>>
      %dma_wait3A_239 = arith.constant 0 : i32
      %dma_wait3A_240 = tpu.memref_slice %arg8[%dma_wait3A_239] : memref<10112xf32, #tpu.memory_space<vmem_shared>> -> memref<10112xf32, #tpu.memory_space<vmem_shared>>
      tpu.wait_indirect_dma semaphore(%arg10 : memref<!tpu.dma_semaphore, #tpu.memory_space<semaphore_mem>>) src(%arg6 : memref<128xf32, #tpu.memory_space<vmem>>) dst(%dma_wait3A_240 : memref<10112xf32, #tpu.memory_space<vmem_shared>>)
    }
    %scan3A_73 = arith.constant 10 : i32
    %barrier3A_74 = arith.constant 0 : index
    tpu.barrier barrier_id(%barrier3A_74)
    %mul3A_75 = arith.constant 632 : i32
    %mul3A_76 = arith.muli %arg1, %mul3A_75 : i32
    %add3A_77 = arith.constant 0 : i32
    %add3A_78 = arith.addi %mul3A_76, %add3A_77 : i32
    "tpu.region"() ({
      %run_scoped3A = tpu.sem_alloc : memref<!tpu.dma_semaphore, #tpu.memory_space<semaphore_mem>>
      %dma_start3A = arith.constant 0 : i32
      %dma_start3A_130 = tpu.memref_slice %arg7[%dma_start3A] : memref<128xf32, #tpu.memory_space<vmem>> -> memref<128xf32, #tpu.memory_space<vmem>>
      %dma_start3A_131 = tpu.memref_slice %arg8[%add3A_78] : memref<10112xf32, #tpu.memory_space<vmem_shared>> -> memref<128xf32, #tpu.memory_space<vmem_shared>>
      %dma_start3A_132 = arith.constant 0 : i32
      %dma_start3A_133 = tpu.memref_slice %arg7[%dma_start3A_132] : memref<128xf32, #tpu.memory_space<vmem>> -> memref<128xf32, #tpu.memory_space<vmem>>
      %dma_start3A_134 = tpu.memref_slice %arg8[%add3A_78] : memref<10112xf32, #tpu.memory_space<vmem_shared>> -> memref<128xf32, #tpu.memory_space<vmem_shared>>
      tpu.enqueue_dma source(%dma_start3A_134 : memref<128xf32, #tpu.memory_space<vmem_shared>>) target(%dma_start3A_133 : memref<128xf32, #tpu.memory_space<vmem>>) target_semaphore(%run_scoped3A : memref<!tpu.dma_semaphore, #tpu.memory_space<semaphore_mem>>)
      %dma_wait3A = arith.constant 0 : i32
      %dma_wait3A_135 = tpu.memref_slice %arg7[%dma_wait3A] : memref<128xf32, #tpu.memory_space<vmem>> -> memref<128xf32, #tpu.memory_space<vmem>>
      %dma_wait3A_136 = tpu.memref_slice %arg8[%add3A_78] : memref<10112xf32, #tpu.memory_space<vmem_shared>> -> memref<128xf32, #tpu.memory_space<vmem_shared>>
      %dma_wait3A_137 = arith.constant 0 : i32
      %dma_wait3A_138 = tpu.memref_slice %arg7[%dma_wait3A_137] : memref<128xf32, #tpu.memory_space<vmem>> -> memref<128xf32, #tpu.memory_space<vmem>>
      %dma_wait3A_139 = tpu.memref_slice %arg8[%add3A_78] : memref<10112xf32, #tpu.memory_space<vmem_shared>> -> memref<128xf32, #tpu.memory_space<vmem_shared>>
      tpu.wait_dma2 semaphore(%run_scoped3A : memref<!tpu.dma_semaphore, #tpu.memory_space<semaphore_mem>>) src(%dma_wait3A_139 : memref<128xf32, #tpu.memory_space<vmem_shared>>) dst(%dma_wait3A_138 : memref<128xf32, #tpu.memory_space<vmem>>)
      tpu.yield
    }) : () -> ()
    %mul3A_79 = arith.constant 10112 : i32
    %mul3A_80 = arith.muli %arg0, %mul3A_79 : i32
    %mul3A_81 = arith.constant 632 : i32
    %mul3A_82 = arith.muli %arg1, %mul3A_81 : i32
    %add3A_83 = arith.addi %mul3A_80, %mul3A_82 : i32
    %add3A_84 = arith.constant 0 : i32
    %add3A_85 = arith.addi %add3A_83, %add3A_84 : i32
    "tpu.region"() ({
      %run_scoped3A = tpu.sem_alloc : memref<!tpu.dma_semaphore, #tpu.memory_space<semaphore_mem>>
      %dma_start3A = arith.constant 0 : i32
      %dma_start3A_130 = tpu.memref_slice %arg7[%dma_start3A] : memref<128xf32, #tpu.memory_space<vmem>> -> memref<128xf32, #tpu.memory_space<vmem>>
      %dma_start3A_131 = tpu.memref_slice %arg4[%add3A_85] : memref<20224xf32, #tpu.memory_space<hbm>> -> memref<128xf32, #tpu.memory_space<hbm>>
      %dma_start3A_132 = tpu.memref_slice %arg4[%add3A_85] : memref<20224xf32, #tpu.memory_space<hbm>> -> memref<128xf32, #tpu.memory_space<hbm>>
      %dma_start3A_133 = arith.constant 0 : i32
      %dma_start3A_134 = tpu.memref_slice %arg7[%dma_start3A_133] : memref<128xf32, #tpu.memory_space<vmem>> -> memref<128xf32, #tpu.memory_space<vmem>>
      tpu.enqueue_dma source(%dma_start3A_134 : memref<128xf32, #tpu.memory_space<vmem>>) target(%dma_start3A_132 : memref<128xf32, #tpu.memory_space<hbm>>) target_semaphore(%run_scoped3A : memref<!tpu.dma_semaphore, #tpu.memory_space<semaphore_mem>>)
      %dma_wait3A = arith.constant 0 : i32
      %dma_wait3A_135 = tpu.memref_slice %arg7[%dma_wait3A] : memref<128xf32, #tpu.memory_space<vmem>> -> memref<128xf32, #tpu.memory_space<vmem>>
      %dma_wait3A_136 = tpu.memref_slice %arg4[%add3A_85] : memref<20224xf32, #tpu.memory_space<hbm>> -> memref<128xf32, #tpu.memory_space<hbm>>
      %dma_wait3A_137 = tpu.memref_slice %arg4[%add3A_85] : memref<20224xf32, #tpu.memory_space<hbm>> -> memref<128xf32, #tpu.memory_space<hbm>>
      %dma_wait3A_138 = arith.constant 0 : i32
      %dma_wait3A_139 = tpu.memref_slice %arg7[%dma_wait3A_138] : memref<128xf32, #tpu.memory_space<vmem>> -> memref<128xf32, #tpu.memory_space<vmem>>
      tpu.wait_dma2 semaphore(%run_scoped3A : memref<!tpu.dma_semaphore, #tpu.memory_space<semaphore_mem>>) src(%dma_wait3A_139 : memref<128xf32, #tpu.memory_space<vmem>>) dst(%dma_wait3A_137 : memref<128xf32, #tpu.memory_space<hbm>>)
      tpu.yield
    }) : () -> ()
    %mul3A_86 = arith.constant 632 : i32
    %mul3A_87 = arith.muli %arg1, %mul3A_86 : i32
    %add3A_88 = arith.constant 128 : i32
    %add3A_89 = arith.addi %mul3A_87, %add3A_88 : i32
    "tpu.region"() ({
      %run_scoped3A = tpu.sem_alloc : memref<!tpu.dma_semaphore, #tpu.memory_space<semaphore_mem>>
      %dma_start3A = arith.constant 0 : i32
      %dma_start3A_130 = tpu.memref_slice %arg7[%dma_start3A] : memref<128xf32, #tpu.memory_space<vmem>> -> memref<128xf32, #tpu.memory_space<vmem>>
      %dma_start3A_131 = tpu.memref_slice %arg8[%add3A_89] : memref<10112xf32, #tpu.memory_space<vmem_shared>> -> memref<128xf32, #tpu.memory_space<vmem_shared>>
      %dma_start3A_132 = arith.constant 0 : i32
      %dma_start3A_133 = tpu.memref_slice %arg7[%dma_start3A_132] : memref<128xf32, #tpu.memory_space<vmem>> -> memref<128xf32, #tpu.memory_space<vmem>>
      %dma_start3A_134 = tpu.memref_slice %arg8[%add3A_89] : memref<10112xf32, #tpu.memory_space<vmem_shared>> -> memref<128xf32, #tpu.memory_space<vmem_shared>>
      tpu.enqueue_dma source(%dma_start3A_134 : memref<128xf32, #tpu.memory_space<vmem_shared>>) target(%dma_start3A_133 : memref<128xf32, #tpu.memory_space<vmem>>) target_semaphore(%run_scoped3A : memref<!tpu.dma_semaphore, #tpu.memory_space<semaphore_mem>>)
      %dma_wait3A = arith.constant 0 : i32
      %dma_wait3A_135 = tpu.memref_slice %arg7[%dma_wait3A] : memref<128xf32, #tpu.memory_space<vmem>> -> memref<128xf32, #tpu.memory_space<vmem>>
      %dma_wait3A_136 = tpu.memref_slice %arg8[%add3A_89] : memref<10112xf32, #tpu.memory_space<vmem_shared>> -> memref<128xf32, #tpu.memory_space<vmem_shared>>
      %dma_wait3A_137 = arith.constant 0 : i32
      %dma_wait3A_138 = tpu.memref_slice %arg7[%dma_wait3A_137] : memref<128xf32, #tpu.memory_space<vmem>> -> memref<128xf32, #tpu.memory_space<vmem>>
      %dma_wait3A_139 = tpu.memref_slice %arg8[%add3A_89] : memref<10112xf32, #tpu.memory_space<vmem_shared>> -> memref<128xf32, #tpu.memory_space<vmem_shared>>
      tpu.wait_dma2 semaphore(%run_scoped3A : memref<!tpu.dma_semaphore, #tpu.memory_space<semaphore_mem>>) src(%dma_wait3A_139 : memref<128xf32, #tpu.memory_space<vmem_shared>>) dst(%dma_wait3A_138 : memref<128xf32, #tpu.memory_space<vmem>>)
      tpu.yield
    }) : () -> ()
    %mul3A_90 = arith.constant 10112 : i32
    %mul3A_91 = arith.muli %arg0, %mul3A_90 : i32
    %mul3A_92 = arith.constant 632 : i32
    %mul3A_93 = arith.muli %arg1, %mul3A_92 : i32
    %add3A_94 = arith.addi %mul3A_91, %mul3A_93 : i32
    %add3A_95 = arith.constant 128 : i32
    %add3A_96 = arith.addi %add3A_94, %add3A_95 : i32
    "tpu.region"() ({
      %run_scoped3A = tpu.sem_alloc : memref<!tpu.dma_semaphore, #tpu.memory_space<semaphore_mem>>
      %dma_start3A = arith.constant 0 : i32
      %dma_start3A_130 = tpu.memref_slice %arg7[%dma_start3A] : memref<128xf32, #tpu.memory_space<vmem>> -> memref<128xf32, #tpu.memory_space<vmem>>
      %dma_start3A_131 = tpu.memref_slice %arg4[%add3A_96] : memref<20224xf32, #tpu.memory_space<hbm>> -> memref<128xf32, #tpu.memory_space<hbm>>
      %dma_start3A_132 = tpu.memref_slice %arg4[%add3A_96] : memref<20224xf32, #tpu.memory_space<hbm>> -> memref<128xf32, #tpu.memory_space<hbm>>
      %dma_start3A_133 = arith.constant 0 : i32
      %dma_start3A_134 = tpu.memref_slice %arg7[%dma_start3A_133] : memref<128xf32, #tpu.memory_space<vmem>> -> memref<128xf32, #tpu.memory_space<vmem>>
      tpu.enqueue_dma source(%dma_start3A_134 : memref<128xf32, #tpu.memory_space<vmem>>) target(%dma_start3A_132 : memref<128xf32, #tpu.memory_space<hbm>>) target_semaphore(%run_scoped3A : memref<!tpu.dma_semaphore, #tpu.memory_space<semaphore_mem>>)
      %dma_wait3A = arith.constant 0 : i32
      %dma_wait3A_135 = tpu.memref_slice %arg7[%dma_wait3A] : memref<128xf32, #tpu.memory_space<vmem>> -> memref<128xf32, #tpu.memory_space<vmem>>
      %dma_wait3A_136 = tpu.memref_slice %arg4[%add3A_96] : memref<20224xf32, #tpu.memory_space<hbm>> -> memref<128xf32, #tpu.memory_space<hbm>>
      %dma_wait3A_137 = tpu.memref_slice %arg4[%add3A_96] : memref<20224xf32, #tpu.memory_space<hbm>> -> memref<128xf32, #tpu.memory_space<hbm>>
      %dma_wait3A_138 = arith.constant 0 : i32
      %dma_wait3A_139 = tpu.memref_slice %arg7[%dma_wait3A_138] : memref<128xf32, #tpu.memory_space<vmem>> -> memref<128xf32, #tpu.memory_space<vmem>>
      tpu.wait_dma2 semaphore(%run_scoped3A : memref<!tpu.dma_semaphore, #tpu.memory_space<semaphore_mem>>) src(%dma_wait3A_139 : memref<128xf32, #tpu.memory_space<vmem>>) dst(%dma_wait3A_137 : memref<128xf32, #tpu.memory_space<hbm>>)
      tpu.yield
    }) : () -> ()
    %mul3A_97 = arith.constant 632 : i32
    %mul3A_98 = arith.muli %arg1, %mul3A_97 : i32
    %add3A_99 = arith.constant 256 : i32
    %add3A_100 = arith.addi %mul3A_98, %add3A_99 : i32
    "tpu.region"() ({
      %run_scoped3A = tpu.sem_alloc : memref<!tpu.dma_semaphore, #tpu.memory_space<semaphore_mem>>
      %dma_start3A = arith.constant 0 : i32
      %dma_start3A_130 = tpu.memref_slice %arg7[%dma_start3A] : memref<128xf32, #tpu.memory_space<vmem>> -> memref<128xf32, #tpu.memory_space<vmem>>
      %dma_start3A_131 = tpu.memref_slice %arg8[%add3A_100] : memref<10112xf32, #tpu.memory_space<vmem_shared>> -> memref<128xf32, #tpu.memory_space<vmem_shared>>
      %dma_start3A_132 = arith.constant 0 : i32
      %dma_start3A_133 = tpu.memref_slice %arg7[%dma_start3A_132] : memref<128xf32, #tpu.memory_space<vmem>> -> memref<128xf32, #tpu.memory_space<vmem>>
      %dma_start3A_134 = tpu.memref_slice %arg8[%add3A_100] : memref<10112xf32, #tpu.memory_space<vmem_shared>> -> memref<128xf32, #tpu.memory_space<vmem_shared>>
      tpu.enqueue_dma source(%dma_start3A_134 : memref<128xf32, #tpu.memory_space<vmem_shared>>) target(%dma_start3A_133 : memref<128xf32, #tpu.memory_space<vmem>>) target_semaphore(%run_scoped3A : memref<!tpu.dma_semaphore, #tpu.memory_space<semaphore_mem>>)
      %dma_wait3A = arith.constant 0 : i32
      %dma_wait3A_135 = tpu.memref_slice %arg7[%dma_wait3A] : memref<128xf32, #tpu.memory_space<vmem>> -> memref<128xf32, #tpu.memory_space<vmem>>
      %dma_wait3A_136 = tpu.memref_slice %arg8[%add3A_100] : memref<10112xf32, #tpu.memory_space<vmem_shared>> -> memref<128xf32, #tpu.memory_space<vmem_shared>>
      %dma_wait3A_137 = arith.constant 0 : i32
      %dma_wait3A_138 = tpu.memref_slice %arg7[%dma_wait3A_137] : memref<128xf32, #tpu.memory_space<vmem>> -> memref<128xf32, #tpu.memory_space<vmem>>
      %dma_wait3A_139 = tpu.memref_slice %arg8[%add3A_100] : memref<10112xf32, #tpu.memory_space<vmem_shared>> -> memref<128xf32, #tpu.memory_space<vmem_shared>>
      tpu.wait_dma2 semaphore(%run_scoped3A : memref<!tpu.dma_semaphore, #tpu.memory_space<semaphore_mem>>) src(%dma_wait3A_139 : memref<128xf32, #tpu.memory_space<vmem_shared>>) dst(%dma_wait3A_138 : memref<128xf32, #tpu.memory_space<vmem>>)
      tpu.yield
    }) : () -> ()
    %mul3A_101 = arith.constant 10112 : i32
    %mul3A_102 = arith.muli %arg0, %mul3A_101 : i32
    %mul3A_103 = arith.constant 632 : i32
    %mul3A_104 = arith.muli %arg1, %mul3A_103 : i32
    %add3A_105 = arith.addi %mul3A_102, %mul3A_104 : i32
    %add3A_106 = arith.constant 256 : i32
    %add3A_107 = arith.addi %add3A_105, %add3A_106 : i32
    "tpu.region"() ({
      %run_scoped3A = tpu.sem_alloc : memref<!tpu.dma_semaphore, #tpu.memory_space<semaphore_mem>>
      %dma_start3A = arith.constant 0 : i32
      %dma_start3A_130 = tpu.memref_slice %arg7[%dma_start3A] : memref<128xf32, #tpu.memory_space<vmem>> -> memref<128xf32, #tpu.memory_space<vmem>>
      %dma_start3A_131 = tpu.memref_slice %arg4[%add3A_107] : memref<20224xf32, #tpu.memory_space<hbm>> -> memref<128xf32, #tpu.memory_space<hbm>>
      %dma_start3A_132 = tpu.memref_slice %arg4[%add3A_107] : memref<20224xf32, #tpu.memory_space<hbm>> -> memref<128xf32, #tpu.memory_space<hbm>>
      %dma_start3A_133 = arith.constant 0 : i32
      %dma_start3A_134 = tpu.memref_slice %arg7[%dma_start3A_133] : memref<128xf32, #tpu.memory_space<vmem>> -> memref<128xf32, #tpu.memory_space<vmem>>
      tpu.enqueue_dma source(%dma_start3A_134 : memref<128xf32, #tpu.memory_space<vmem>>) target(%dma_start3A_132 : memref<128xf32, #tpu.memory_space<hbm>>) target_semaphore(%run_scoped3A : memref<!tpu.dma_semaphore, #tpu.memory_space<semaphore_mem>>)
      %dma_wait3A = arith.constant 0 : i32
      %dma_wait3A_135 = tpu.memref_slice %arg7[%dma_wait3A] : memref<128xf32, #tpu.memory_space<vmem>> -> memref<128xf32, #tpu.memory_space<vmem>>
      %dma_wait3A_136 = tpu.memref_slice %arg4[%add3A_107] : memref<20224xf32, #tpu.memory_space<hbm>> -> memref<128xf32, #tpu.memory_space<hbm>>
      %dma_wait3A_137 = tpu.memref_slice %arg4[%add3A_107] : memref<20224xf32, #tpu.memory_space<hbm>> -> memref<128xf32, #tpu.memory_space<hbm>>
      %dma_wait3A_138 = arith.constant 0 : i32
      %dma_wait3A_139 = tpu.memref_slice %arg7[%dma_wait3A_138] : memref<128xf32, #tpu.memory_space<vmem>> -> memref<128xf32, #tpu.memory_space<vmem>>
      tpu.wait_dma2 semaphore(%run_scoped3A : memref<!tpu.dma_semaphore, #tpu.memory_space<semaphore_mem>>) src(%dma_wait3A_139 : memref<128xf32, #tpu.memory_space<vmem>>) dst(%dma_wait3A_137 : memref<128xf32, #tpu.memory_space<hbm>>)
      tpu.yield
    }) : () -> ()
    %mul3A_108 = arith.constant 632 : i32
    %mul3A_109 = arith.muli %arg1, %mul3A_108 : i32
    %add3A_110 = arith.constant 384 : i32
    %add3A_111 = arith.addi %mul3A_109, %add3A_110 : i32
    "tpu.region"() ({
      %run_scoped3A = tpu.sem_alloc : memref<!tpu.dma_semaphore, #tpu.memory_space<semaphore_mem>>
      %dma_start3A = arith.constant 0 : i32
      %dma_start3A_130 = tpu.memref_slice %arg7[%dma_start3A] : memref<128xf32, #tpu.memory_space<vmem>> -> memref<128xf32, #tpu.memory_space<vmem>>
      %dma_start3A_131 = tpu.memref_slice %arg8[%add3A_111] : memref<10112xf32, #tpu.memory_space<vmem_shared>> -> memref<128xf32, #tpu.memory_space<vmem_shared>>
      %dma_start3A_132 = arith.constant 0 : i32
      %dma_start3A_133 = tpu.memref_slice %arg7[%dma_start3A_132] : memref<128xf32, #tpu.memory_space<vmem>> -> memref<128xf32, #tpu.memory_space<vmem>>
      %dma_start3A_134 = tpu.memref_slice %arg8[%add3A_111] : memref<10112xf32, #tpu.memory_space<vmem_shared>> -> memref<128xf32, #tpu.memory_space<vmem_shared>>
      tpu.enqueue_dma source(%dma_start3A_134 : memref<128xf32, #tpu.memory_space<vmem_shared>>) target(%dma_start3A_133 : memref<128xf32, #tpu.memory_space<vmem>>) target_semaphore(%run_scoped3A : memref<!tpu.dma_semaphore, #tpu.memory_space<semaphore_mem>>)
      %dma_wait3A = arith.constant 0 : i32
      %dma_wait3A_135 = tpu.memref_slice %arg7[%dma_wait3A] : memref<128xf32, #tpu.memory_space<vmem>> -> memref<128xf32, #tpu.memory_space<vmem>>
      %dma_wait3A_136 = tpu.memref_slice %arg8[%add3A_111] : memref<10112xf32, #tpu.memory_space<vmem_shared>> -> memref<128xf32, #tpu.memory_space<vmem_shared>>
      %dma_wait3A_137 = arith.constant 0 : i32
      %dma_wait3A_138 = tpu.memref_slice %arg7[%dma_wait3A_137] : memref<128xf32, #tpu.memory_space<vmem>> -> memref<128xf32, #tpu.memory_space<vmem>>
      %dma_wait3A_139 = tpu.memref_slice %arg8[%add3A_111] : memref<10112xf32, #tpu.memory_space<vmem_shared>> -> memref<128xf32, #tpu.memory_space<vmem_shared>>
      tpu.wait_dma2 semaphore(%run_scoped3A : memref<!tpu.dma_semaphore, #tpu.memory_space<semaphore_mem>>) src(%dma_wait3A_139 : memref<128xf32, #tpu.memory_space<vmem_shared>>) dst(%dma_wait3A_138 : memref<128xf32, #tpu.memory_space<vmem>>)
      tpu.yield
    }) : () -> ()
    %mul3A_112 = arith.constant 10112 : i32
    %mul3A_113 = arith.muli %arg0, %mul3A_112 : i32
    %mul3A_114 = arith.constant 632 : i32
    %mul3A_115 = arith.muli %arg1, %mul3A_114 : i32
    %add3A_116 = arith.addi %mul3A_113, %mul3A_115 : i32
    %add3A_117 = arith.constant 384 : i32
    %add3A_118 = arith.addi %add3A_116, %add3A_117 : i32
    "tpu.region"() ({
      %run_scoped3A = tpu.sem_alloc : memref<!tpu.dma_semaphore, #tpu.memory_space<semaphore_mem>>
      %dma_start3A = arith.constant 0 : i32
      %dma_start3A_130 = tpu.memref_slice %arg7[%dma_start3A] : memref<128xf32, #tpu.memory_space<vmem>> -> memref<128xf32, #tpu.memory_space<vmem>>
      %dma_start3A_131 = tpu.memref_slice %arg4[%add3A_118] : memref<20224xf32, #tpu.memory_space<hbm>> -> memref<128xf32, #tpu.memory_space<hbm>>
      %dma_start3A_132 = tpu.memref_slice %arg4[%add3A_118] : memref<20224xf32, #tpu.memory_space<hbm>> -> memref<128xf32, #tpu.memory_space<hbm>>
      %dma_start3A_133 = arith.constant 0 : i32
      %dma_start3A_134 = tpu.memref_slice %arg7[%dma_start3A_133] : memref<128xf32, #tpu.memory_space<vmem>> -> memref<128xf32, #tpu.memory_space<vmem>>
      tpu.enqueue_dma source(%dma_start3A_134 : memref<128xf32, #tpu.memory_space<vmem>>) target(%dma_start3A_132 : memref<128xf32, #tpu.memory_space<hbm>>) target_semaphore(%run_scoped3A : memref<!tpu.dma_semaphore, #tpu.memory_space<semaphore_mem>>)
      %dma_wait3A = arith.constant 0 : i32
      %dma_wait3A_135 = tpu.memref_slice %arg7[%dma_wait3A] : memref<128xf32, #tpu.memory_space<vmem>> -> memref<128xf32, #tpu.memory_space<vmem>>
      %dma_wait3A_136 = tpu.memref_slice %arg4[%add3A_118] : memref<20224xf32, #tpu.memory_space<hbm>> -> memref<128xf32, #tpu.memory_space<hbm>>
      %dma_wait3A_137 = tpu.memref_slice %arg4[%add3A_118] : memref<20224xf32, #tpu.memory_space<hbm>> -> memref<128xf32, #tpu.memory_space<hbm>>
      %dma_wait3A_138 = arith.constant 0 : i32
      %dma_wait3A_139 = tpu.memref_slice %arg7[%dma_wait3A_138] : memref<128xf32, #tpu.memory_space<vmem>> -> memref<128xf32, #tpu.memory_space<vmem>>
      tpu.wait_dma2 semaphore(%run_scoped3A : memref<!tpu.dma_semaphore, #tpu.memory_space<semaphore_mem>>) src(%dma_wait3A_139 : memref<128xf32, #tpu.memory_space<vmem>>) dst(%dma_wait3A_137 : memref<128xf32, #tpu.memory_space<hbm>>)
      tpu.yield
    }) : () -> ()
    %mul3A_119 = arith.constant 632 : i32
    %mul3A_120 = arith.muli %arg1, %mul3A_119 : i32
    %add3A_121 = arith.constant 512 : i32
    %add3A_122 = arith.addi %mul3A_120, %add3A_121 : i32
    "tpu.region"() ({
      %run_scoped3A = tpu.sem_alloc : memref<!tpu.dma_semaphore, #tpu.memory_space<semaphore_mem>>
      %dma_start3A = arith.constant 0 : i32
      %dma_start3A_130 = tpu.memref_slice %arg7[%dma_start3A] : memref<128xf32, #tpu.memory_space<vmem>> -> memref<120xf32, #tpu.memory_space<vmem>>
      %dma_start3A_131 = tpu.memref_slice %arg8[%add3A_122] : memref<10112xf32, #tpu.memory_space<vmem_shared>> -> memref<120xf32, #tpu.memory_space<vmem_shared>>
      %dma_start3A_132 = arith.constant 0 : i32
      %dma_start3A_133 = tpu.memref_slice %arg7[%dma_start3A_132] : memref<128xf32, #tpu.memory_space<vmem>> -> memref<120xf32, #tpu.memory_space<vmem>>
      %dma_start3A_134 = tpu.memref_slice %arg8[%add3A_122] : memref<10112xf32, #tpu.memory_space<vmem_shared>> -> memref<120xf32, #tpu.memory_space<vmem_shared>>
      tpu.enqueue_dma source(%dma_start3A_134 : memref<120xf32, #tpu.memory_space<vmem_shared>>) target(%dma_start3A_133 : memref<120xf32, #tpu.memory_space<vmem>>) target_semaphore(%run_scoped3A : memref<!tpu.dma_semaphore, #tpu.memory_space<semaphore_mem>>)
      %dma_wait3A = arith.constant 0 : i32
      %dma_wait3A_135 = tpu.memref_slice %arg7[%dma_wait3A] : memref<128xf32, #tpu.memory_space<vmem>> -> memref<120xf32, #tpu.memory_space<vmem>>
      %dma_wait3A_136 = tpu.memref_slice %arg8[%add3A_122] : memref<10112xf32, #tpu.memory_space<vmem_shared>> -> memref<120xf32, #tpu.memory_space<vmem_shared>>
      %dma_wait3A_137 = arith.constant 0 : i32
      %dma_wait3A_138 = tpu.memref_slice %arg7[%dma_wait3A_137] : memref<128xf32, #tpu.memory_space<vmem>> -> memref<120xf32, #tpu.memory_space<vmem>>
      %dma_wait3A_139 = tpu.memref_slice %arg8[%add3A_122] : memref<10112xf32, #tpu.memory_space<vmem_shared>> -> memref<120xf32, #tpu.memory_space<vmem_shared>>
      tpu.wait_dma2 semaphore(%run_scoped3A : memref<!tpu.dma_semaphore, #tpu.memory_space<semaphore_mem>>) src(%dma_wait3A_139 : memref<120xf32, #tpu.memory_space<vmem_shared>>) dst(%dma_wait3A_138 : memref<120xf32, #tpu.memory_space<vmem>>)
      tpu.yield
    }) : () -> ()
    %mul3A_123 = arith.constant 10112 : i32
    %mul3A_124 = arith.muli %arg0, %mul3A_123 : i32
    %mul3A_125 = arith.constant 632 : i32
    %mul3A_126 = arith.muli %arg1, %mul3A_125 : i32
    %add3A_127 = arith.addi %mul3A_124, %mul3A_126 : i32
    %add3A_128 = arith.constant 512 : i32
    %add3A_129 = arith.addi %add3A_127, %add3A_128 : i32
    "tpu.region"() ({
      %run_scoped3A = tpu.sem_alloc : memref<!tpu.dma_semaphore, #tpu.memory_space<semaphore_mem>>
      %dma_start3A = arith.constant 0 : i32
      %dma_start3A_130 = tpu.memref_slice %arg7[%dma_start3A] : memref<128xf32, #tpu.memory_space<vmem>> -> memref<120xf32, #tpu.memory_space<vmem>>
      %dma_start3A_131 = tpu.memref_slice %arg4[%add3A_129] : memref<20224xf32, #tpu.memory_space<hbm>> -> memref<120xf32, #tpu.memory_space<hbm>>
      %dma_start3A_132 = tpu.memref_slice %arg4[%add3A_129] : memref<20224xf32, #tpu.memory_space<hbm>> -> memref<120xf32, #tpu.memory_space<hbm>>
      %dma_start3A_133 = arith.constant 0 : i32
      %dma_start3A_134 = tpu.memref_slice %arg7[%dma_start3A_133] : memref<128xf32, #tpu.memory_space<vmem>> -> memref<120xf32, #tpu.memory_space<vmem>>
      tpu.enqueue_dma source(%dma_start3A_134 : memref<120xf32, #tpu.memory_space<vmem>>) target(%dma_start3A_132 : memref<120xf32, #tpu.memory_space<hbm>>) target_semaphore(%run_scoped3A : memref<!tpu.dma_semaphore, #tpu.memory_space<semaphore_mem>>)
      %dma_wait3A = arith.constant 0 : i32
      %dma_wait3A_135 = tpu.memref_slice %arg7[%dma_wait3A] : memref<128xf32, #tpu.memory_space<vmem>> -> memref<120xf32, #tpu.memory_space<vmem>>
      %dma_wait3A_136 = tpu.memref_slice %arg4[%add3A_129] : memref<20224xf32, #tpu.memory_space<hbm>> -> memref<120xf32, #tpu.memory_space<hbm>>
      %dma_wait3A_137 = tpu.memref_slice %arg4[%add3A_129] : memref<20224xf32, #tpu.memory_space<hbm>> -> memref<120xf32, #tpu.memory_space<hbm>>
      %dma_wait3A_138 = arith.constant 0 : i32
      %dma_wait3A_139 = tpu.memref_slice %arg7[%dma_wait3A_138] : memref<128xf32, #tpu.memory_space<vmem>> -> memref<120xf32, #tpu.memory_space<vmem>>
      tpu.wait_dma2 semaphore(%run_scoped3A : memref<!tpu.dma_semaphore, #tpu.memory_space<semaphore_mem>>) src(%dma_wait3A_139 : memref<120xf32, #tpu.memory_space<vmem>>) dst(%dma_wait3A_137 : memref<120xf32, #tpu.memory_space<hbm>>)
      tpu.yield
    }) : () -> ()
    return
  }
}

#map = affine_map<(d0, d1) -> (0, 0)>
module attributes {stable_mosaic.version = 14 : i64} {
  func.func @agg_kernel(%arg0: i32, %arg1: i32, %arg2: memref<10000x128xf32, #tpu.memory_space<hbm>>, %arg3: memref<2560x128xi32, #tpu.memory_space<hbm>>, %arg4: memref<2560x128xi32, #tpu.memory_space<hbm>>, %arg5: memref<10112x128xf32, #tpu.memory_space<hbm>>, %arg6: memref<20224x128xf32, #tpu.memory_space<hbm>>, %arg7: memref<40x128xi32, #tpu.memory_space<vmem>>, %arg8: memref<40x128xi32, #tpu.memory_space<vmem>>, %arg9: memref<128x128xf32, #tpu.memory_space<vmem>>, %arg10: memref<128x128xf32, #tpu.memory_space<vmem>>, %arg11: memref<10112x128xf32, #tpu.memory_space<vmem_shared>>, %arg12: memref<!tpu.dma_semaphore, #tpu.memory_space<semaphore_mem>>, %arg13: memref<!tpu.dma_semaphore, #tpu.memory_space<semaphore_mem>>, %arg14: memref<!tpu.dma_semaphore, #tpu.memory_space<semaphore_mem>>, %arg15: memref<!tpu.dma_semaphore, #tpu.memory_space<semaphore_mem>>) attributes {dimension_semantics = [#tpu.dimension_semantics<core_parallel>, #tpu.dimension_semantics<subcore_parallel>], iteration_bounds = array<i64: 2, 16>, scalar_prefetch = 0 : i64, scratch_operands = 9 : i64, tpu.core_type = #tpu.core_type<sc_vector_subcore>, window_params = [{transform_indices = #map}, {transform_indices = #map}, {transform_indices = #map}, {transform_indices = #map}, {transform_indices = #map}]} {
    %mul3A = arith.constant 16 : i32
    %mul3A_0 = arith.muli %arg0, %mul3A : i32
    %add3A = arith.addi %mul3A_0, %arg1 : i32
    "tpu.region"() ({
      %run_scoped3A = tpu.sem_alloc : memref<!tpu.dma_semaphore, #tpu.memory_space<semaphore_mem>>
      %dma_start3A_330 = arith.constant 0 : i32
      %dma_start3A_331 = arith.constant 0 : i32
      %dma_start3A_332 = tpu.memref_slice %arg5[%dma_start3A_330, %dma_start3A_331] : memref<10112x128xf32, #tpu.memory_space<hbm>> -> memref<128x128xf32, #tpu.memory_space<hbm>>
      %dma_start3A_333 = arith.constant 0 : i32
      %dma_start3A_334 = arith.constant 0 : i32
      %dma_start3A_335 = tpu.memref_slice %arg5[%dma_start3A_333, %dma_start3A_334] : memref<10112x128xf32, #tpu.memory_space<hbm>> -> memref<128x128xf32, #tpu.memory_space<hbm>>
      tpu.enqueue_dma source(%dma_start3A_335 : memref<128x128xf32, #tpu.memory_space<hbm>>) target(%arg9 : memref<128x128xf32, #tpu.memory_space<vmem>>) target_semaphore(%run_scoped3A : memref<!tpu.dma_semaphore, #tpu.memory_space<semaphore_mem>>)
      %dma_wait3A_336 = arith.constant 0 : i32
      %dma_wait3A_337 = arith.constant 0 : i32
      %dma_wait3A_338 = tpu.memref_slice %arg5[%dma_wait3A_336, %dma_wait3A_337] : memref<10112x128xf32, #tpu.memory_space<hbm>> -> memref<128x128xf32, #tpu.memory_space<hbm>>
      %dma_wait3A_339 = arith.constant 0 : i32
      %dma_wait3A_340 = arith.constant 0 : i32
      %dma_wait3A_341 = tpu.memref_slice %arg5[%dma_wait3A_339, %dma_wait3A_340] : memref<10112x128xf32, #tpu.memory_space<hbm>> -> memref<128x128xf32, #tpu.memory_space<hbm>>
      tpu.wait_dma2 semaphore(%run_scoped3A : memref<!tpu.dma_semaphore, #tpu.memory_space<semaphore_mem>>) src(%dma_wait3A_341 : memref<128x128xf32, #tpu.memory_space<hbm>>) dst(%arg9 : memref<128x128xf32, #tpu.memory_space<vmem>>)
      tpu.yield
    }) : () -> ()
    %mul3A_1 = arith.constant 632 : i32
    %mul3A_2 = arith.muli %arg1, %mul3A_1 : i32
    %add3A_3 = arith.constant 0 : i32
    %add3A_4 = arith.addi %mul3A_2, %add3A_3 : i32
    %dma_start3A = arith.constant 0 : i32
    %dma_start3A_5 = arith.constant 0 : i32
    %dma_start3A_6 = tpu.memref_slice %arg9[%dma_start3A, %dma_start3A_5] : memref<128x128xf32, #tpu.memory_space<vmem>> -> memref<128x128xf32, #tpu.memory_space<vmem>>
    %dma_start3A_7 = arith.constant 0 : i32
    %dma_start3A_8 = tpu.memref_slice %arg11[%add3A_4, %dma_start3A_7] : memref<10112x128xf32, #tpu.memory_space<vmem_shared>> -> memref<128x128xf32, #tpu.memory_space<vmem_shared>>
    %dma_start3A_9 = arith.constant 0 : i32
    %dma_start3A_10 = tpu.memref_slice %arg11[%add3A_4, %dma_start3A_9] : memref<10112x128xf32, #tpu.memory_space<vmem_shared>> -> memref<128x128xf32, #tpu.memory_space<vmem_shared>>
    %dma_start3A_11 = arith.constant 0 : i32
    %dma_start3A_12 = arith.constant 0 : i32
    %dma_start3A_13 = tpu.memref_slice %arg9[%dma_start3A_11, %dma_start3A_12] : memref<128x128xf32, #tpu.memory_space<vmem>> -> memref<128x128xf32, #tpu.memory_space<vmem>>
    tpu.enqueue_dma source(%dma_start3A_13 : memref<128x128xf32, #tpu.memory_space<vmem>>) target(%dma_start3A_10 : memref<128x128xf32, #tpu.memory_space<vmem_shared>>) target_semaphore(%arg14 : memref<!tpu.dma_semaphore, #tpu.memory_space<semaphore_mem>>)
    %mul3A_14 = arith.constant 632 : i32
    %mul3A_15 = arith.muli %arg1, %mul3A_14 : i32
    %add3A_16 = arith.constant 128 : i32
    %add3A_17 = arith.addi %mul3A_15, %add3A_16 : i32
    %dma_start3A_18 = arith.constant 0 : i32
    %dma_start3A_19 = arith.constant 0 : i32
    %dma_start3A_20 = tpu.memref_slice %arg9[%dma_start3A_18, %dma_start3A_19] : memref<128x128xf32, #tpu.memory_space<vmem>> -> memref<128x128xf32, #tpu.memory_space<vmem>>
    %dma_start3A_21 = arith.constant 0 : i32
    %dma_start3A_22 = tpu.memref_slice %arg11[%add3A_17, %dma_start3A_21] : memref<10112x128xf32, #tpu.memory_space<vmem_shared>> -> memref<128x128xf32, #tpu.memory_space<vmem_shared>>
    %dma_start3A_23 = arith.constant 0 : i32
    %dma_start3A_24 = tpu.memref_slice %arg11[%add3A_17, %dma_start3A_23] : memref<10112x128xf32, #tpu.memory_space<vmem_shared>> -> memref<128x128xf32, #tpu.memory_space<vmem_shared>>
    %dma_start3A_25 = arith.constant 0 : i32
    %dma_start3A_26 = arith.constant 0 : i32
    %dma_start3A_27 = tpu.memref_slice %arg9[%dma_start3A_25, %dma_start3A_26] : memref<128x128xf32, #tpu.memory_space<vmem>> -> memref<128x128xf32, #tpu.memory_space<vmem>>
    tpu.enqueue_dma source(%dma_start3A_27 : memref<128x128xf32, #tpu.memory_space<vmem>>) target(%dma_start3A_24 : memref<128x128xf32, #tpu.memory_space<vmem_shared>>) target_semaphore(%arg15 : memref<!tpu.dma_semaphore, #tpu.memory_space<semaphore_mem>>)
    %mul3A_28 = arith.constant 632 : i32
    %mul3A_29 = arith.muli %arg1, %mul3A_28 : i32
    %add3A_30 = arith.constant 256 : i32
    %add3A_31 = arith.addi %mul3A_29, %add3A_30 : i32
    %dma_start3A_32 = arith.constant 0 : i32
    %dma_start3A_33 = arith.constant 0 : i32
    %dma_start3A_34 = tpu.memref_slice %arg9[%dma_start3A_32, %dma_start3A_33] : memref<128x128xf32, #tpu.memory_space<vmem>> -> memref<128x128xf32, #tpu.memory_space<vmem>>
    %dma_start3A_35 = arith.constant 0 : i32
    %dma_start3A_36 = tpu.memref_slice %arg11[%add3A_31, %dma_start3A_35] : memref<10112x128xf32, #tpu.memory_space<vmem_shared>> -> memref<128x128xf32, #tpu.memory_space<vmem_shared>>
    %dma_start3A_37 = arith.constant 0 : i32
    %dma_start3A_38 = tpu.memref_slice %arg11[%add3A_31, %dma_start3A_37] : memref<10112x128xf32, #tpu.memory_space<vmem_shared>> -> memref<128x128xf32, #tpu.memory_space<vmem_shared>>
    %dma_start3A_39 = arith.constant 0 : i32
    %dma_start3A_40 = arith.constant 0 : i32
    %dma_start3A_41 = tpu.memref_slice %arg9[%dma_start3A_39, %dma_start3A_40] : memref<128x128xf32, #tpu.memory_space<vmem>> -> memref<128x128xf32, #tpu.memory_space<vmem>>
    tpu.enqueue_dma source(%dma_start3A_41 : memref<128x128xf32, #tpu.memory_space<vmem>>) target(%dma_start3A_38 : memref<128x128xf32, #tpu.memory_space<vmem_shared>>) target_semaphore(%arg14 : memref<!tpu.dma_semaphore, #tpu.memory_space<semaphore_mem>>)
    %mul3A_42 = arith.constant 632 : i32
    %mul3A_43 = arith.muli %arg1, %mul3A_42 : i32
    %add3A_44 = arith.constant 384 : i32
    %add3A_45 = arith.addi %mul3A_43, %add3A_44 : i32
    %dma_start3A_46 = arith.constant 0 : i32
    %dma_start3A_47 = arith.constant 0 : i32
    %dma_start3A_48 = tpu.memref_slice %arg9[%dma_start3A_46, %dma_start3A_47] : memref<128x128xf32, #tpu.memory_space<vmem>> -> memref<128x128xf32, #tpu.memory_space<vmem>>
    %dma_start3A_49 = arith.constant 0 : i32
    %dma_start3A_50 = tpu.memref_slice %arg11[%add3A_45, %dma_start3A_49] : memref<10112x128xf32, #tpu.memory_space<vmem_shared>> -> memref<128x128xf32, #tpu.memory_space<vmem_shared>>
    %dma_start3A_51 = arith.constant 0 : i32
    %dma_start3A_52 = tpu.memref_slice %arg11[%add3A_45, %dma_start3A_51] : memref<10112x128xf32, #tpu.memory_space<vmem_shared>> -> memref<128x128xf32, #tpu.memory_space<vmem_shared>>
    %dma_start3A_53 = arith.constant 0 : i32
    %dma_start3A_54 = arith.constant 0 : i32
    %dma_start3A_55 = tpu.memref_slice %arg9[%dma_start3A_53, %dma_start3A_54] : memref<128x128xf32, #tpu.memory_space<vmem>> -> memref<128x128xf32, #tpu.memory_space<vmem>>
    tpu.enqueue_dma source(%dma_start3A_55 : memref<128x128xf32, #tpu.memory_space<vmem>>) target(%dma_start3A_52 : memref<128x128xf32, #tpu.memory_space<vmem_shared>>) target_semaphore(%arg15 : memref<!tpu.dma_semaphore, #tpu.memory_space<semaphore_mem>>)
    %mul3A_56 = arith.constant 632 : i32
    %mul3A_57 = arith.muli %arg1, %mul3A_56 : i32
    %add3A_58 = arith.constant 512 : i32
    %add3A_59 = arith.addi %mul3A_57, %add3A_58 : i32
    %dma_start3A_60 = arith.constant 0 : i32
    %dma_start3A_61 = arith.constant 0 : i32
    %dma_start3A_62 = tpu.memref_slice %arg9[%dma_start3A_60, %dma_start3A_61] : memref<128x128xf32, #tpu.memory_space<vmem>> -> memref<120x128xf32, #tpu.memory_space<vmem>>
    %dma_start3A_63 = arith.constant 0 : i32
    %dma_start3A_64 = tpu.memref_slice %arg11[%add3A_59, %dma_start3A_63] : memref<10112x128xf32, #tpu.memory_space<vmem_shared>> -> memref<120x128xf32, #tpu.memory_space<vmem_shared>>
    %dma_start3A_65 = arith.constant 0 : i32
    %dma_start3A_66 = tpu.memref_slice %arg11[%add3A_59, %dma_start3A_65] : memref<10112x128xf32, #tpu.memory_space<vmem_shared>> -> memref<120x128xf32, #tpu.memory_space<vmem_shared>>
    %dma_start3A_67 = arith.constant 0 : i32
    %dma_start3A_68 = arith.constant 0 : i32
    %dma_start3A_69 = tpu.memref_slice %arg9[%dma_start3A_67, %dma_start3A_68] : memref<128x128xf32, #tpu.memory_space<vmem>> -> memref<120x128xf32, #tpu.memory_space<vmem>>
    tpu.enqueue_dma source(%dma_start3A_69 : memref<120x128xf32, #tpu.memory_space<vmem>>) target(%dma_start3A_66 : memref<120x128xf32, #tpu.memory_space<vmem_shared>>) target_semaphore(%arg14 : memref<!tpu.dma_semaphore, #tpu.memory_space<semaphore_mem>>)
    %dma_wait3A = arith.constant 0 : i32
    %dma_wait3A_70 = arith.constant 0 : i32
    %dma_wait3A_71 = tpu.memref_slice %arg9[%dma_wait3A, %dma_wait3A_70] : memref<128x128xf32, #tpu.memory_space<vmem>> -> memref<128x128xf32, #tpu.memory_space<vmem>>
    %dma_wait3A_72 = arith.constant 0 : i32
    %dma_wait3A_73 = tpu.memref_slice %arg11[%add3A_4, %dma_wait3A_72] : memref<10112x128xf32, #tpu.memory_space<vmem_shared>> -> memref<128x128xf32, #tpu.memory_space<vmem_shared>>
    %dma_wait3A_74 = arith.constant 0 : i32
    %dma_wait3A_75 = tpu.memref_slice %arg11[%add3A_4, %dma_wait3A_74] : memref<10112x128xf32, #tpu.memory_space<vmem_shared>> -> memref<128x128xf32, #tpu.memory_space<vmem_shared>>
    %dma_wait3A_76 = arith.constant 0 : i32
    %dma_wait3A_77 = arith.constant 0 : i32
    %dma_wait3A_78 = tpu.memref_slice %arg9[%dma_wait3A_76, %dma_wait3A_77] : memref<128x128xf32, #tpu.memory_space<vmem>> -> memref<128x128xf32, #tpu.memory_space<vmem>>
    tpu.wait_dma2 semaphore(%arg14 : memref<!tpu.dma_semaphore, #tpu.memory_space<semaphore_mem>>) src(%dma_wait3A_78 : memref<128x128xf32, #tpu.memory_space<vmem>>) dst(%dma_wait3A_75 : memref<128x128xf32, #tpu.memory_space<vmem_shared>>)
    %dma_wait3A_79 = arith.constant 0 : i32
    %dma_wait3A_80 = arith.constant 0 : i32
    %dma_wait3A_81 = tpu.memref_slice %arg9[%dma_wait3A_79, %dma_wait3A_80] : memref<128x128xf32, #tpu.memory_space<vmem>> -> memref<128x128xf32, #tpu.memory_space<vmem>>
    %dma_wait3A_82 = arith.constant 0 : i32
    %dma_wait3A_83 = tpu.memref_slice %arg11[%add3A_17, %dma_wait3A_82] : memref<10112x128xf32, #tpu.memory_space<vmem_shared>> -> memref<128x128xf32, #tpu.memory_space<vmem_shared>>
    %dma_wait3A_84 = arith.constant 0 : i32
    %dma_wait3A_85 = tpu.memref_slice %arg11[%add3A_17, %dma_wait3A_84] : memref<10112x128xf32, #tpu.memory_space<vmem_shared>> -> memref<128x128xf32, #tpu.memory_space<vmem_shared>>
    %dma_wait3A_86 = arith.constant 0 : i32
    %dma_wait3A_87 = arith.constant 0 : i32
    %dma_wait3A_88 = tpu.memref_slice %arg9[%dma_wait3A_86, %dma_wait3A_87] : memref<128x128xf32, #tpu.memory_space<vmem>> -> memref<128x128xf32, #tpu.memory_space<vmem>>
    tpu.wait_dma2 semaphore(%arg15 : memref<!tpu.dma_semaphore, #tpu.memory_space<semaphore_mem>>) src(%dma_wait3A_88 : memref<128x128xf32, #tpu.memory_space<vmem>>) dst(%dma_wait3A_85 : memref<128x128xf32, #tpu.memory_space<vmem_shared>>)
    %dma_wait3A_89 = arith.constant 0 : i32
    %dma_wait3A_90 = arith.constant 0 : i32
    %dma_wait3A_91 = tpu.memref_slice %arg9[%dma_wait3A_89, %dma_wait3A_90] : memref<128x128xf32, #tpu.memory_space<vmem>> -> memref<128x128xf32, #tpu.memory_space<vmem>>
    %dma_wait3A_92 = arith.constant 0 : i32
    %dma_wait3A_93 = tpu.memref_slice %arg11[%add3A_31, %dma_wait3A_92] : memref<10112x128xf32, #tpu.memory_space<vmem_shared>> -> memref<128x128xf32, #tpu.memory_space<vmem_shared>>
    %dma_wait3A_94 = arith.constant 0 : i32
    %dma_wait3A_95 = tpu.memref_slice %arg11[%add3A_31, %dma_wait3A_94] : memref<10112x128xf32, #tpu.memory_space<vmem_shared>> -> memref<128x128xf32, #tpu.memory_space<vmem_shared>>
    %dma_wait3A_96 = arith.constant 0 : i32
    %dma_wait3A_97 = arith.constant 0 : i32
    %dma_wait3A_98 = tpu.memref_slice %arg9[%dma_wait3A_96, %dma_wait3A_97] : memref<128x128xf32, #tpu.memory_space<vmem>> -> memref<128x128xf32, #tpu.memory_space<vmem>>
    tpu.wait_dma2 semaphore(%arg14 : memref<!tpu.dma_semaphore, #tpu.memory_space<semaphore_mem>>) src(%dma_wait3A_98 : memref<128x128xf32, #tpu.memory_space<vmem>>) dst(%dma_wait3A_95 : memref<128x128xf32, #tpu.memory_space<vmem_shared>>)
    %dma_wait3A_99 = arith.constant 0 : i32
    %dma_wait3A_100 = arith.constant 0 : i32
    %dma_wait3A_101 = tpu.memref_slice %arg9[%dma_wait3A_99, %dma_wait3A_100] : memref<128x128xf32, #tpu.memory_space<vmem>> -> memref<128x128xf32, #tpu.memory_space<vmem>>
    %dma_wait3A_102 = arith.constant 0 : i32
    %dma_wait3A_103 = tpu.memref_slice %arg11[%add3A_45, %dma_wait3A_102] : memref<10112x128xf32, #tpu.memory_space<vmem_shared>> -> memref<128x128xf32, #tpu.memory_space<vmem_shared>>
    %dma_wait3A_104 = arith.constant 0 : i32
    %dma_wait3A_105 = tpu.memref_slice %arg11[%add3A_45, %dma_wait3A_104] : memref<10112x128xf32, #tpu.memory_space<vmem_shared>> -> memref<128x128xf32, #tpu.memory_space<vmem_shared>>
    %dma_wait3A_106 = arith.constant 0 : i32
    %dma_wait3A_107 = arith.constant 0 : i32
    %dma_wait3A_108 = tpu.memref_slice %arg9[%dma_wait3A_106, %dma_wait3A_107] : memref<128x128xf32, #tpu.memory_space<vmem>> -> memref<128x128xf32, #tpu.memory_space<vmem>>
    tpu.wait_dma2 semaphore(%arg15 : memref<!tpu.dma_semaphore, #tpu.memory_space<semaphore_mem>>) src(%dma_wait3A_108 : memref<128x128xf32, #tpu.memory_space<vmem>>) dst(%dma_wait3A_105 : memref<128x128xf32, #tpu.memory_space<vmem_shared>>)
    %dma_wait3A_109 = arith.constant 0 : i32
    %dma_wait3A_110 = arith.constant 0 : i32
    %dma_wait3A_111 = tpu.memref_slice %arg9[%dma_wait3A_109, %dma_wait3A_110] : memref<128x128xf32, #tpu.memory_space<vmem>> -> memref<120x128xf32, #tpu.memory_space<vmem>>
    %dma_wait3A_112 = arith.constant 0 : i32
    %dma_wait3A_113 = tpu.memref_slice %arg11[%add3A_59, %dma_wait3A_112] : memref<10112x128xf32, #tpu.memory_space<vmem_shared>> -> memref<120x128xf32, #tpu.memory_space<vmem_shared>>
    %dma_wait3A_114 = arith.constant 0 : i32
    %dma_wait3A_115 = tpu.memref_slice %arg11[%add3A_59, %dma_wait3A_114] : memref<10112x128xf32, #tpu.memory_space<vmem_shared>> -> memref<120x128xf32, #tpu.memory_space<vmem_shared>>
    %dma_wait3A_116 = arith.constant 0 : i32
    %dma_wait3A_117 = arith.constant 0 : i32
    %dma_wait3A_118 = tpu.memref_slice %arg9[%dma_wait3A_116, %dma_wait3A_117] : memref<128x128xf32, #tpu.memory_space<vmem>> -> memref<120x128xf32, #tpu.memory_space<vmem>>
    tpu.wait_dma2 semaphore(%arg14 : memref<!tpu.dma_semaphore, #tpu.memory_space<semaphore_mem>>) src(%dma_wait3A_118 : memref<120x128xf32, #tpu.memory_space<vmem>>) dst(%dma_wait3A_115 : memref<120x128xf32, #tpu.memory_space<vmem_shared>>)
    %barrier3A = arith.constant 0 : index
    tpu.barrier barrier_id(%barrier3A)
    %mul3A_119 = arith.constant 80 : i32
    %mul3A_120 = arith.muli %add3A, %mul3A_119 : i32
    %add3A_121 = arith.constant 0 : i32
    %add3A_122 = arith.addi %mul3A_120, %add3A_121 : i32
    "tpu.region"() ({
      %run_scoped3A = tpu.sem_alloc : memref<!tpu.dma_semaphore, #tpu.memory_space<semaphore_mem>>
      %dma_start3A_330 = arith.constant 0 : i32
      %dma_start3A_331 = tpu.memref_slice %arg3[%add3A_122, %dma_start3A_330] : memref<2560x128xi32, #tpu.memory_space<hbm>> -> memref<40x128xi32, #tpu.memory_space<hbm>>
      %dma_start3A_332 = arith.constant 0 : i32
      %dma_start3A_333 = tpu.memref_slice %arg3[%add3A_122, %dma_start3A_332] : memref<2560x128xi32, #tpu.memory_space<hbm>> -> memref<40x128xi32, #tpu.memory_space<hbm>>
      tpu.enqueue_dma source(%dma_start3A_333 : memref<40x128xi32, #tpu.memory_space<hbm>>) target(%arg7 : memref<40x128xi32, #tpu.memory_space<vmem>>) target_semaphore(%run_scoped3A : memref<!tpu.dma_semaphore, #tpu.memory_space<semaphore_mem>>)
      %dma_wait3A_334 = arith.constant 0 : i32
      %dma_wait3A_335 = tpu.memref_slice %arg3[%add3A_122, %dma_wait3A_334] : memref<2560x128xi32, #tpu.memory_space<hbm>> -> memref<40x128xi32, #tpu.memory_space<hbm>>
      %dma_wait3A_336 = arith.constant 0 : i32
      %dma_wait3A_337 = tpu.memref_slice %arg3[%add3A_122, %dma_wait3A_336] : memref<2560x128xi32, #tpu.memory_space<hbm>> -> memref<40x128xi32, #tpu.memory_space<hbm>>
      tpu.wait_dma2 semaphore(%run_scoped3A : memref<!tpu.dma_semaphore, #tpu.memory_space<semaphore_mem>>) src(%dma_wait3A_337 : memref<40x128xi32, #tpu.memory_space<hbm>>) dst(%arg7 : memref<40x128xi32, #tpu.memory_space<vmem>>)
      tpu.yield
    }) : () -> ()
    %mul3A_123 = arith.constant 80 : i32
    %mul3A_124 = arith.muli %add3A, %mul3A_123 : i32
    %add3A_125 = arith.constant 0 : i32
    %add3A_126 = arith.addi %mul3A_124, %add3A_125 : i32
    "tpu.region"() ({
      %run_scoped3A = tpu.sem_alloc : memref<!tpu.dma_semaphore, #tpu.memory_space<semaphore_mem>>
      %dma_start3A_330 = arith.constant 0 : i32
      %dma_start3A_331 = tpu.memref_slice %arg4[%add3A_126, %dma_start3A_330] : memref<2560x128xi32, #tpu.memory_space<hbm>> -> memref<40x128xi32, #tpu.memory_space<hbm>>
      %dma_start3A_332 = arith.constant 0 : i32
      %dma_start3A_333 = tpu.memref_slice %arg4[%add3A_126, %dma_start3A_332] : memref<2560x128xi32, #tpu.memory_space<hbm>> -> memref<40x128xi32, #tpu.memory_space<hbm>>
      tpu.enqueue_dma source(%dma_start3A_333 : memref<40x128xi32, #tpu.memory_space<hbm>>) target(%arg8 : memref<40x128xi32, #tpu.memory_space<vmem>>) target_semaphore(%run_scoped3A : memref<!tpu.dma_semaphore, #tpu.memory_space<semaphore_mem>>)
      %dma_wait3A_334 = arith.constant 0 : i32
      %dma_wait3A_335 = tpu.memref_slice %arg4[%add3A_126, %dma_wait3A_334] : memref<2560x128xi32, #tpu.memory_space<hbm>> -> memref<40x128xi32, #tpu.memory_space<hbm>>
      %dma_wait3A_336 = arith.constant 0 : i32
      %dma_wait3A_337 = tpu.memref_slice %arg4[%add3A_126, %dma_wait3A_336] : memref<2560x128xi32, #tpu.memory_space<hbm>> -> memref<40x128xi32, #tpu.memory_space<hbm>>
      tpu.wait_dma2 semaphore(%run_scoped3A : memref<!tpu.dma_semaphore, #tpu.memory_space<semaphore_mem>>) src(%dma_wait3A_337 : memref<40x128xi32, #tpu.memory_space<hbm>>) dst(%arg8 : memref<40x128xi32, #tpu.memory_space<vmem>>)
      tpu.yield
    }) : () -> ()
    %dma_start3A_127 = arith.constant 0 : i32
    %dma_start3A_128 = arith.constant 0 : i32
    %dma_start3A_129 = tpu.memref_slice %arg7[%dma_start3A_127, %dma_start3A_128] : memref<40x128xi32, #tpu.memory_space<vmem>> -> memref<1x128xi32, #tpu.memory_space<vmem>>
    %dma_start3A_130 = tpu.memref_squeeze %dma_start3A_129 : memref<1x128xi32, #tpu.memory_space<vmem>> -> memref<128xi32, #tpu.memory_space<vmem>>
    %dma_start3A_131 = arith.constant 0 : i32
    %dma_start3A_132 = arith.constant 0 : i32
    %dma_start3A_133 = tpu.memref_slice %arg2[%dma_start3A_131, %dma_start3A_132] : memref<10000x128xf32, #tpu.memory_space<hbm>> -> memref<10000x128xf32, #tpu.memory_space<hbm>>
    tpu.enqueue_indirect_dma source(%dma_start3A_133 : memref<10000x128xf32, #tpu.memory_space<hbm>>) target(%arg9 : memref<128x128xf32, #tpu.memory_space<vmem>>) offsets(%dma_start3A_130 : memref<128xi32, #tpu.memory_space<vmem>>) semaphore(%arg12 : memref<!tpu.dma_semaphore, #tpu.memory_space<semaphore_mem>>)
    %scan3A = arith.constant 0 : i32
    %scan3A_134 = arith.constant 0 : i32
    %scan3A_135 = arith.constant 20 : i32
    %scan3A_136 = arith.addi %scan3A_134, %scan3A_135 : i32
    %scan3A_137 = arith.constant 1 : i32
    scf.for %scan3A_330 = %scan3A_134 to %scan3A_136 step %scan3A_137  : i32 {
      %mul3A_331 = arith.constant 2 : i32
      %mul3A_332 = arith.muli %mul3A_331, %scan3A_330 : i32
      %add3A_333 = arith.constant 1 : i32
      %add3A_334 = arith.addi %mul3A_332, %add3A_333 : i32
      %dma_wait3A_335 = arith.constant 0 : i32
      %dma_wait3A_336 = arith.constant 0 : i32
      %dma_wait3A_337 = tpu.memref_slice %arg7[%dma_wait3A_335, %dma_wait3A_336] : memref<40x128xi32, #tpu.memory_space<vmem>> -> memref<1x128xi32, #tpu.memory_space<vmem>>
      %dma_wait3A_338 = tpu.memref_squeeze %dma_wait3A_337 : memref<1x128xi32, #tpu.memory_space<vmem>> -> memref<128xi32, #tpu.memory_space<vmem>>
      %dma_wait3A_339 = arith.constant 0 : i32
      %dma_wait3A_340 = arith.constant 0 : i32
      %dma_wait3A_341 = tpu.memref_slice %arg2[%dma_wait3A_339, %dma_wait3A_340] : memref<10000x128xf32, #tpu.memory_space<hbm>> -> memref<10000x128xf32, #tpu.memory_space<hbm>>
      tpu.wait_indirect_dma semaphore(%arg12 : memref<!tpu.dma_semaphore, #tpu.memory_space<semaphore_mem>>) src(%dma_wait3A_341 : memref<10000x128xf32, #tpu.memory_space<hbm>>) dst(%arg9 : memref<128x128xf32, #tpu.memory_space<vmem>>)
      %gt3A = arith.constant 0 : i32
      %gt3A_342 = arith.cmpi sgt, %scan3A_330, %gt3A : i32
      %convert_element_type3A = arith.extui %gt3A_342 : i1 to i32
      %cond3A = arith.constant 0 : i32
      %cond3A_343 = arith.cmpi ne, %convert_element_type3A, %cond3A : i32
      scf.if %cond3A_343 {
        %dma_wait3A_380 = arith.constant 0 : i32
        %dma_wait3A_381 = arith.constant 0 : i32
        %dma_wait3A_382 = tpu.memref_slice %arg8[%dma_wait3A_380, %dma_wait3A_381] : memref<40x128xi32, #tpu.memory_space<vmem>> -> memref<1x128xi32, #tpu.memory_space<vmem>>
        %dma_wait3A_383 = tpu.memref_squeeze %dma_wait3A_382 : memref<1x128xi32, #tpu.memory_space<vmem>> -> memref<128xi32, #tpu.memory_space<vmem>>
        %dma_wait3A_384 = arith.constant 0 : i32
        %dma_wait3A_385 = arith.constant 0 : i32
        %dma_wait3A_386 = tpu.memref_slice %arg11[%dma_wait3A_384, %dma_wait3A_385] : memref<10112x128xf32, #tpu.memory_space<vmem_shared>> -> memref<10112x128xf32, #tpu.memory_space<vmem_shared>>
        tpu.wait_indirect_dma semaphore(%arg15 : memref<!tpu.dma_semaphore, #tpu.memory_space<semaphore_mem>>) src(%arg10 : memref<128x128xf32, #tpu.memory_space<vmem>>) dst(%dma_wait3A_386 : memref<10112x128xf32, #tpu.memory_space<vmem_shared>>)
      } else {
      }
      %dma_start3A_344 = arith.constant 0 : i32
      %dma_start3A_345 = tpu.memref_slice %arg7[%add3A_334, %dma_start3A_344] : memref<40x128xi32, #tpu.memory_space<vmem>> -> memref<1x128xi32, #tpu.memory_space<vmem>>
      %dma_start3A_346 = tpu.memref_squeeze %dma_start3A_345 : memref<1x128xi32, #tpu.memory_space<vmem>> -> memref<128xi32, #tpu.memory_space<vmem>>
      %dma_start3A_347 = arith.constant 0 : i32
      %dma_start3A_348 = arith.constant 0 : i32
      %dma_start3A_349 = tpu.memref_slice %arg2[%dma_start3A_347, %dma_start3A_348] : memref<10000x128xf32, #tpu.memory_space<hbm>> -> memref<10000x128xf32, #tpu.memory_space<hbm>>
      tpu.enqueue_indirect_dma source(%dma_start3A_349 : memref<10000x128xf32, #tpu.memory_space<hbm>>) target(%arg10 : memref<128x128xf32, #tpu.memory_space<vmem>>) offsets(%dma_start3A_346 : memref<128xi32, #tpu.memory_space<vmem>>) semaphore(%arg13 : memref<!tpu.dma_semaphore, #tpu.memory_space<semaphore_mem>>)
      %dma_start3A_350 = arith.constant 0 : i32
      %dma_start3A_351 = tpu.memref_slice %arg8[%mul3A_332, %dma_start3A_350] : memref<40x128xi32, #tpu.memory_space<vmem>> -> memref<1x128xi32, #tpu.memory_space<vmem>>
      %dma_start3A_352 = tpu.memref_squeeze %dma_start3A_351 : memref<1x128xi32, #tpu.memory_space<vmem>> -> memref<128xi32, #tpu.memory_space<vmem>>
      %dma_start3A_353 = arith.constant 0 : i32
      %dma_start3A_354 = arith.constant 0 : i32
      %dma_start3A_355 = tpu.memref_slice %arg11[%dma_start3A_353, %dma_start3A_354] : memref<10112x128xf32, #tpu.memory_space<vmem_shared>> -> memref<10112x128xf32, #tpu.memory_space<vmem_shared>>
      tpu.enqueue_indirect_dma source(%arg9 : memref<128x128xf32, #tpu.memory_space<vmem>>) target(%dma_start3A_355 : memref<10112x128xf32, #tpu.memory_space<vmem_shared>>) offsets(%dma_start3A_352 : memref<128xi32, #tpu.memory_space<vmem>>) semaphore(%arg14 : memref<!tpu.dma_semaphore, #tpu.memory_space<semaphore_mem>>) {add = true}
      %dma_wait3A_356 = arith.constant 0 : i32
      %dma_wait3A_357 = arith.constant 0 : i32
      %dma_wait3A_358 = tpu.memref_slice %arg7[%dma_wait3A_356, %dma_wait3A_357] : memref<40x128xi32, #tpu.memory_space<vmem>> -> memref<1x128xi32, #tpu.memory_space<vmem>>
      %dma_wait3A_359 = tpu.memref_squeeze %dma_wait3A_358 : memref<1x128xi32, #tpu.memory_space<vmem>> -> memref<128xi32, #tpu.memory_space<vmem>>
      %dma_wait3A_360 = arith.constant 0 : i32
      %dma_wait3A_361 = arith.constant 0 : i32
      %dma_wait3A_362 = tpu.memref_slice %arg2[%dma_wait3A_360, %dma_wait3A_361] : memref<10000x128xf32, #tpu.memory_space<hbm>> -> memref<10000x128xf32, #tpu.memory_space<hbm>>
      tpu.wait_indirect_dma semaphore(%arg13 : memref<!tpu.dma_semaphore, #tpu.memory_space<semaphore_mem>>) src(%dma_wait3A_362 : memref<10000x128xf32, #tpu.memory_space<hbm>>) dst(%arg10 : memref<128x128xf32, #tpu.memory_space<vmem>>)
      %dma_wait3A_363 = arith.constant 0 : i32
      %dma_wait3A_364 = arith.constant 0 : i32
      %dma_wait3A_365 = tpu.memref_slice %arg8[%dma_wait3A_363, %dma_wait3A_364] : memref<40x128xi32, #tpu.memory_space<vmem>> -> memref<1x128xi32, #tpu.memory_space<vmem>>
      %dma_wait3A_366 = tpu.memref_squeeze %dma_wait3A_365 : memref<1x128xi32, #tpu.memory_space<vmem>> -> memref<128xi32, #tpu.memory_space<vmem>>
      %dma_wait3A_367 = arith.constant 0 : i32
      %dma_wait3A_368 = arith.constant 0 : i32
      %dma_wait3A_369 = tpu.memref_slice %arg11[%dma_wait3A_367, %dma_wait3A_368] : memref<10112x128xf32, #tpu.memory_space<vmem_shared>> -> memref<10112x128xf32, #tpu.memory_space<vmem_shared>>
      tpu.wait_indirect_dma semaphore(%arg14 : memref<!tpu.dma_semaphore, #tpu.memory_space<semaphore_mem>>) src(%arg9 : memref<128x128xf32, #tpu.memory_space<vmem>>) dst(%dma_wait3A_369 : memref<10112x128xf32, #tpu.memory_space<vmem_shared>>)
      %lt3A = arith.constant 19 : i32
      %lt3A_370 = arith.cmpi slt, %scan3A_330, %lt3A : i32
      %convert_element_type3A_371 = arith.extui %lt3A_370 : i1 to i32
      %cond3A_372 = arith.constant 0 : i32
      %cond3A_373 = arith.cmpi ne, %convert_element_type3A_371, %cond3A_372 : i32
      scf.if %cond3A_373 {
        %add3A_380 = arith.constant 2 : i32
        %add3A_381 = arith.addi %mul3A_332, %add3A_380 : i32
        %dma_start3A_382 = arith.constant 0 : i32
        %dma_start3A_383 = tpu.memref_slice %arg7[%add3A_381, %dma_start3A_382] : memref<40x128xi32, #tpu.memory_space<vmem>> -> memref<1x128xi32, #tpu.memory_space<vmem>>
        %dma_start3A_384 = tpu.memref_squeeze %dma_start3A_383 : memref<1x128xi32, #tpu.memory_space<vmem>> -> memref<128xi32, #tpu.memory_space<vmem>>
        %dma_start3A_385 = arith.constant 0 : i32
        %dma_start3A_386 = arith.constant 0 : i32
        %dma_start3A_387 = tpu.memref_slice %arg2[%dma_start3A_385, %dma_start3A_386] : memref<10000x128xf32, #tpu.memory_space<hbm>> -> memref<10000x128xf32, #tpu.memory_space<hbm>>
        tpu.enqueue_indirect_dma source(%dma_start3A_387 : memref<10000x128xf32, #tpu.memory_space<hbm>>) target(%arg9 : memref<128x128xf32, #tpu.memory_space<vmem>>) offsets(%dma_start3A_384 : memref<128xi32, #tpu.memory_space<vmem>>) semaphore(%arg12 : memref<!tpu.dma_semaphore, #tpu.memory_space<semaphore_mem>>)
      } else {
      }
      %dma_start3A_374 = arith.constant 0 : i32
      %dma_start3A_375 = tpu.memref_slice %arg8[%add3A_334, %dma_start3A_374] : memref<40x128xi32, #tpu.memory_space<vmem>> -> memref<1x128xi32, #tpu.memory_space<vmem>>
      %dma_start3A_376 = tpu.memref_squeeze %dma_start3A_375 : memref<1x128xi32, #tpu.memory_space<vmem>> -> memref<128xi32, #tpu.memory_space<vmem>>
      %dma_start3A_377 = arith.constant 0 : i32
      %dma_start3A_378 = arith.constant 0 : i32
      %dma_start3A_379 = tpu.memref_slice %arg11[%dma_start3A_377, %dma_start3A_378] : memref<10112x128xf32, #tpu.memory_space<vmem_shared>> -> memref<10112x128xf32, #tpu.memory_space<vmem_shared>>
      tpu.enqueue_indirect_dma source(%arg10 : memref<128x128xf32, #tpu.memory_space<vmem>>) target(%dma_start3A_379 : memref<10112x128xf32, #tpu.memory_space<vmem_shared>>) offsets(%dma_start3A_376 : memref<128xi32, #tpu.memory_space<vmem>>) semaphore(%arg15 : memref<!tpu.dma_semaphore, #tpu.memory_space<semaphore_mem>>) {add = true}
    }
    %scan3A_138 = arith.constant 20 : i32
    %dma_wait3A_139 = arith.constant 0 : i32
    %dma_wait3A_140 = arith.constant 0 : i32
    %dma_wait3A_141 = tpu.memref_slice %arg8[%dma_wait3A_139, %dma_wait3A_140] : memref<40x128xi32, #tpu.memory_space<vmem>> -> memref<1x128xi32, #tpu.memory_space<vmem>>
    %dma_wait3A_142 = tpu.memref_squeeze %dma_wait3A_141 : memref<1x128xi32, #tpu.memory_space<vmem>> -> memref<128xi32, #tpu.memory_space<vmem>>
    %dma_wait3A_143 = arith.constant 0 : i32
    %dma_wait3A_144 = arith.constant 0 : i32
    %dma_wait3A_145 = tpu.memref_slice %arg11[%dma_wait3A_143, %dma_wait3A_144] : memref<10112x128xf32, #tpu.memory_space<vmem_shared>> -> memref<10112x128xf32, #tpu.memory_space<vmem_shared>>
    tpu.wait_indirect_dma semaphore(%arg15 : memref<!tpu.dma_semaphore, #tpu.memory_space<semaphore_mem>>) src(%arg10 : memref<128x128xf32, #tpu.memory_space<vmem>>) dst(%dma_wait3A_145 : memref<10112x128xf32, #tpu.memory_space<vmem_shared>>)
    %mul3A_146 = arith.constant 80 : i32
    %mul3A_147 = arith.muli %add3A, %mul3A_146 : i32
    %add3A_148 = arith.constant 40 : i32
    %add3A_149 = arith.addi %mul3A_147, %add3A_148 : i32
    "tpu.region"() ({
      %run_scoped3A = tpu.sem_alloc : memref<!tpu.dma_semaphore, #tpu.memory_space<semaphore_mem>>
      %dma_start3A_330 = arith.constant 0 : i32
      %dma_start3A_331 = tpu.memref_slice %arg3[%add3A_149, %dma_start3A_330] : memref<2560x128xi32, #tpu.memory_space<hbm>> -> memref<40x128xi32, #tpu.memory_space<hbm>>
      %dma_start3A_332 = arith.constant 0 : i32
      %dma_start3A_333 = tpu.memref_slice %arg3[%add3A_149, %dma_start3A_332] : memref<2560x128xi32, #tpu.memory_space<hbm>> -> memref<40x128xi32, #tpu.memory_space<hbm>>
      tpu.enqueue_dma source(%dma_start3A_333 : memref<40x128xi32, #tpu.memory_space<hbm>>) target(%arg7 : memref<40x128xi32, #tpu.memory_space<vmem>>) target_semaphore(%run_scoped3A : memref<!tpu.dma_semaphore, #tpu.memory_space<semaphore_mem>>)
      %dma_wait3A_334 = arith.constant 0 : i32
      %dma_wait3A_335 = tpu.memref_slice %arg3[%add3A_149, %dma_wait3A_334] : memref<2560x128xi32, #tpu.memory_space<hbm>> -> memref<40x128xi32, #tpu.memory_space<hbm>>
      %dma_wait3A_336 = arith.constant 0 : i32
      %dma_wait3A_337 = tpu.memref_slice %arg3[%add3A_149, %dma_wait3A_336] : memref<2560x128xi32, #tpu.memory_space<hbm>> -> memref<40x128xi32, #tpu.memory_space<hbm>>
      tpu.wait_dma2 semaphore(%run_scoped3A : memref<!tpu.dma_semaphore, #tpu.memory_space<semaphore_mem>>) src(%dma_wait3A_337 : memref<40x128xi32, #tpu.memory_space<hbm>>) dst(%arg7 : memref<40x128xi32, #tpu.memory_space<vmem>>)
      tpu.yield
    }) : () -> ()
    %mul3A_150 = arith.constant 80 : i32
    %mul3A_151 = arith.muli %add3A, %mul3A_150 : i32
    %add3A_152 = arith.constant 40 : i32
    %add3A_153 = arith.addi %mul3A_151, %add3A_152 : i32
    "tpu.region"() ({
      %run_scoped3A = tpu.sem_alloc : memref<!tpu.dma_semaphore, #tpu.memory_space<semaphore_mem>>
      %dma_start3A_330 = arith.constant 0 : i32
      %dma_start3A_331 = tpu.memref_slice %arg4[%add3A_153, %dma_start3A_330] : memref<2560x128xi32, #tpu.memory_space<hbm>> -> memref<40x128xi32, #tpu.memory_space<hbm>>
      %dma_start3A_332 = arith.constant 0 : i32
      %dma_start3A_333 = tpu.memref_slice %arg4[%add3A_153, %dma_start3A_332] : memref<2560x128xi32, #tpu.memory_space<hbm>> -> memref<40x128xi32, #tpu.memory_space<hbm>>
      tpu.enqueue_dma source(%dma_start3A_333 : memref<40x128xi32, #tpu.memory_space<hbm>>) target(%arg8 : memref<40x128xi32, #tpu.memory_space<vmem>>) target_semaphore(%run_scoped3A : memref<!tpu.dma_semaphore, #tpu.memory_space<semaphore_mem>>)
      %dma_wait3A_334 = arith.constant 0 : i32
      %dma_wait3A_335 = tpu.memref_slice %arg4[%add3A_153, %dma_wait3A_334] : memref<2560x128xi32, #tpu.memory_space<hbm>> -> memref<40x128xi32, #tpu.memory_space<hbm>>
      %dma_wait3A_336 = arith.constant 0 : i32
      %dma_wait3A_337 = tpu.memref_slice %arg4[%add3A_153, %dma_wait3A_336] : memref<2560x128xi32, #tpu.memory_space<hbm>> -> memref<40x128xi32, #tpu.memory_space<hbm>>
      tpu.wait_dma2 semaphore(%run_scoped3A : memref<!tpu.dma_semaphore, #tpu.memory_space<semaphore_mem>>) src(%dma_wait3A_337 : memref<40x128xi32, #tpu.memory_space<hbm>>) dst(%arg8 : memref<40x128xi32, #tpu.memory_space<vmem>>)
      tpu.yield
    }) : () -> ()
    %dma_start3A_154 = arith.constant 0 : i32
    %dma_start3A_155 = arith.constant 0 : i32
    %dma_start3A_156 = tpu.memref_slice %arg7[%dma_start3A_154, %dma_start3A_155] : memref<40x128xi32, #tpu.memory_space<vmem>> -> memref<1x128xi32, #tpu.memory_space<vmem>>
    %dma_start3A_157 = tpu.memref_squeeze %dma_start3A_156 : memref<1x128xi32, #tpu.memory_space<vmem>> -> memref<128xi32, #tpu.memory_space<vmem>>
    %dma_start3A_158 = arith.constant 0 : i32
    %dma_start3A_159 = arith.constant 0 : i32
    %dma_start3A_160 = tpu.memref_slice %arg2[%dma_start3A_158, %dma_start3A_159] : memref<10000x128xf32, #tpu.memory_space<hbm>> -> memref<10000x128xf32, #tpu.memory_space<hbm>>
    tpu.enqueue_indirect_dma source(%dma_start3A_160 : memref<10000x128xf32, #tpu.memory_space<hbm>>) target(%arg9 : memref<128x128xf32, #tpu.memory_space<vmem>>) offsets(%dma_start3A_157 : memref<128xi32, #tpu.memory_space<vmem>>) semaphore(%arg12 : memref<!tpu.dma_semaphore, #tpu.memory_space<semaphore_mem>>)
    %scan3A_161 = arith.constant 0 : i32
    %scan3A_162 = arith.constant 0 : i32
    %scan3A_163 = arith.constant 20 : i32
    %scan3A_164 = arith.addi %scan3A_162, %scan3A_163 : i32
    %scan3A_165 = arith.constant 1 : i32
    scf.for %scan3A_330 = %scan3A_162 to %scan3A_164 step %scan3A_165  : i32 {
      %mul3A_331 = arith.constant 2 : i32
      %mul3A_332 = arith.muli %mul3A_331, %scan3A_330 : i32
      %add3A_333 = arith.constant 1 : i32
      %add3A_334 = arith.addi %mul3A_332, %add3A_333 : i32
      %dma_wait3A_335 = arith.constant 0 : i32
      %dma_wait3A_336 = arith.constant 0 : i32
      %dma_wait3A_337 = tpu.memref_slice %arg7[%dma_wait3A_335, %dma_wait3A_336] : memref<40x128xi32, #tpu.memory_space<vmem>> -> memref<1x128xi32, #tpu.memory_space<vmem>>
      %dma_wait3A_338 = tpu.memref_squeeze %dma_wait3A_337 : memref<1x128xi32, #tpu.memory_space<vmem>> -> memref<128xi32, #tpu.memory_space<vmem>>
      %dma_wait3A_339 = arith.constant 0 : i32
      %dma_wait3A_340 = arith.constant 0 : i32
      %dma_wait3A_341 = tpu.memref_slice %arg2[%dma_wait3A_339, %dma_wait3A_340] : memref<10000x128xf32, #tpu.memory_space<hbm>> -> memref<10000x128xf32, #tpu.memory_space<hbm>>
      tpu.wait_indirect_dma semaphore(%arg12 : memref<!tpu.dma_semaphore, #tpu.memory_space<semaphore_mem>>) src(%dma_wait3A_341 : memref<10000x128xf32, #tpu.memory_space<hbm>>) dst(%arg9 : memref<128x128xf32, #tpu.memory_space<vmem>>)
      %gt3A = arith.constant 0 : i32
      %gt3A_342 = arith.cmpi sgt, %scan3A_330, %gt3A : i32
      %convert_element_type3A = arith.extui %gt3A_342 : i1 to i32
      %cond3A = arith.constant 0 : i32
      %cond3A_343 = arith.cmpi ne, %convert_element_type3A, %cond3A : i32
      scf.if %cond3A_343 {
        %dma_wait3A_380 = arith.constant 0 : i32
        %dma_wait3A_381 = arith.constant 0 : i32
        %dma_wait3A_382 = tpu.memref_slice %arg8[%dma_wait3A_380, %dma_wait3A_381] : memref<40x128xi32, #tpu.memory_space<vmem>> -> memref<1x128xi32, #tpu.memory_space<vmem>>
        %dma_wait3A_383 = tpu.memref_squeeze %dma_wait3A_382 : memref<1x128xi32, #tpu.memory_space<vmem>> -> memref<128xi32, #tpu.memory_space<vmem>>
        %dma_wait3A_384 = arith.constant 0 : i32
        %dma_wait3A_385 = arith.constant 0 : i32
        %dma_wait3A_386 = tpu.memref_slice %arg11[%dma_wait3A_384, %dma_wait3A_385] : memref<10112x128xf32, #tpu.memory_space<vmem_shared>> -> memref<10112x128xf32, #tpu.memory_space<vmem_shared>>
        tpu.wait_indirect_dma semaphore(%arg15 : memref<!tpu.dma_semaphore, #tpu.memory_space<semaphore_mem>>) src(%arg10 : memref<128x128xf32, #tpu.memory_space<vmem>>) dst(%dma_wait3A_386 : memref<10112x128xf32, #tpu.memory_space<vmem_shared>>)
      } else {
      }
      %dma_start3A_344 = arith.constant 0 : i32
      %dma_start3A_345 = tpu.memref_slice %arg7[%add3A_334, %dma_start3A_344] : memref<40x128xi32, #tpu.memory_space<vmem>> -> memref<1x128xi32, #tpu.memory_space<vmem>>
      %dma_start3A_346 = tpu.memref_squeeze %dma_start3A_345 : memref<1x128xi32, #tpu.memory_space<vmem>> -> memref<128xi32, #tpu.memory_space<vmem>>
      %dma_start3A_347 = arith.constant 0 : i32
      %dma_start3A_348 = arith.constant 0 : i32
      %dma_start3A_349 = tpu.memref_slice %arg2[%dma_start3A_347, %dma_start3A_348] : memref<10000x128xf32, #tpu.memory_space<hbm>> -> memref<10000x128xf32, #tpu.memory_space<hbm>>
      tpu.enqueue_indirect_dma source(%dma_start3A_349 : memref<10000x128xf32, #tpu.memory_space<hbm>>) target(%arg10 : memref<128x128xf32, #tpu.memory_space<vmem>>) offsets(%dma_start3A_346 : memref<128xi32, #tpu.memory_space<vmem>>) semaphore(%arg13 : memref<!tpu.dma_semaphore, #tpu.memory_space<semaphore_mem>>)
      %dma_start3A_350 = arith.constant 0 : i32
      %dma_start3A_351 = tpu.memref_slice %arg8[%mul3A_332, %dma_start3A_350] : memref<40x128xi32, #tpu.memory_space<vmem>> -> memref<1x128xi32, #tpu.memory_space<vmem>>
      %dma_start3A_352 = tpu.memref_squeeze %dma_start3A_351 : memref<1x128xi32, #tpu.memory_space<vmem>> -> memref<128xi32, #tpu.memory_space<vmem>>
      %dma_start3A_353 = arith.constant 0 : i32
      %dma_start3A_354 = arith.constant 0 : i32
      %dma_start3A_355 = tpu.memref_slice %arg11[%dma_start3A_353, %dma_start3A_354] : memref<10112x128xf32, #tpu.memory_space<vmem_shared>> -> memref<10112x128xf32, #tpu.memory_space<vmem_shared>>
      tpu.enqueue_indirect_dma source(%arg9 : memref<128x128xf32, #tpu.memory_space<vmem>>) target(%dma_start3A_355 : memref<10112x128xf32, #tpu.memory_space<vmem_shared>>) offsets(%dma_start3A_352 : memref<128xi32, #tpu.memory_space<vmem>>) semaphore(%arg14 : memref<!tpu.dma_semaphore, #tpu.memory_space<semaphore_mem>>) {add = true}
      %dma_wait3A_356 = arith.constant 0 : i32
      %dma_wait3A_357 = arith.constant 0 : i32
      %dma_wait3A_358 = tpu.memref_slice %arg7[%dma_wait3A_356, %dma_wait3A_357] : memref<40x128xi32, #tpu.memory_space<vmem>> -> memref<1x128xi32, #tpu.memory_space<vmem>>
      %dma_wait3A_359 = tpu.memref_squeeze %dma_wait3A_358 : memref<1x128xi32, #tpu.memory_space<vmem>> -> memref<128xi32, #tpu.memory_space<vmem>>
      %dma_wait3A_360 = arith.constant 0 : i32
      %dma_wait3A_361 = arith.constant 0 : i32
      %dma_wait3A_362 = tpu.memref_slice %arg2[%dma_wait3A_360, %dma_wait3A_361] : memref<10000x128xf32, #tpu.memory_space<hbm>> -> memref<10000x128xf32, #tpu.memory_space<hbm>>
      tpu.wait_indirect_dma semaphore(%arg13 : memref<!tpu.dma_semaphore, #tpu.memory_space<semaphore_mem>>) src(%dma_wait3A_362 : memref<10000x128xf32, #tpu.memory_space<hbm>>) dst(%arg10 : memref<128x128xf32, #tpu.memory_space<vmem>>)
      %dma_wait3A_363 = arith.constant 0 : i32
      %dma_wait3A_364 = arith.constant 0 : i32
      %dma_wait3A_365 = tpu.memref_slice %arg8[%dma_wait3A_363, %dma_wait3A_364] : memref<40x128xi32, #tpu.memory_space<vmem>> -> memref<1x128xi32, #tpu.memory_space<vmem>>
      %dma_wait3A_366 = tpu.memref_squeeze %dma_wait3A_365 : memref<1x128xi32, #tpu.memory_space<vmem>> -> memref<128xi32, #tpu.memory_space<vmem>>
      %dma_wait3A_367 = arith.constant 0 : i32
      %dma_wait3A_368 = arith.constant 0 : i32
      %dma_wait3A_369 = tpu.memref_slice %arg11[%dma_wait3A_367, %dma_wait3A_368] : memref<10112x128xf32, #tpu.memory_space<vmem_shared>> -> memref<10112x128xf32, #tpu.memory_space<vmem_shared>>
      tpu.wait_indirect_dma semaphore(%arg14 : memref<!tpu.dma_semaphore, #tpu.memory_space<semaphore_mem>>) src(%arg9 : memref<128x128xf32, #tpu.memory_space<vmem>>) dst(%dma_wait3A_369 : memref<10112x128xf32, #tpu.memory_space<vmem_shared>>)
      %lt3A = arith.constant 19 : i32
      %lt3A_370 = arith.cmpi slt, %scan3A_330, %lt3A : i32
      %convert_element_type3A_371 = arith.extui %lt3A_370 : i1 to i32
      %cond3A_372 = arith.constant 0 : i32
      %cond3A_373 = arith.cmpi ne, %convert_element_type3A_371, %cond3A_372 : i32
      scf.if %cond3A_373 {
        %add3A_380 = arith.constant 2 : i32
        %add3A_381 = arith.addi %mul3A_332, %add3A_380 : i32
        %dma_start3A_382 = arith.constant 0 : i32
        %dma_start3A_383 = tpu.memref_slice %arg7[%add3A_381, %dma_start3A_382] : memref<40x128xi32, #tpu.memory_space<vmem>> -> memref<1x128xi32, #tpu.memory_space<vmem>>
        %dma_start3A_384 = tpu.memref_squeeze %dma_start3A_383 : memref<1x128xi32, #tpu.memory_space<vmem>> -> memref<128xi32, #tpu.memory_space<vmem>>
        %dma_start3A_385 = arith.constant 0 : i32
        %dma_start3A_386 = arith.constant 0 : i32
        %dma_start3A_387 = tpu.memref_slice %arg2[%dma_start3A_385, %dma_start3A_386] : memref<10000x128xf32, #tpu.memory_space<hbm>> -> memref<10000x128xf32, #tpu.memory_space<hbm>>
        tpu.enqueue_indirect_dma source(%dma_start3A_387 : memref<10000x128xf32, #tpu.memory_space<hbm>>) target(%arg9 : memref<128x128xf32, #tpu.memory_space<vmem>>) offsets(%dma_start3A_384 : memref<128xi32, #tpu.memory_space<vmem>>) semaphore(%arg12 : memref<!tpu.dma_semaphore, #tpu.memory_space<semaphore_mem>>)
      } else {
      }
      %dma_start3A_374 = arith.constant 0 : i32
      %dma_start3A_375 = tpu.memref_slice %arg8[%add3A_334, %dma_start3A_374] : memref<40x128xi32, #tpu.memory_space<vmem>> -> memref<1x128xi32, #tpu.memory_space<vmem>>
      %dma_start3A_376 = tpu.memref_squeeze %dma_start3A_375 : memref<1x128xi32, #tpu.memory_space<vmem>> -> memref<128xi32, #tpu.memory_space<vmem>>
      %dma_start3A_377 = arith.constant 0 : i32
      %dma_start3A_378 = arith.constant 0 : i32
      %dma_start3A_379 = tpu.memref_slice %arg11[%dma_start3A_377, %dma_start3A_378] : memref<10112x128xf32, #tpu.memory_space<vmem_shared>> -> memref<10112x128xf32, #tpu.memory_space<vmem_shared>>
      tpu.enqueue_indirect_dma source(%arg10 : memref<128x128xf32, #tpu.memory_space<vmem>>) target(%dma_start3A_379 : memref<10112x128xf32, #tpu.memory_space<vmem_shared>>) offsets(%dma_start3A_376 : memref<128xi32, #tpu.memory_space<vmem>>) semaphore(%arg15 : memref<!tpu.dma_semaphore, #tpu.memory_space<semaphore_mem>>) {add = true}
    }
    %scan3A_166 = arith.constant 20 : i32
    %dma_wait3A_167 = arith.constant 0 : i32
    %dma_wait3A_168 = arith.constant 0 : i32
    %dma_wait3A_169 = tpu.memref_slice %arg8[%dma_wait3A_167, %dma_wait3A_168] : memref<40x128xi32, #tpu.memory_space<vmem>> -> memref<1x128xi32, #tpu.memory_space<vmem>>
    %dma_wait3A_170 = tpu.memref_squeeze %dma_wait3A_169 : memref<1x128xi32, #tpu.memory_space<vmem>> -> memref<128xi32, #tpu.memory_space<vmem>>
    %dma_wait3A_171 = arith.constant 0 : i32
    %dma_wait3A_172 = arith.constant 0 : i32
    %dma_wait3A_173 = tpu.memref_slice %arg11[%dma_wait3A_171, %dma_wait3A_172] : memref<10112x128xf32, #tpu.memory_space<vmem_shared>> -> memref<10112x128xf32, #tpu.memory_space<vmem_shared>>
    tpu.wait_indirect_dma semaphore(%arg15 : memref<!tpu.dma_semaphore, #tpu.memory_space<semaphore_mem>>) src(%arg10 : memref<128x128xf32, #tpu.memory_space<vmem>>) dst(%dma_wait3A_173 : memref<10112x128xf32, #tpu.memory_space<vmem_shared>>)
    %barrier3A_174 = arith.constant 0 : index
    tpu.barrier barrier_id(%barrier3A_174)
    %mul3A_175 = arith.constant 632 : i32
    %mul3A_176 = arith.muli %arg1, %mul3A_175 : i32
    %add3A_177 = arith.constant 0 : i32
    %add3A_178 = arith.addi %mul3A_176, %add3A_177 : i32
    "tpu.region"() ({
      %run_scoped3A = tpu.sem_alloc : memref<!tpu.dma_semaphore, #tpu.memory_space<semaphore_mem>>
      %dma_start3A_330 = arith.constant 0 : i32
      %dma_start3A_331 = arith.constant 0 : i32
      %dma_start3A_332 = tpu.memref_slice %arg9[%dma_start3A_330, %dma_start3A_331] : memref<128x128xf32, #tpu.memory_space<vmem>> -> memref<128x128xf32, #tpu.memory_space<vmem>>
      %dma_start3A_333 = arith.constant 0 : i32
      %dma_start3A_334 = tpu.memref_slice %arg11[%add3A_178, %dma_start3A_333] : memref<10112x128xf32, #tpu.memory_space<vmem_shared>> -> memref<128x128xf32, #tpu.memory_space<vmem_shared>>
      %dma_start3A_335 = arith.constant 0 : i32
      %dma_start3A_336 = arith.constant 0 : i32
      %dma_start3A_337 = tpu.memref_slice %arg9[%dma_start3A_335, %dma_start3A_336] : memref<128x128xf32, #tpu.memory_space<vmem>> -> memref<128x128xf32, #tpu.memory_space<vmem>>
      %dma_start3A_338 = arith.constant 0 : i32
      %dma_start3A_339 = tpu.memref_slice %arg11[%add3A_178, %dma_start3A_338] : memref<10112x128xf32, #tpu.memory_space<vmem_shared>> -> memref<128x128xf32, #tpu.memory_space<vmem_shared>>
      tpu.enqueue_dma source(%dma_start3A_339 : memref<128x128xf32, #tpu.memory_space<vmem_shared>>) target(%dma_start3A_337 : memref<128x128xf32, #tpu.memory_space<vmem>>) target_semaphore(%run_scoped3A : memref<!tpu.dma_semaphore, #tpu.memory_space<semaphore_mem>>)
      %dma_wait3A_340 = arith.constant 0 : i32
      %dma_wait3A_341 = arith.constant 0 : i32
      %dma_wait3A_342 = tpu.memref_slice %arg9[%dma_wait3A_340, %dma_wait3A_341] : memref<128x128xf32, #tpu.memory_space<vmem>> -> memref<128x128xf32, #tpu.memory_space<vmem>>
      %dma_wait3A_343 = arith.constant 0 : i32
      %dma_wait3A_344 = tpu.memref_slice %arg11[%add3A_178, %dma_wait3A_343] : memref<10112x128xf32, #tpu.memory_space<vmem_shared>> -> memref<128x128xf32, #tpu.memory_space<vmem_shared>>
      %dma_wait3A_345 = arith.constant 0 : i32
      %dma_wait3A_346 = arith.constant 0 : i32
      %dma_wait3A_347 = tpu.memref_slice %arg9[%dma_wait3A_345, %dma_wait3A_346] : memref<128x128xf32, #tpu.memory_space<vmem>> -> memref<128x128xf32, #tpu.memory_space<vmem>>
      %dma_wait3A_348 = arith.constant 0 : i32
      %dma_wait3A_349 = tpu.memref_slice %arg11[%add3A_178, %dma_wait3A_348] : memref<10112x128xf32, #tpu.memory_space<vmem_shared>> -> memref<128x128xf32, #tpu.memory_space<vmem_shared>>
      tpu.wait_dma2 semaphore(%run_scoped3A : memref<!tpu.dma_semaphore, #tpu.memory_space<semaphore_mem>>) src(%dma_wait3A_349 : memref<128x128xf32, #tpu.memory_space<vmem_shared>>) dst(%dma_wait3A_347 : memref<128x128xf32, #tpu.memory_space<vmem>>)
      tpu.yield
    }) : () -> ()
    %mul3A_179 = arith.constant 10112 : i32
    %mul3A_180 = arith.muli %arg0, %mul3A_179 : i32
    %mul3A_181 = arith.constant 632 : i32
    %mul3A_182 = arith.muli %arg1, %mul3A_181 : i32
    %add3A_183 = arith.addi %mul3A_180, %mul3A_182 : i32
    %add3A_184 = arith.constant 0 : i32
    %add3A_185 = arith.addi %add3A_183, %add3A_184 : i32
    %dma_start3A_186 = arith.constant 0 : i32
    %dma_start3A_187 = arith.constant 0 : i32
    %dma_start3A_188 = tpu.memref_slice %arg9[%dma_start3A_186, %dma_start3A_187] : memref<128x128xf32, #tpu.memory_space<vmem>> -> memref<128x128xf32, #tpu.memory_space<vmem>>
    %dma_start3A_189 = arith.constant 0 : i32
    %dma_start3A_190 = tpu.memref_slice %arg6[%add3A_185, %dma_start3A_189] : memref<20224x128xf32, #tpu.memory_space<hbm>> -> memref<128x128xf32, #tpu.memory_space<hbm>>
    %dma_start3A_191 = arith.constant 0 : i32
    %dma_start3A_192 = tpu.memref_slice %arg6[%add3A_185, %dma_start3A_191] : memref<20224x128xf32, #tpu.memory_space<hbm>> -> memref<128x128xf32, #tpu.memory_space<hbm>>
    %dma_start3A_193 = arith.constant 0 : i32
    %dma_start3A_194 = arith.constant 0 : i32
    %dma_start3A_195 = tpu.memref_slice %arg9[%dma_start3A_193, %dma_start3A_194] : memref<128x128xf32, #tpu.memory_space<vmem>> -> memref<128x128xf32, #tpu.memory_space<vmem>>
    tpu.enqueue_dma source(%dma_start3A_195 : memref<128x128xf32, #tpu.memory_space<vmem>>) target(%dma_start3A_192 : memref<128x128xf32, #tpu.memory_space<hbm>>) target_semaphore(%arg14 : memref<!tpu.dma_semaphore, #tpu.memory_space<semaphore_mem>>)
    %mul3A_196 = arith.constant 632 : i32
    %mul3A_197 = arith.muli %arg1, %mul3A_196 : i32
    %add3A_198 = arith.constant 128 : i32
    %add3A_199 = arith.addi %mul3A_197, %add3A_198 : i32
    "tpu.region"() ({
      %run_scoped3A = tpu.sem_alloc : memref<!tpu.dma_semaphore, #tpu.memory_space<semaphore_mem>>
      %dma_start3A_330 = arith.constant 0 : i32
      %dma_start3A_331 = arith.constant 0 : i32
      %dma_start3A_332 = tpu.memref_slice %arg10[%dma_start3A_330, %dma_start3A_331] : memref<128x128xf32, #tpu.memory_space<vmem>> -> memref<128x128xf32, #tpu.memory_space<vmem>>
      %dma_start3A_333 = arith.constant 0 : i32
      %dma_start3A_334 = tpu.memref_slice %arg11[%add3A_199, %dma_start3A_333] : memref<10112x128xf32, #tpu.memory_space<vmem_shared>> -> memref<128x128xf32, #tpu.memory_space<vmem_shared>>
      %dma_start3A_335 = arith.constant 0 : i32
      %dma_start3A_336 = arith.constant 0 : i32
      %dma_start3A_337 = tpu.memref_slice %arg10[%dma_start3A_335, %dma_start3A_336] : memref<128x128xf32, #tpu.memory_space<vmem>> -> memref<128x128xf32, #tpu.memory_space<vmem>>
      %dma_start3A_338 = arith.constant 0 : i32
      %dma_start3A_339 = tpu.memref_slice %arg11[%add3A_199, %dma_start3A_338] : memref<10112x128xf32, #tpu.memory_space<vmem_shared>> -> memref<128x128xf32, #tpu.memory_space<vmem_shared>>
      tpu.enqueue_dma source(%dma_start3A_339 : memref<128x128xf32, #tpu.memory_space<vmem_shared>>) target(%dma_start3A_337 : memref<128x128xf32, #tpu.memory_space<vmem>>) target_semaphore(%run_scoped3A : memref<!tpu.dma_semaphore, #tpu.memory_space<semaphore_mem>>)
      %dma_wait3A_340 = arith.constant 0 : i32
      %dma_wait3A_341 = arith.constant 0 : i32
      %dma_wait3A_342 = tpu.memref_slice %arg10[%dma_wait3A_340, %dma_wait3A_341] : memref<128x128xf32, #tpu.memory_space<vmem>> -> memref<128x128xf32, #tpu.memory_space<vmem>>
      %dma_wait3A_343 = arith.constant 0 : i32
      %dma_wait3A_344 = tpu.memref_slice %arg11[%add3A_199, %dma_wait3A_343] : memref<10112x128xf32, #tpu.memory_space<vmem_shared>> -> memref<128x128xf32, #tpu.memory_space<vmem_shared>>
      %dma_wait3A_345 = arith.constant 0 : i32
      %dma_wait3A_346 = arith.constant 0 : i32
      %dma_wait3A_347 = tpu.memref_slice %arg10[%dma_wait3A_345, %dma_wait3A_346] : memref<128x128xf32, #tpu.memory_space<vmem>> -> memref<128x128xf32, #tpu.memory_space<vmem>>
      %dma_wait3A_348 = arith.constant 0 : i32
      %dma_wait3A_349 = tpu.memref_slice %arg11[%add3A_199, %dma_wait3A_348] : memref<10112x128xf32, #tpu.memory_space<vmem_shared>> -> memref<128x128xf32, #tpu.memory_space<vmem_shared>>
      tpu.wait_dma2 semaphore(%run_scoped3A : memref<!tpu.dma_semaphore, #tpu.memory_space<semaphore_mem>>) src(%dma_wait3A_349 : memref<128x128xf32, #tpu.memory_space<vmem_shared>>) dst(%dma_wait3A_347 : memref<128x128xf32, #tpu.memory_space<vmem>>)
      tpu.yield
    }) : () -> ()
    %mul3A_200 = arith.constant 10112 : i32
    %mul3A_201 = arith.muli %arg0, %mul3A_200 : i32
    %mul3A_202 = arith.constant 632 : i32
    %mul3A_203 = arith.muli %arg1, %mul3A_202 : i32
    %add3A_204 = arith.addi %mul3A_201, %mul3A_203 : i32
    %add3A_205 = arith.constant 128 : i32
    %add3A_206 = arith.addi %add3A_204, %add3A_205 : i32
    %dma_start3A_207 = arith.constant 0 : i32
    %dma_start3A_208 = arith.constant 0 : i32
    %dma_start3A_209 = tpu.memref_slice %arg10[%dma_start3A_207, %dma_start3A_208] : memref<128x128xf32, #tpu.memory_space<vmem>> -> memref<128x128xf32, #tpu.memory_space<vmem>>
    %dma_start3A_210 = arith.constant 0 : i32
    %dma_start3A_211 = tpu.memref_slice %arg6[%add3A_206, %dma_start3A_210] : memref<20224x128xf32, #tpu.memory_space<hbm>> -> memref<128x128xf32, #tpu.memory_space<hbm>>
    %dma_start3A_212 = arith.constant 0 : i32
    %dma_start3A_213 = tpu.memref_slice %arg6[%add3A_206, %dma_start3A_212] : memref<20224x128xf32, #tpu.memory_space<hbm>> -> memref<128x128xf32, #tpu.memory_space<hbm>>
    %dma_start3A_214 = arith.constant 0 : i32
    %dma_start3A_215 = arith.constant 0 : i32
    %dma_start3A_216 = tpu.memref_slice %arg10[%dma_start3A_214, %dma_start3A_215] : memref<128x128xf32, #tpu.memory_space<vmem>> -> memref<128x128xf32, #tpu.memory_space<vmem>>
    tpu.enqueue_dma source(%dma_start3A_216 : memref<128x128xf32, #tpu.memory_space<vmem>>) target(%dma_start3A_213 : memref<128x128xf32, #tpu.memory_space<hbm>>) target_semaphore(%arg15 : memref<!tpu.dma_semaphore, #tpu.memory_space<semaphore_mem>>)
    %dma_wait3A_217 = arith.constant 0 : i32
    %dma_wait3A_218 = arith.constant 0 : i32
    %dma_wait3A_219 = tpu.memref_slice %arg9[%dma_wait3A_217, %dma_wait3A_218] : memref<128x128xf32, #tpu.memory_space<vmem>> -> memref<128x128xf32, #tpu.memory_space<vmem>>
    %dma_wait3A_220 = arith.constant 0 : i32
    %dma_wait3A_221 = tpu.memref_slice %arg6[%add3A_185, %dma_wait3A_220] : memref<20224x128xf32, #tpu.memory_space<hbm>> -> memref<128x128xf32, #tpu.memory_space<hbm>>
    %dma_wait3A_222 = arith.constant 0 : i32
    %dma_wait3A_223 = tpu.memref_slice %arg6[%add3A_185, %dma_wait3A_222] : memref<20224x128xf32, #tpu.memory_space<hbm>> -> memref<128x128xf32, #tpu.memory_space<hbm>>
    %dma_wait3A_224 = arith.constant 0 : i32
    %dma_wait3A_225 = arith.constant 0 : i32
    %dma_wait3A_226 = tpu.memref_slice %arg9[%dma_wait3A_224, %dma_wait3A_225] : memref<128x128xf32, #tpu.memory_space<vmem>> -> memref<128x128xf32, #tpu.memory_space<vmem>>
    tpu.wait_dma2 semaphore(%arg14 : memref<!tpu.dma_semaphore, #tpu.memory_space<semaphore_mem>>) src(%dma_wait3A_226 : memref<128x128xf32, #tpu.memory_space<vmem>>) dst(%dma_wait3A_223 : memref<128x128xf32, #tpu.memory_space<hbm>>)
    %mul3A_227 = arith.constant 632 : i32
    %mul3A_228 = arith.muli %arg1, %mul3A_227 : i32
    %add3A_229 = arith.constant 256 : i32
    %add3A_230 = arith.addi %mul3A_228, %add3A_229 : i32
    "tpu.region"() ({
      %run_scoped3A = tpu.sem_alloc : memref<!tpu.dma_semaphore, #tpu.memory_space<semaphore_mem>>
      %dma_start3A_330 = arith.constant 0 : i32
      %dma_start3A_331 = arith.constant 0 : i32
      %dma_start3A_332 = tpu.memref_slice %arg9[%dma_start3A_330, %dma_start3A_331] : memref<128x128xf32, #tpu.memory_space<vmem>> -> memref<128x128xf32, #tpu.memory_space<vmem>>
      %dma_start3A_333 = arith.constant 0 : i32
      %dma_start3A_334 = tpu.memref_slice %arg11[%add3A_230, %dma_start3A_333] : memref<10112x128xf32, #tpu.memory_space<vmem_shared>> -> memref<128x128xf32, #tpu.memory_space<vmem_shared>>
      %dma_start3A_335 = arith.constant 0 : i32
      %dma_start3A_336 = arith.constant 0 : i32
      %dma_start3A_337 = tpu.memref_slice %arg9[%dma_start3A_335, %dma_start3A_336] : memref<128x128xf32, #tpu.memory_space<vmem>> -> memref<128x128xf32, #tpu.memory_space<vmem>>
      %dma_start3A_338 = arith.constant 0 : i32
      %dma_start3A_339 = tpu.memref_slice %arg11[%add3A_230, %dma_start3A_338] : memref<10112x128xf32, #tpu.memory_space<vmem_shared>> -> memref<128x128xf32, #tpu.memory_space<vmem_shared>>
      tpu.enqueue_dma source(%dma_start3A_339 : memref<128x128xf32, #tpu.memory_space<vmem_shared>>) target(%dma_start3A_337 : memref<128x128xf32, #tpu.memory_space<vmem>>) target_semaphore(%run_scoped3A : memref<!tpu.dma_semaphore, #tpu.memory_space<semaphore_mem>>)
      %dma_wait3A_340 = arith.constant 0 : i32
      %dma_wait3A_341 = arith.constant 0 : i32
      %dma_wait3A_342 = tpu.memref_slice %arg9[%dma_wait3A_340, %dma_wait3A_341] : memref<128x128xf32, #tpu.memory_space<vmem>> -> memref<128x128xf32, #tpu.memory_space<vmem>>
      %dma_wait3A_343 = arith.constant 0 : i32
      %dma_wait3A_344 = tpu.memref_slice %arg11[%add3A_230, %dma_wait3A_343] : memref<10112x128xf32, #tpu.memory_space<vmem_shared>> -> memref<128x128xf32, #tpu.memory_space<vmem_shared>>
      %dma_wait3A_345 = arith.constant 0 : i32
      %dma_wait3A_346 = arith.constant 0 : i32
      %dma_wait3A_347 = tpu.memref_slice %arg9[%dma_wait3A_345, %dma_wait3A_346] : memref<128x128xf32, #tpu.memory_space<vmem>> -> memref<128x128xf32, #tpu.memory_space<vmem>>
      %dma_wait3A_348 = arith.constant 0 : i32
      %dma_wait3A_349 = tpu.memref_slice %arg11[%add3A_230, %dma_wait3A_348] : memref<10112x128xf32, #tpu.memory_space<vmem_shared>> -> memref<128x128xf32, #tpu.memory_space<vmem_shared>>
      tpu.wait_dma2 semaphore(%run_scoped3A : memref<!tpu.dma_semaphore, #tpu.memory_space<semaphore_mem>>) src(%dma_wait3A_349 : memref<128x128xf32, #tpu.memory_space<vmem_shared>>) dst(%dma_wait3A_347 : memref<128x128xf32, #tpu.memory_space<vmem>>)
      tpu.yield
    }) : () -> ()
    %mul3A_231 = arith.constant 10112 : i32
    %mul3A_232 = arith.muli %arg0, %mul3A_231 : i32
    %mul3A_233 = arith.constant 632 : i32
    %mul3A_234 = arith.muli %arg1, %mul3A_233 : i32
    %add3A_235 = arith.addi %mul3A_232, %mul3A_234 : i32
    %add3A_236 = arith.constant 256 : i32
    %add3A_237 = arith.addi %add3A_235, %add3A_236 : i32
    %dma_start3A_238 = arith.constant 0 : i32
    %dma_start3A_239 = arith.constant 0 : i32
    %dma_start3A_240 = tpu.memref_slice %arg9[%dma_start3A_238, %dma_start3A_239] : memref<128x128xf32, #tpu.memory_space<vmem>> -> memref<128x128xf32, #tpu.memory_space<vmem>>
    %dma_start3A_241 = arith.constant 0 : i32
    %dma_start3A_242 = tpu.memref_slice %arg6[%add3A_237, %dma_start3A_241] : memref<20224x128xf32, #tpu.memory_space<hbm>> -> memref<128x128xf32, #tpu.memory_space<hbm>>
    %dma_start3A_243 = arith.constant 0 : i32
    %dma_start3A_244 = tpu.memref_slice %arg6[%add3A_237, %dma_start3A_243] : memref<20224x128xf32, #tpu.memory_space<hbm>> -> memref<128x128xf32, #tpu.memory_space<hbm>>
    %dma_start3A_245 = arith.constant 0 : i32
    %dma_start3A_246 = arith.constant 0 : i32
    %dma_start3A_247 = tpu.memref_slice %arg9[%dma_start3A_245, %dma_start3A_246] : memref<128x128xf32, #tpu.memory_space<vmem>> -> memref<128x128xf32, #tpu.memory_space<vmem>>
    tpu.enqueue_dma source(%dma_start3A_247 : memref<128x128xf32, #tpu.memory_space<vmem>>) target(%dma_start3A_244 : memref<128x128xf32, #tpu.memory_space<hbm>>) target_semaphore(%arg14 : memref<!tpu.dma_semaphore, #tpu.memory_space<semaphore_mem>>)
    %dma_wait3A_248 = arith.constant 0 : i32
    %dma_wait3A_249 = arith.constant 0 : i32
    %dma_wait3A_250 = tpu.memref_slice %arg10[%dma_wait3A_248, %dma_wait3A_249] : memref<128x128xf32, #tpu.memory_space<vmem>> -> memref<128x128xf32, #tpu.memory_space<vmem>>
    %dma_wait3A_251 = arith.constant 0 : i32
    %dma_wait3A_252 = tpu.memref_slice %arg6[%add3A_206, %dma_wait3A_251] : memref<20224x128xf32, #tpu.memory_space<hbm>> -> memref<128x128xf32, #tpu.memory_space<hbm>>
    %dma_wait3A_253 = arith.constant 0 : i32
    %dma_wait3A_254 = tpu.memref_slice %arg6[%add3A_206, %dma_wait3A_253] : memref<20224x128xf32, #tpu.memory_space<hbm>> -> memref<128x128xf32, #tpu.memory_space<hbm>>
    %dma_wait3A_255 = arith.constant 0 : i32
    %dma_wait3A_256 = arith.constant 0 : i32
    %dma_wait3A_257 = tpu.memref_slice %arg10[%dma_wait3A_255, %dma_wait3A_256] : memref<128x128xf32, #tpu.memory_space<vmem>> -> memref<128x128xf32, #tpu.memory_space<vmem>>
    tpu.wait_dma2 semaphore(%arg15 : memref<!tpu.dma_semaphore, #tpu.memory_space<semaphore_mem>>) src(%dma_wait3A_257 : memref<128x128xf32, #tpu.memory_space<vmem>>) dst(%dma_wait3A_254 : memref<128x128xf32, #tpu.memory_space<hbm>>)
    %mul3A_258 = arith.constant 632 : i32
    %mul3A_259 = arith.muli %arg1, %mul3A_258 : i32
    %add3A_260 = arith.constant 384 : i32
    %add3A_261 = arith.addi %mul3A_259, %add3A_260 : i32
    "tpu.region"() ({
      %run_scoped3A = tpu.sem_alloc : memref<!tpu.dma_semaphore, #tpu.memory_space<semaphore_mem>>
      %dma_start3A_330 = arith.constant 0 : i32
      %dma_start3A_331 = arith.constant 0 : i32
      %dma_start3A_332 = tpu.memref_slice %arg10[%dma_start3A_330, %dma_start3A_331] : memref<128x128xf32, #tpu.memory_space<vmem>> -> memref<128x128xf32, #tpu.memory_space<vmem>>
      %dma_start3A_333 = arith.constant 0 : i32
      %dma_start3A_334 = tpu.memref_slice %arg11[%add3A_261, %dma_start3A_333] : memref<10112x128xf32, #tpu.memory_space<vmem_shared>> -> memref<128x128xf32, #tpu.memory_space<vmem_shared>>
      %dma_start3A_335 = arith.constant 0 : i32
      %dma_start3A_336 = arith.constant 0 : i32
      %dma_start3A_337 = tpu.memref_slice %arg10[%dma_start3A_335, %dma_start3A_336] : memref<128x128xf32, #tpu.memory_space<vmem>> -> memref<128x128xf32, #tpu.memory_space<vmem>>
      %dma_start3A_338 = arith.constant 0 : i32
      %dma_start3A_339 = tpu.memref_slice %arg11[%add3A_261, %dma_start3A_338] : memref<10112x128xf32, #tpu.memory_space<vmem_shared>> -> memref<128x128xf32, #tpu.memory_space<vmem_shared>>
      tpu.enqueue_dma source(%dma_start3A_339 : memref<128x128xf32, #tpu.memory_space<vmem_shared>>) target(%dma_start3A_337 : memref<128x128xf32, #tpu.memory_space<vmem>>) target_semaphore(%run_scoped3A : memref<!tpu.dma_semaphore, #tpu.memory_space<semaphore_mem>>)
      %dma_wait3A_340 = arith.constant 0 : i32
      %dma_wait3A_341 = arith.constant 0 : i32
      %dma_wait3A_342 = tpu.memref_slice %arg10[%dma_wait3A_340, %dma_wait3A_341] : memref<128x128xf32, #tpu.memory_space<vmem>> -> memref<128x128xf32, #tpu.memory_space<vmem>>
      %dma_wait3A_343 = arith.constant 0 : i32
      %dma_wait3A_344 = tpu.memref_slice %arg11[%add3A_261, %dma_wait3A_343] : memref<10112x128xf32, #tpu.memory_space<vmem_shared>> -> memref<128x128xf32, #tpu.memory_space<vmem_shared>>
      %dma_wait3A_345 = arith.constant 0 : i32
      %dma_wait3A_346 = arith.constant 0 : i32
      %dma_wait3A_347 = tpu.memref_slice %arg10[%dma_wait3A_345, %dma_wait3A_346] : memref<128x128xf32, #tpu.memory_space<vmem>> -> memref<128x128xf32, #tpu.memory_space<vmem>>
      %dma_wait3A_348 = arith.constant 0 : i32
      %dma_wait3A_349 = tpu.memref_slice %arg11[%add3A_261, %dma_wait3A_348] : memref<10112x128xf32, #tpu.memory_space<vmem_shared>> -> memref<128x128xf32, #tpu.memory_space<vmem_shared>>
      tpu.wait_dma2 semaphore(%run_scoped3A : memref<!tpu.dma_semaphore, #tpu.memory_space<semaphore_mem>>) src(%dma_wait3A_349 : memref<128x128xf32, #tpu.memory_space<vmem_shared>>) dst(%dma_wait3A_347 : memref<128x128xf32, #tpu.memory_space<vmem>>)
      tpu.yield
    }) : () -> ()
    %mul3A_262 = arith.constant 10112 : i32
    %mul3A_263 = arith.muli %arg0, %mul3A_262 : i32
    %mul3A_264 = arith.constant 632 : i32
    %mul3A_265 = arith.muli %arg1, %mul3A_264 : i32
    %add3A_266 = arith.addi %mul3A_263, %mul3A_265 : i32
    %add3A_267 = arith.constant 384 : i32
    %add3A_268 = arith.addi %add3A_266, %add3A_267 : i32
    %dma_start3A_269 = arith.constant 0 : i32
    %dma_start3A_270 = arith.constant 0 : i32
    %dma_start3A_271 = tpu.memref_slice %arg10[%dma_start3A_269, %dma_start3A_270] : memref<128x128xf32, #tpu.memory_space<vmem>> -> memref<128x128xf32, #tpu.memory_space<vmem>>
    %dma_start3A_272 = arith.constant 0 : i32
    %dma_start3A_273 = tpu.memref_slice %arg6[%add3A_268, %dma_start3A_272] : memref<20224x128xf32, #tpu.memory_space<hbm>> -> memref<128x128xf32, #tpu.memory_space<hbm>>
    %dma_start3A_274 = arith.constant 0 : i32
    %dma_start3A_275 = tpu.memref_slice %arg6[%add3A_268, %dma_start3A_274] : memref<20224x128xf32, #tpu.memory_space<hbm>> -> memref<128x128xf32, #tpu.memory_space<hbm>>
    %dma_start3A_276 = arith.constant 0 : i32
    %dma_start3A_277 = arith.constant 0 : i32
    %dma_start3A_278 = tpu.memref_slice %arg10[%dma_start3A_276, %dma_start3A_277] : memref<128x128xf32, #tpu.memory_space<vmem>> -> memref<128x128xf32, #tpu.memory_space<vmem>>
    tpu.enqueue_dma source(%dma_start3A_278 : memref<128x128xf32, #tpu.memory_space<vmem>>) target(%dma_start3A_275 : memref<128x128xf32, #tpu.memory_space<hbm>>) target_semaphore(%arg15 : memref<!tpu.dma_semaphore, #tpu.memory_space<semaphore_mem>>)
    %dma_wait3A_279 = arith.constant 0 : i32
    %dma_wait3A_280 = arith.constant 0 : i32
    %dma_wait3A_281 = tpu.memref_slice %arg9[%dma_wait3A_279, %dma_wait3A_280] : memref<128x128xf32, #tpu.memory_space<vmem>> -> memref<128x128xf32, #tpu.memory_space<vmem>>
    %dma_wait3A_282 = arith.constant 0 : i32
    %dma_wait3A_283 = tpu.memref_slice %arg6[%add3A_237, %dma_wait3A_282] : memref<20224x128xf32, #tpu.memory_space<hbm>> -> memref<128x128xf32, #tpu.memory_space<hbm>>
    %dma_wait3A_284 = arith.constant 0 : i32
    %dma_wait3A_285 = tpu.memref_slice %arg6[%add3A_237, %dma_wait3A_284] : memref<20224x128xf32, #tpu.memory_space<hbm>> -> memref<128x128xf32, #tpu.memory_space<hbm>>
    %dma_wait3A_286 = arith.constant 0 : i32
    %dma_wait3A_287 = arith.constant 0 : i32
    %dma_wait3A_288 = tpu.memref_slice %arg9[%dma_wait3A_286, %dma_wait3A_287] : memref<128x128xf32, #tpu.memory_space<vmem>> -> memref<128x128xf32, #tpu.memory_space<vmem>>
    tpu.wait_dma2 semaphore(%arg14 : memref<!tpu.dma_semaphore, #tpu.memory_space<semaphore_mem>>) src(%dma_wait3A_288 : memref<128x128xf32, #tpu.memory_space<vmem>>) dst(%dma_wait3A_285 : memref<128x128xf32, #tpu.memory_space<hbm>>)
    %mul3A_289 = arith.constant 632 : i32
    %mul3A_290 = arith.muli %arg1, %mul3A_289 : i32
    %add3A_291 = arith.constant 512 : i32
    %add3A_292 = arith.addi %mul3A_290, %add3A_291 : i32
    "tpu.region"() ({
      %run_scoped3A = tpu.sem_alloc : memref<!tpu.dma_semaphore, #tpu.memory_space<semaphore_mem>>
      %dma_start3A_330 = arith.constant 0 : i32
      %dma_start3A_331 = arith.constant 0 : i32
      %dma_start3A_332 = tpu.memref_slice %arg9[%dma_start3A_330, %dma_start3A_331] : memref<128x128xf32, #tpu.memory_space<vmem>> -> memref<120x128xf32, #tpu.memory_space<vmem>>
      %dma_start3A_333 = arith.constant 0 : i32
      %dma_start3A_334 = tpu.memref_slice %arg11[%add3A_292, %dma_start3A_333] : memref<10112x128xf32, #tpu.memory_space<vmem_shared>> -> memref<120x128xf32, #tpu.memory_space<vmem_shared>>
      %dma_start3A_335 = arith.constant 0 : i32
      %dma_start3A_336 = arith.constant 0 : i32
      %dma_start3A_337 = tpu.memref_slice %arg9[%dma_start3A_335, %dma_start3A_336] : memref<128x128xf32, #tpu.memory_space<vmem>> -> memref<120x128xf32, #tpu.memory_space<vmem>>
      %dma_start3A_338 = arith.constant 0 : i32
      %dma_start3A_339 = tpu.memref_slice %arg11[%add3A_292, %dma_start3A_338] : memref<10112x128xf32, #tpu.memory_space<vmem_shared>> -> memref<120x128xf32, #tpu.memory_space<vmem_shared>>
      tpu.enqueue_dma source(%dma_start3A_339 : memref<120x128xf32, #tpu.memory_space<vmem_shared>>) target(%dma_start3A_337 : memref<120x128xf32, #tpu.memory_space<vmem>>) target_semaphore(%run_scoped3A : memref<!tpu.dma_semaphore, #tpu.memory_space<semaphore_mem>>)
      %dma_wait3A_340 = arith.constant 0 : i32
      %dma_wait3A_341 = arith.constant 0 : i32
      %dma_wait3A_342 = tpu.memref_slice %arg9[%dma_wait3A_340, %dma_wait3A_341] : memref<128x128xf32, #tpu.memory_space<vmem>> -> memref<120x128xf32, #tpu.memory_space<vmem>>
      %dma_wait3A_343 = arith.constant 0 : i32
      %dma_wait3A_344 = tpu.memref_slice %arg11[%add3A_292, %dma_wait3A_343] : memref<10112x128xf32, #tpu.memory_space<vmem_shared>> -> memref<120x128xf32, #tpu.memory_space<vmem_shared>>
      %dma_wait3A_345 = arith.constant 0 : i32
      %dma_wait3A_346 = arith.constant 0 : i32
      %dma_wait3A_347 = tpu.memref_slice %arg9[%dma_wait3A_345, %dma_wait3A_346] : memref<128x128xf32, #tpu.memory_space<vmem>> -> memref<120x128xf32, #tpu.memory_space<vmem>>
      %dma_wait3A_348 = arith.constant 0 : i32
      %dma_wait3A_349 = tpu.memref_slice %arg11[%add3A_292, %dma_wait3A_348] : memref<10112x128xf32, #tpu.memory_space<vmem_shared>> -> memref<120x128xf32, #tpu.memory_space<vmem_shared>>
      tpu.wait_dma2 semaphore(%run_scoped3A : memref<!tpu.dma_semaphore, #tpu.memory_space<semaphore_mem>>) src(%dma_wait3A_349 : memref<120x128xf32, #tpu.memory_space<vmem_shared>>) dst(%dma_wait3A_347 : memref<120x128xf32, #tpu.memory_space<vmem>>)
      tpu.yield
    }) : () -> ()
    %mul3A_293 = arith.constant 10112 : i32
    %mul3A_294 = arith.muli %arg0, %mul3A_293 : i32
    %mul3A_295 = arith.constant 632 : i32
    %mul3A_296 = arith.muli %arg1, %mul3A_295 : i32
    %add3A_297 = arith.addi %mul3A_294, %mul3A_296 : i32
    %add3A_298 = arith.constant 512 : i32
    %add3A_299 = arith.addi %add3A_297, %add3A_298 : i32
    %dma_start3A_300 = arith.constant 0 : i32
    %dma_start3A_301 = arith.constant 0 : i32
    %dma_start3A_302 = tpu.memref_slice %arg9[%dma_start3A_300, %dma_start3A_301] : memref<128x128xf32, #tpu.memory_space<vmem>> -> memref<120x128xf32, #tpu.memory_space<vmem>>
    %dma_start3A_303 = arith.constant 0 : i32
    %dma_start3A_304 = tpu.memref_slice %arg6[%add3A_299, %dma_start3A_303] : memref<20224x128xf32, #tpu.memory_space<hbm>> -> memref<120x128xf32, #tpu.memory_space<hbm>>
    %dma_start3A_305 = arith.constant 0 : i32
    %dma_start3A_306 = tpu.memref_slice %arg6[%add3A_299, %dma_start3A_305] : memref<20224x128xf32, #tpu.memory_space<hbm>> -> memref<120x128xf32, #tpu.memory_space<hbm>>
    %dma_start3A_307 = arith.constant 0 : i32
    %dma_start3A_308 = arith.constant 0 : i32
    %dma_start3A_309 = tpu.memref_slice %arg9[%dma_start3A_307, %dma_start3A_308] : memref<128x128xf32, #tpu.memory_space<vmem>> -> memref<120x128xf32, #tpu.memory_space<vmem>>
    tpu.enqueue_dma source(%dma_start3A_309 : memref<120x128xf32, #tpu.memory_space<vmem>>) target(%dma_start3A_306 : memref<120x128xf32, #tpu.memory_space<hbm>>) target_semaphore(%arg14 : memref<!tpu.dma_semaphore, #tpu.memory_space<semaphore_mem>>)
    %dma_wait3A_310 = arith.constant 0 : i32
    %dma_wait3A_311 = arith.constant 0 : i32
    %dma_wait3A_312 = tpu.memref_slice %arg9[%dma_wait3A_310, %dma_wait3A_311] : memref<128x128xf32, #tpu.memory_space<vmem>> -> memref<120x128xf32, #tpu.memory_space<vmem>>
    %dma_wait3A_313 = arith.constant 0 : i32
    %dma_wait3A_314 = tpu.memref_slice %arg6[%add3A_299, %dma_wait3A_313] : memref<20224x128xf32, #tpu.memory_space<hbm>> -> memref<120x128xf32, #tpu.memory_space<hbm>>
    %dma_wait3A_315 = arith.constant 0 : i32
    %dma_wait3A_316 = tpu.memref_slice %arg6[%add3A_299, %dma_wait3A_315] : memref<20224x128xf32, #tpu.memory_space<hbm>> -> memref<120x128xf32, #tpu.memory_space<hbm>>
    %dma_wait3A_317 = arith.constant 0 : i32
    %dma_wait3A_318 = arith.constant 0 : i32
    %dma_wait3A_319 = tpu.memref_slice %arg9[%dma_wait3A_317, %dma_wait3A_318] : memref<128x128xf32, #tpu.memory_space<vmem>> -> memref<120x128xf32, #tpu.memory_space<vmem>>
    tpu.wait_dma2 semaphore(%arg14 : memref<!tpu.dma_semaphore, #tpu.memory_space<semaphore_mem>>) src(%dma_wait3A_319 : memref<120x128xf32, #tpu.memory_space<vmem>>) dst(%dma_wait3A_316 : memref<120x128xf32, #tpu.memory_space<hbm>>)
    %dma_wait3A_320 = arith.constant 0 : i32
    %dma_wait3A_321 = arith.constant 0 : i32
    %dma_wait3A_322 = tpu.memref_slice %arg10[%dma_wait3A_320, %dma_wait3A_321] : memref<128x128xf32, #tpu.memory_space<vmem>> -> memref<128x128xf32, #tpu.memory_space<vmem>>
    %dma_wait3A_323 = arith.constant 0 : i32
    %dma_wait3A_324 = tpu.memref_slice %arg6[%add3A_268, %dma_wait3A_323] : memref<20224x128xf32, #tpu.memory_space<hbm>> -> memref<128x128xf32, #tpu.memory_space<hbm>>
    %dma_wait3A_325 = arith.constant 0 : i32
    %dma_wait3A_326 = tpu.memref_slice %arg6[%add3A_268, %dma_wait3A_325] : memref<20224x128xf32, #tpu.memory_space<hbm>> -> memref<128x128xf32, #tpu.memory_space<hbm>>
    %dma_wait3A_327 = arith.constant 0 : i32
    %dma_wait3A_328 = arith.constant 0 : i32
    %dma_wait3A_329 = tpu.memref_slice %arg10[%dma_wait3A_327, %dma_wait3A_328] : memref<128x128xf32, #tpu.memory_space<vmem>> -> memref<128x128xf32, #tpu.memory_space<vmem>>
    tpu.wait_dma2 semaphore(%arg15 : memref<!tpu.dma_semaphore, #tpu.memory_space<semaphore_mem>>) src(%dma_wait3A_329 : memref<128x128xf32, #tpu.memory_space<vmem>>) dst(%dma_wait3A_326 : memref<128x128xf32, #tpu.memory_space<hbm>>)
    return
  }
}

#map = affine_map<(d0, d1) -> (0, 0)>
module attributes {stable_mosaic.version = 14 : i64} {
  func.func @agg_kernel(%arg0: i32, %arg1: i32, %arg2: memref<10000x128xf32, #tpu.memory_space<hbm>>, %arg3: memref<2560x128xi32, #tpu.memory_space<hbm>>, %arg4: memref<2560x128xi32, #tpu.memory_space<hbm>>, %arg5: memref<10112x128xf32, #tpu.memory_space<hbm>>, %arg6: memref<20224x128xf32, #tpu.memory_space<hbm>>, %arg7: memref<40x128xi32, #tpu.memory_space<vmem>>, %arg8: memref<40x128xi32, #tpu.memory_space<vmem>>, %arg9: memref<128x128xf32, #tpu.memory_space<vmem>>, %arg10: memref<128x128xf32, #tpu.memory_space<vmem>>, %arg11: memref<10112x128xf32, #tpu.memory_space<vmem_shared>>, %arg12: memref<!tpu.dma_semaphore, #tpu.memory_space<semaphore_mem>>, %arg13: memref<!tpu.dma_semaphore, #tpu.memory_space<semaphore_mem>>, %arg14: memref<!tpu.dma_semaphore, #tpu.memory_space<semaphore_mem>>, %arg15: memref<!tpu.dma_semaphore, #tpu.memory_space<semaphore_mem>>) attributes {dimension_semantics = [#tpu.dimension_semantics<core_parallel>, #tpu.dimension_semantics<subcore_parallel>], iteration_bounds = array<i64: 2, 16>, scalar_prefetch = 0 : i64, scratch_operands = 9 : i64, tpu.core_type = #tpu.core_type<sc_vector_subcore>, window_params = [{transform_indices = #map}, {transform_indices = #map}, {transform_indices = #map}, {transform_indices = #map}, {transform_indices = #map}]} {
    %mul3A = arith.constant 16 : i32
    %mul3A_0 = arith.muli %arg0, %mul3A : i32
    %add3A = arith.addi %mul3A_0, %arg1 : i32
    "tpu.region"() ({
      %run_scoped3A = tpu.sem_alloc : memref<!tpu.dma_semaphore, #tpu.memory_space<semaphore_mem>>
      %dma_start3A_330 = arith.constant 0 : i32
      %dma_start3A_331 = arith.constant 0 : i32
      %dma_start3A_332 = tpu.memref_slice %arg5[%dma_start3A_330, %dma_start3A_331] : memref<10112x128xf32, #tpu.memory_space<hbm>> -> memref<128x128xf32, #tpu.memory_space<hbm>>
      %dma_start3A_333 = arith.constant 0 : i32
      %dma_start3A_334 = arith.constant 0 : i32
      %dma_start3A_335 = tpu.memref_slice %arg5[%dma_start3A_333, %dma_start3A_334] : memref<10112x128xf32, #tpu.memory_space<hbm>> -> memref<128x128xf32, #tpu.memory_space<hbm>>
      tpu.enqueue_dma source(%dma_start3A_335 : memref<128x128xf32, #tpu.memory_space<hbm>>) target(%arg9 : memref<128x128xf32, #tpu.memory_space<vmem>>) target_semaphore(%run_scoped3A : memref<!tpu.dma_semaphore, #tpu.memory_space<semaphore_mem>>)
      %dma_wait3A_336 = arith.constant 0 : i32
      %dma_wait3A_337 = arith.constant 0 : i32
      %dma_wait3A_338 = tpu.memref_slice %arg5[%dma_wait3A_336, %dma_wait3A_337] : memref<10112x128xf32, #tpu.memory_space<hbm>> -> memref<128x128xf32, #tpu.memory_space<hbm>>
      %dma_wait3A_339 = arith.constant 0 : i32
      %dma_wait3A_340 = arith.constant 0 : i32
      %dma_wait3A_341 = tpu.memref_slice %arg5[%dma_wait3A_339, %dma_wait3A_340] : memref<10112x128xf32, #tpu.memory_space<hbm>> -> memref<128x128xf32, #tpu.memory_space<hbm>>
      tpu.wait_dma2 semaphore(%run_scoped3A : memref<!tpu.dma_semaphore, #tpu.memory_space<semaphore_mem>>) src(%dma_wait3A_341 : memref<128x128xf32, #tpu.memory_space<hbm>>) dst(%arg9 : memref<128x128xf32, #tpu.memory_space<vmem>>)
      tpu.yield
    }) : () -> ()
    %mul3A_1 = arith.constant 632 : i32
    %mul3A_2 = arith.muli %arg1, %mul3A_1 : i32
    %add3A_3 = arith.constant 0 : i32
    %add3A_4 = arith.addi %mul3A_2, %add3A_3 : i32
    %dma_start3A = arith.constant 0 : i32
    %dma_start3A_5 = arith.constant 0 : i32
    %dma_start3A_6 = tpu.memref_slice %arg9[%dma_start3A, %dma_start3A_5] : memref<128x128xf32, #tpu.memory_space<vmem>> -> memref<128x128xf32, #tpu.memory_space<vmem>>
    %dma_start3A_7 = arith.constant 0 : i32
    %dma_start3A_8 = tpu.memref_slice %arg11[%add3A_4, %dma_start3A_7] : memref<10112x128xf32, #tpu.memory_space<vmem_shared>> -> memref<128x128xf32, #tpu.memory_space<vmem_shared>>
    %dma_start3A_9 = arith.constant 0 : i32
    %dma_start3A_10 = tpu.memref_slice %arg11[%add3A_4, %dma_start3A_9] : memref<10112x128xf32, #tpu.memory_space<vmem_shared>> -> memref<128x128xf32, #tpu.memory_space<vmem_shared>>
    %dma_start3A_11 = arith.constant 0 : i32
    %dma_start3A_12 = arith.constant 0 : i32
    %dma_start3A_13 = tpu.memref_slice %arg9[%dma_start3A_11, %dma_start3A_12] : memref<128x128xf32, #tpu.memory_space<vmem>> -> memref<128x128xf32, #tpu.memory_space<vmem>>
    tpu.enqueue_dma source(%dma_start3A_13 : memref<128x128xf32, #tpu.memory_space<vmem>>) target(%dma_start3A_10 : memref<128x128xf32, #tpu.memory_space<vmem_shared>>) target_semaphore(%arg14 : memref<!tpu.dma_semaphore, #tpu.memory_space<semaphore_mem>>)
    %mul3A_14 = arith.constant 632 : i32
    %mul3A_15 = arith.muli %arg1, %mul3A_14 : i32
    %add3A_16 = arith.constant 128 : i32
    %add3A_17 = arith.addi %mul3A_15, %add3A_16 : i32
    %dma_start3A_18 = arith.constant 0 : i32
    %dma_start3A_19 = arith.constant 0 : i32
    %dma_start3A_20 = tpu.memref_slice %arg9[%dma_start3A_18, %dma_start3A_19] : memref<128x128xf32, #tpu.memory_space<vmem>> -> memref<128x128xf32, #tpu.memory_space<vmem>>
    %dma_start3A_21 = arith.constant 0 : i32
    %dma_start3A_22 = tpu.memref_slice %arg11[%add3A_17, %dma_start3A_21] : memref<10112x128xf32, #tpu.memory_space<vmem_shared>> -> memref<128x128xf32, #tpu.memory_space<vmem_shared>>
    %dma_start3A_23 = arith.constant 0 : i32
    %dma_start3A_24 = tpu.memref_slice %arg11[%add3A_17, %dma_start3A_23] : memref<10112x128xf32, #tpu.memory_space<vmem_shared>> -> memref<128x128xf32, #tpu.memory_space<vmem_shared>>
    %dma_start3A_25 = arith.constant 0 : i32
    %dma_start3A_26 = arith.constant 0 : i32
    %dma_start3A_27 = tpu.memref_slice %arg9[%dma_start3A_25, %dma_start3A_26] : memref<128x128xf32, #tpu.memory_space<vmem>> -> memref<128x128xf32, #tpu.memory_space<vmem>>
    tpu.enqueue_dma source(%dma_start3A_27 : memref<128x128xf32, #tpu.memory_space<vmem>>) target(%dma_start3A_24 : memref<128x128xf32, #tpu.memory_space<vmem_shared>>) target_semaphore(%arg15 : memref<!tpu.dma_semaphore, #tpu.memory_space<semaphore_mem>>)
    %mul3A_28 = arith.constant 632 : i32
    %mul3A_29 = arith.muli %arg1, %mul3A_28 : i32
    %add3A_30 = arith.constant 256 : i32
    %add3A_31 = arith.addi %mul3A_29, %add3A_30 : i32
    %dma_start3A_32 = arith.constant 0 : i32
    %dma_start3A_33 = arith.constant 0 : i32
    %dma_start3A_34 = tpu.memref_slice %arg9[%dma_start3A_32, %dma_start3A_33] : memref<128x128xf32, #tpu.memory_space<vmem>> -> memref<128x128xf32, #tpu.memory_space<vmem>>
    %dma_start3A_35 = arith.constant 0 : i32
    %dma_start3A_36 = tpu.memref_slice %arg11[%add3A_31, %dma_start3A_35] : memref<10112x128xf32, #tpu.memory_space<vmem_shared>> -> memref<128x128xf32, #tpu.memory_space<vmem_shared>>
    %dma_start3A_37 = arith.constant 0 : i32
    %dma_start3A_38 = tpu.memref_slice %arg11[%add3A_31, %dma_start3A_37] : memref<10112x128xf32, #tpu.memory_space<vmem_shared>> -> memref<128x128xf32, #tpu.memory_space<vmem_shared>>
    %dma_start3A_39 = arith.constant 0 : i32
    %dma_start3A_40 = arith.constant 0 : i32
    %dma_start3A_41 = tpu.memref_slice %arg9[%dma_start3A_39, %dma_start3A_40] : memref<128x128xf32, #tpu.memory_space<vmem>> -> memref<128x128xf32, #tpu.memory_space<vmem>>
    tpu.enqueue_dma source(%dma_start3A_41 : memref<128x128xf32, #tpu.memory_space<vmem>>) target(%dma_start3A_38 : memref<128x128xf32, #tpu.memory_space<vmem_shared>>) target_semaphore(%arg14 : memref<!tpu.dma_semaphore, #tpu.memory_space<semaphore_mem>>)
    %mul3A_42 = arith.constant 632 : i32
    %mul3A_43 = arith.muli %arg1, %mul3A_42 : i32
    %add3A_44 = arith.constant 384 : i32
    %add3A_45 = arith.addi %mul3A_43, %add3A_44 : i32
    %dma_start3A_46 = arith.constant 0 : i32
    %dma_start3A_47 = arith.constant 0 : i32
    %dma_start3A_48 = tpu.memref_slice %arg9[%dma_start3A_46, %dma_start3A_47] : memref<128x128xf32, #tpu.memory_space<vmem>> -> memref<128x128xf32, #tpu.memory_space<vmem>>
    %dma_start3A_49 = arith.constant 0 : i32
    %dma_start3A_50 = tpu.memref_slice %arg11[%add3A_45, %dma_start3A_49] : memref<10112x128xf32, #tpu.memory_space<vmem_shared>> -> memref<128x128xf32, #tpu.memory_space<vmem_shared>>
    %dma_start3A_51 = arith.constant 0 : i32
    %dma_start3A_52 = tpu.memref_slice %arg11[%add3A_45, %dma_start3A_51] : memref<10112x128xf32, #tpu.memory_space<vmem_shared>> -> memref<128x128xf32, #tpu.memory_space<vmem_shared>>
    %dma_start3A_53 = arith.constant 0 : i32
    %dma_start3A_54 = arith.constant 0 : i32
    %dma_start3A_55 = tpu.memref_slice %arg9[%dma_start3A_53, %dma_start3A_54] : memref<128x128xf32, #tpu.memory_space<vmem>> -> memref<128x128xf32, #tpu.memory_space<vmem>>
    tpu.enqueue_dma source(%dma_start3A_55 : memref<128x128xf32, #tpu.memory_space<vmem>>) target(%dma_start3A_52 : memref<128x128xf32, #tpu.memory_space<vmem_shared>>) target_semaphore(%arg15 : memref<!tpu.dma_semaphore, #tpu.memory_space<semaphore_mem>>)
    %mul3A_56 = arith.constant 632 : i32
    %mul3A_57 = arith.muli %arg1, %mul3A_56 : i32
    %add3A_58 = arith.constant 512 : i32
    %add3A_59 = arith.addi %mul3A_57, %add3A_58 : i32
    %dma_start3A_60 = arith.constant 0 : i32
    %dma_start3A_61 = arith.constant 0 : i32
    %dma_start3A_62 = tpu.memref_slice %arg9[%dma_start3A_60, %dma_start3A_61] : memref<128x128xf32, #tpu.memory_space<vmem>> -> memref<120x128xf32, #tpu.memory_space<vmem>>
    %dma_start3A_63 = arith.constant 0 : i32
    %dma_start3A_64 = tpu.memref_slice %arg11[%add3A_59, %dma_start3A_63] : memref<10112x128xf32, #tpu.memory_space<vmem_shared>> -> memref<120x128xf32, #tpu.memory_space<vmem_shared>>
    %dma_start3A_65 = arith.constant 0 : i32
    %dma_start3A_66 = tpu.memref_slice %arg11[%add3A_59, %dma_start3A_65] : memref<10112x128xf32, #tpu.memory_space<vmem_shared>> -> memref<120x128xf32, #tpu.memory_space<vmem_shared>>
    %dma_start3A_67 = arith.constant 0 : i32
    %dma_start3A_68 = arith.constant 0 : i32
    %dma_start3A_69 = tpu.memref_slice %arg9[%dma_start3A_67, %dma_start3A_68] : memref<128x128xf32, #tpu.memory_space<vmem>> -> memref<120x128xf32, #tpu.memory_space<vmem>>
    tpu.enqueue_dma source(%dma_start3A_69 : memref<120x128xf32, #tpu.memory_space<vmem>>) target(%dma_start3A_66 : memref<120x128xf32, #tpu.memory_space<vmem_shared>>) target_semaphore(%arg14 : memref<!tpu.dma_semaphore, #tpu.memory_space<semaphore_mem>>)
    %dma_wait3A = arith.constant 0 : i32
    %dma_wait3A_70 = arith.constant 0 : i32
    %dma_wait3A_71 = tpu.memref_slice %arg9[%dma_wait3A, %dma_wait3A_70] : memref<128x128xf32, #tpu.memory_space<vmem>> -> memref<128x128xf32, #tpu.memory_space<vmem>>
    %dma_wait3A_72 = arith.constant 0 : i32
    %dma_wait3A_73 = tpu.memref_slice %arg11[%add3A_4, %dma_wait3A_72] : memref<10112x128xf32, #tpu.memory_space<vmem_shared>> -> memref<128x128xf32, #tpu.memory_space<vmem_shared>>
    %dma_wait3A_74 = arith.constant 0 : i32
    %dma_wait3A_75 = tpu.memref_slice %arg11[%add3A_4, %dma_wait3A_74] : memref<10112x128xf32, #tpu.memory_space<vmem_shared>> -> memref<128x128xf32, #tpu.memory_space<vmem_shared>>
    %dma_wait3A_76 = arith.constant 0 : i32
    %dma_wait3A_77 = arith.constant 0 : i32
    %dma_wait3A_78 = tpu.memref_slice %arg9[%dma_wait3A_76, %dma_wait3A_77] : memref<128x128xf32, #tpu.memory_space<vmem>> -> memref<128x128xf32, #tpu.memory_space<vmem>>
    tpu.wait_dma2 semaphore(%arg14 : memref<!tpu.dma_semaphore, #tpu.memory_space<semaphore_mem>>) src(%dma_wait3A_78 : memref<128x128xf32, #tpu.memory_space<vmem>>) dst(%dma_wait3A_75 : memref<128x128xf32, #tpu.memory_space<vmem_shared>>)
    %dma_wait3A_79 = arith.constant 0 : i32
    %dma_wait3A_80 = arith.constant 0 : i32
    %dma_wait3A_81 = tpu.memref_slice %arg9[%dma_wait3A_79, %dma_wait3A_80] : memref<128x128xf32, #tpu.memory_space<vmem>> -> memref<128x128xf32, #tpu.memory_space<vmem>>
    %dma_wait3A_82 = arith.constant 0 : i32
    %dma_wait3A_83 = tpu.memref_slice %arg11[%add3A_17, %dma_wait3A_82] : memref<10112x128xf32, #tpu.memory_space<vmem_shared>> -> memref<128x128xf32, #tpu.memory_space<vmem_shared>>
    %dma_wait3A_84 = arith.constant 0 : i32
    %dma_wait3A_85 = tpu.memref_slice %arg11[%add3A_17, %dma_wait3A_84] : memref<10112x128xf32, #tpu.memory_space<vmem_shared>> -> memref<128x128xf32, #tpu.memory_space<vmem_shared>>
    %dma_wait3A_86 = arith.constant 0 : i32
    %dma_wait3A_87 = arith.constant 0 : i32
    %dma_wait3A_88 = tpu.memref_slice %arg9[%dma_wait3A_86, %dma_wait3A_87] : memref<128x128xf32, #tpu.memory_space<vmem>> -> memref<128x128xf32, #tpu.memory_space<vmem>>
    tpu.wait_dma2 semaphore(%arg15 : memref<!tpu.dma_semaphore, #tpu.memory_space<semaphore_mem>>) src(%dma_wait3A_88 : memref<128x128xf32, #tpu.memory_space<vmem>>) dst(%dma_wait3A_85 : memref<128x128xf32, #tpu.memory_space<vmem_shared>>)
    %dma_wait3A_89 = arith.constant 0 : i32
    %dma_wait3A_90 = arith.constant 0 : i32
    %dma_wait3A_91 = tpu.memref_slice %arg9[%dma_wait3A_89, %dma_wait3A_90] : memref<128x128xf32, #tpu.memory_space<vmem>> -> memref<128x128xf32, #tpu.memory_space<vmem>>
    %dma_wait3A_92 = arith.constant 0 : i32
    %dma_wait3A_93 = tpu.memref_slice %arg11[%add3A_31, %dma_wait3A_92] : memref<10112x128xf32, #tpu.memory_space<vmem_shared>> -> memref<128x128xf32, #tpu.memory_space<vmem_shared>>
    %dma_wait3A_94 = arith.constant 0 : i32
    %dma_wait3A_95 = tpu.memref_slice %arg11[%add3A_31, %dma_wait3A_94] : memref<10112x128xf32, #tpu.memory_space<vmem_shared>> -> memref<128x128xf32, #tpu.memory_space<vmem_shared>>
    %dma_wait3A_96 = arith.constant 0 : i32
    %dma_wait3A_97 = arith.constant 0 : i32
    %dma_wait3A_98 = tpu.memref_slice %arg9[%dma_wait3A_96, %dma_wait3A_97] : memref<128x128xf32, #tpu.memory_space<vmem>> -> memref<128x128xf32, #tpu.memory_space<vmem>>
    tpu.wait_dma2 semaphore(%arg14 : memref<!tpu.dma_semaphore, #tpu.memory_space<semaphore_mem>>) src(%dma_wait3A_98 : memref<128x128xf32, #tpu.memory_space<vmem>>) dst(%dma_wait3A_95 : memref<128x128xf32, #tpu.memory_space<vmem_shared>>)
    %dma_wait3A_99 = arith.constant 0 : i32
    %dma_wait3A_100 = arith.constant 0 : i32
    %dma_wait3A_101 = tpu.memref_slice %arg9[%dma_wait3A_99, %dma_wait3A_100] : memref<128x128xf32, #tpu.memory_space<vmem>> -> memref<128x128xf32, #tpu.memory_space<vmem>>
    %dma_wait3A_102 = arith.constant 0 : i32
    %dma_wait3A_103 = tpu.memref_slice %arg11[%add3A_45, %dma_wait3A_102] : memref<10112x128xf32, #tpu.memory_space<vmem_shared>> -> memref<128x128xf32, #tpu.memory_space<vmem_shared>>
    %dma_wait3A_104 = arith.constant 0 : i32
    %dma_wait3A_105 = tpu.memref_slice %arg11[%add3A_45, %dma_wait3A_104] : memref<10112x128xf32, #tpu.memory_space<vmem_shared>> -> memref<128x128xf32, #tpu.memory_space<vmem_shared>>
    %dma_wait3A_106 = arith.constant 0 : i32
    %dma_wait3A_107 = arith.constant 0 : i32
    %dma_wait3A_108 = tpu.memref_slice %arg9[%dma_wait3A_106, %dma_wait3A_107] : memref<128x128xf32, #tpu.memory_space<vmem>> -> memref<128x128xf32, #tpu.memory_space<vmem>>
    tpu.wait_dma2 semaphore(%arg15 : memref<!tpu.dma_semaphore, #tpu.memory_space<semaphore_mem>>) src(%dma_wait3A_108 : memref<128x128xf32, #tpu.memory_space<vmem>>) dst(%dma_wait3A_105 : memref<128x128xf32, #tpu.memory_space<vmem_shared>>)
    %dma_wait3A_109 = arith.constant 0 : i32
    %dma_wait3A_110 = arith.constant 0 : i32
    %dma_wait3A_111 = tpu.memref_slice %arg9[%dma_wait3A_109, %dma_wait3A_110] : memref<128x128xf32, #tpu.memory_space<vmem>> -> memref<120x128xf32, #tpu.memory_space<vmem>>
    %dma_wait3A_112 = arith.constant 0 : i32
    %dma_wait3A_113 = tpu.memref_slice %arg11[%add3A_59, %dma_wait3A_112] : memref<10112x128xf32, #tpu.memory_space<vmem_shared>> -> memref<120x128xf32, #tpu.memory_space<vmem_shared>>
    %dma_wait3A_114 = arith.constant 0 : i32
    %dma_wait3A_115 = tpu.memref_slice %arg11[%add3A_59, %dma_wait3A_114] : memref<10112x128xf32, #tpu.memory_space<vmem_shared>> -> memref<120x128xf32, #tpu.memory_space<vmem_shared>>
    %dma_wait3A_116 = arith.constant 0 : i32
    %dma_wait3A_117 = arith.constant 0 : i32
    %dma_wait3A_118 = tpu.memref_slice %arg9[%dma_wait3A_116, %dma_wait3A_117] : memref<128x128xf32, #tpu.memory_space<vmem>> -> memref<120x128xf32, #tpu.memory_space<vmem>>
    tpu.wait_dma2 semaphore(%arg14 : memref<!tpu.dma_semaphore, #tpu.memory_space<semaphore_mem>>) src(%dma_wait3A_118 : memref<120x128xf32, #tpu.memory_space<vmem>>) dst(%dma_wait3A_115 : memref<120x128xf32, #tpu.memory_space<vmem_shared>>)
    %barrier3A = arith.constant 0 : index
    tpu.barrier barrier_id(%barrier3A)
    %mul3A_119 = arith.constant 80 : i32
    %mul3A_120 = arith.muli %add3A, %mul3A_119 : i32
    %add3A_121 = arith.constant 0 : i32
    %add3A_122 = arith.addi %mul3A_120, %add3A_121 : i32
    "tpu.region"() ({
      %run_scoped3A = tpu.sem_alloc : memref<!tpu.dma_semaphore, #tpu.memory_space<semaphore_mem>>
      %dma_start3A_330 = arith.constant 0 : i32
      %dma_start3A_331 = tpu.memref_slice %arg3[%add3A_122, %dma_start3A_330] : memref<2560x128xi32, #tpu.memory_space<hbm>> -> memref<40x128xi32, #tpu.memory_space<hbm>>
      %dma_start3A_332 = arith.constant 0 : i32
      %dma_start3A_333 = tpu.memref_slice %arg3[%add3A_122, %dma_start3A_332] : memref<2560x128xi32, #tpu.memory_space<hbm>> -> memref<40x128xi32, #tpu.memory_space<hbm>>
      tpu.enqueue_dma source(%dma_start3A_333 : memref<40x128xi32, #tpu.memory_space<hbm>>) target(%arg7 : memref<40x128xi32, #tpu.memory_space<vmem>>) target_semaphore(%run_scoped3A : memref<!tpu.dma_semaphore, #tpu.memory_space<semaphore_mem>>)
      %dma_wait3A_334 = arith.constant 0 : i32
      %dma_wait3A_335 = tpu.memref_slice %arg3[%add3A_122, %dma_wait3A_334] : memref<2560x128xi32, #tpu.memory_space<hbm>> -> memref<40x128xi32, #tpu.memory_space<hbm>>
      %dma_wait3A_336 = arith.constant 0 : i32
      %dma_wait3A_337 = tpu.memref_slice %arg3[%add3A_122, %dma_wait3A_336] : memref<2560x128xi32, #tpu.memory_space<hbm>> -> memref<40x128xi32, #tpu.memory_space<hbm>>
      tpu.wait_dma2 semaphore(%run_scoped3A : memref<!tpu.dma_semaphore, #tpu.memory_space<semaphore_mem>>) src(%dma_wait3A_337 : memref<40x128xi32, #tpu.memory_space<hbm>>) dst(%arg7 : memref<40x128xi32, #tpu.memory_space<vmem>>)
      tpu.yield
    }) : () -> ()
    %mul3A_123 = arith.constant 80 : i32
    %mul3A_124 = arith.muli %add3A, %mul3A_123 : i32
    %add3A_125 = arith.constant 0 : i32
    %add3A_126 = arith.addi %mul3A_124, %add3A_125 : i32
    "tpu.region"() ({
      %run_scoped3A = tpu.sem_alloc : memref<!tpu.dma_semaphore, #tpu.memory_space<semaphore_mem>>
      %dma_start3A_330 = arith.constant 0 : i32
      %dma_start3A_331 = tpu.memref_slice %arg4[%add3A_126, %dma_start3A_330] : memref<2560x128xi32, #tpu.memory_space<hbm>> -> memref<40x128xi32, #tpu.memory_space<hbm>>
      %dma_start3A_332 = arith.constant 0 : i32
      %dma_start3A_333 = tpu.memref_slice %arg4[%add3A_126, %dma_start3A_332] : memref<2560x128xi32, #tpu.memory_space<hbm>> -> memref<40x128xi32, #tpu.memory_space<hbm>>
      tpu.enqueue_dma source(%dma_start3A_333 : memref<40x128xi32, #tpu.memory_space<hbm>>) target(%arg8 : memref<40x128xi32, #tpu.memory_space<vmem>>) target_semaphore(%run_scoped3A : memref<!tpu.dma_semaphore, #tpu.memory_space<semaphore_mem>>)
      %dma_wait3A_334 = arith.constant 0 : i32
      %dma_wait3A_335 = tpu.memref_slice %arg4[%add3A_126, %dma_wait3A_334] : memref<2560x128xi32, #tpu.memory_space<hbm>> -> memref<40x128xi32, #tpu.memory_space<hbm>>
      %dma_wait3A_336 = arith.constant 0 : i32
      %dma_wait3A_337 = tpu.memref_slice %arg4[%add3A_126, %dma_wait3A_336] : memref<2560x128xi32, #tpu.memory_space<hbm>> -> memref<40x128xi32, #tpu.memory_space<hbm>>
      tpu.wait_dma2 semaphore(%run_scoped3A : memref<!tpu.dma_semaphore, #tpu.memory_space<semaphore_mem>>) src(%dma_wait3A_337 : memref<40x128xi32, #tpu.memory_space<hbm>>) dst(%arg8 : memref<40x128xi32, #tpu.memory_space<vmem>>)
      tpu.yield
    }) : () -> ()
    %dma_start3A_127 = arith.constant 0 : i32
    %dma_start3A_128 = arith.constant 0 : i32
    %dma_start3A_129 = tpu.memref_slice %arg7[%dma_start3A_127, %dma_start3A_128] : memref<40x128xi32, #tpu.memory_space<vmem>> -> memref<1x128xi32, #tpu.memory_space<vmem>>
    %dma_start3A_130 = tpu.memref_squeeze %dma_start3A_129 : memref<1x128xi32, #tpu.memory_space<vmem>> -> memref<128xi32, #tpu.memory_space<vmem>>
    %dma_start3A_131 = arith.constant 0 : i32
    %dma_start3A_132 = arith.constant 0 : i32
    %dma_start3A_133 = tpu.memref_slice %arg2[%dma_start3A_131, %dma_start3A_132] : memref<10000x128xf32, #tpu.memory_space<hbm>> -> memref<10000x128xf32, #tpu.memory_space<hbm>>
    tpu.enqueue_indirect_dma source(%dma_start3A_133 : memref<10000x128xf32, #tpu.memory_space<hbm>>) target(%arg9 : memref<128x128xf32, #tpu.memory_space<vmem>>) offsets(%dma_start3A_130 : memref<128xi32, #tpu.memory_space<vmem>>) semaphore(%arg12 : memref<!tpu.dma_semaphore, #tpu.memory_space<semaphore_mem>>)
    %scan3A = arith.constant 0 : i32
    %scan3A_134 = arith.constant 0 : i32
    %scan3A_135 = arith.constant 20 : i32
    %scan3A_136 = arith.addi %scan3A_134, %scan3A_135 : i32
    %scan3A_137 = arith.constant 1 : i32
    scf.for %scan3A_330 = %scan3A_134 to %scan3A_136 step %scan3A_137  : i32 {
      %mul3A_331 = arith.constant 2 : i32
      %mul3A_332 = arith.muli %mul3A_331, %scan3A_330 : i32
      %add3A_333 = arith.constant 1 : i32
      %add3A_334 = arith.addi %mul3A_332, %add3A_333 : i32
      %dma_wait3A_335 = arith.constant 0 : i32
      %dma_wait3A_336 = arith.constant 0 : i32
      %dma_wait3A_337 = tpu.memref_slice %arg7[%dma_wait3A_335, %dma_wait3A_336] : memref<40x128xi32, #tpu.memory_space<vmem>> -> memref<1x128xi32, #tpu.memory_space<vmem>>
      %dma_wait3A_338 = tpu.memref_squeeze %dma_wait3A_337 : memref<1x128xi32, #tpu.memory_space<vmem>> -> memref<128xi32, #tpu.memory_space<vmem>>
      %dma_wait3A_339 = arith.constant 0 : i32
      %dma_wait3A_340 = arith.constant 0 : i32
      %dma_wait3A_341 = tpu.memref_slice %arg2[%dma_wait3A_339, %dma_wait3A_340] : memref<10000x128xf32, #tpu.memory_space<hbm>> -> memref<10000x128xf32, #tpu.memory_space<hbm>>
      tpu.wait_indirect_dma semaphore(%arg12 : memref<!tpu.dma_semaphore, #tpu.memory_space<semaphore_mem>>) src(%dma_wait3A_341 : memref<10000x128xf32, #tpu.memory_space<hbm>>) dst(%arg9 : memref<128x128xf32, #tpu.memory_space<vmem>>)
      %gt3A = arith.constant 0 : i32
      %gt3A_342 = arith.cmpi sgt, %scan3A_330, %gt3A : i32
      %convert_element_type3A = arith.extui %gt3A_342 : i1 to i32
      %cond3A = arith.constant 0 : i32
      %cond3A_343 = arith.cmpi ne, %convert_element_type3A, %cond3A : i32
      scf.if %cond3A_343 {
        %dma_wait3A_380 = arith.constant 0 : i32
        %dma_wait3A_381 = arith.constant 0 : i32
        %dma_wait3A_382 = tpu.memref_slice %arg8[%dma_wait3A_380, %dma_wait3A_381] : memref<40x128xi32, #tpu.memory_space<vmem>> -> memref<1x128xi32, #tpu.memory_space<vmem>>
        %dma_wait3A_383 = tpu.memref_squeeze %dma_wait3A_382 : memref<1x128xi32, #tpu.memory_space<vmem>> -> memref<128xi32, #tpu.memory_space<vmem>>
        %dma_wait3A_384 = arith.constant 0 : i32
        %dma_wait3A_385 = arith.constant 0 : i32
        %dma_wait3A_386 = tpu.memref_slice %arg11[%dma_wait3A_384, %dma_wait3A_385] : memref<10112x128xf32, #tpu.memory_space<vmem_shared>> -> memref<10112x128xf32, #tpu.memory_space<vmem_shared>>
        tpu.wait_indirect_dma semaphore(%arg15 : memref<!tpu.dma_semaphore, #tpu.memory_space<semaphore_mem>>) src(%arg10 : memref<128x128xf32, #tpu.memory_space<vmem>>) dst(%dma_wait3A_386 : memref<10112x128xf32, #tpu.memory_space<vmem_shared>>)
      } else {
      }
      %dma_start3A_344 = arith.constant 0 : i32
      %dma_start3A_345 = tpu.memref_slice %arg7[%add3A_334, %dma_start3A_344] : memref<40x128xi32, #tpu.memory_space<vmem>> -> memref<1x128xi32, #tpu.memory_space<vmem>>
      %dma_start3A_346 = tpu.memref_squeeze %dma_start3A_345 : memref<1x128xi32, #tpu.memory_space<vmem>> -> memref<128xi32, #tpu.memory_space<vmem>>
      %dma_start3A_347 = arith.constant 0 : i32
      %dma_start3A_348 = arith.constant 0 : i32
      %dma_start3A_349 = tpu.memref_slice %arg2[%dma_start3A_347, %dma_start3A_348] : memref<10000x128xf32, #tpu.memory_space<hbm>> -> memref<10000x128xf32, #tpu.memory_space<hbm>>
      tpu.enqueue_indirect_dma source(%dma_start3A_349 : memref<10000x128xf32, #tpu.memory_space<hbm>>) target(%arg10 : memref<128x128xf32, #tpu.memory_space<vmem>>) offsets(%dma_start3A_346 : memref<128xi32, #tpu.memory_space<vmem>>) semaphore(%arg13 : memref<!tpu.dma_semaphore, #tpu.memory_space<semaphore_mem>>)
      %dma_start3A_350 = arith.constant 0 : i32
      %dma_start3A_351 = tpu.memref_slice %arg8[%mul3A_332, %dma_start3A_350] : memref<40x128xi32, #tpu.memory_space<vmem>> -> memref<1x128xi32, #tpu.memory_space<vmem>>
      %dma_start3A_352 = tpu.memref_squeeze %dma_start3A_351 : memref<1x128xi32, #tpu.memory_space<vmem>> -> memref<128xi32, #tpu.memory_space<vmem>>
      %dma_start3A_353 = arith.constant 0 : i32
      %dma_start3A_354 = arith.constant 0 : i32
      %dma_start3A_355 = tpu.memref_slice %arg11[%dma_start3A_353, %dma_start3A_354] : memref<10112x128xf32, #tpu.memory_space<vmem_shared>> -> memref<10112x128xf32, #tpu.memory_space<vmem_shared>>
      tpu.enqueue_indirect_dma source(%arg9 : memref<128x128xf32, #tpu.memory_space<vmem>>) target(%dma_start3A_355 : memref<10112x128xf32, #tpu.memory_space<vmem_shared>>) offsets(%dma_start3A_352 : memref<128xi32, #tpu.memory_space<vmem>>) semaphore(%arg14 : memref<!tpu.dma_semaphore, #tpu.memory_space<semaphore_mem>>) {add = true}
      %dma_wait3A_356 = arith.constant 0 : i32
      %dma_wait3A_357 = arith.constant 0 : i32
      %dma_wait3A_358 = tpu.memref_slice %arg7[%dma_wait3A_356, %dma_wait3A_357] : memref<40x128xi32, #tpu.memory_space<vmem>> -> memref<1x128xi32, #tpu.memory_space<vmem>>
      %dma_wait3A_359 = tpu.memref_squeeze %dma_wait3A_358 : memref<1x128xi32, #tpu.memory_space<vmem>> -> memref<128xi32, #tpu.memory_space<vmem>>
      %dma_wait3A_360 = arith.constant 0 : i32
      %dma_wait3A_361 = arith.constant 0 : i32
      %dma_wait3A_362 = tpu.memref_slice %arg2[%dma_wait3A_360, %dma_wait3A_361] : memref<10000x128xf32, #tpu.memory_space<hbm>> -> memref<10000x128xf32, #tpu.memory_space<hbm>>
      tpu.wait_indirect_dma semaphore(%arg13 : memref<!tpu.dma_semaphore, #tpu.memory_space<semaphore_mem>>) src(%dma_wait3A_362 : memref<10000x128xf32, #tpu.memory_space<hbm>>) dst(%arg10 : memref<128x128xf32, #tpu.memory_space<vmem>>)
      %dma_wait3A_363 = arith.constant 0 : i32
      %dma_wait3A_364 = arith.constant 0 : i32
      %dma_wait3A_365 = tpu.memref_slice %arg8[%dma_wait3A_363, %dma_wait3A_364] : memref<40x128xi32, #tpu.memory_space<vmem>> -> memref<1x128xi32, #tpu.memory_space<vmem>>
      %dma_wait3A_366 = tpu.memref_squeeze %dma_wait3A_365 : memref<1x128xi32, #tpu.memory_space<vmem>> -> memref<128xi32, #tpu.memory_space<vmem>>
      %dma_wait3A_367 = arith.constant 0 : i32
      %dma_wait3A_368 = arith.constant 0 : i32
      %dma_wait3A_369 = tpu.memref_slice %arg11[%dma_wait3A_367, %dma_wait3A_368] : memref<10112x128xf32, #tpu.memory_space<vmem_shared>> -> memref<10112x128xf32, #tpu.memory_space<vmem_shared>>
      tpu.wait_indirect_dma semaphore(%arg14 : memref<!tpu.dma_semaphore, #tpu.memory_space<semaphore_mem>>) src(%arg9 : memref<128x128xf32, #tpu.memory_space<vmem>>) dst(%dma_wait3A_369 : memref<10112x128xf32, #tpu.memory_space<vmem_shared>>)
      %lt3A = arith.constant 19 : i32
      %lt3A_370 = arith.cmpi slt, %scan3A_330, %lt3A : i32
      %convert_element_type3A_371 = arith.extui %lt3A_370 : i1 to i32
      %cond3A_372 = arith.constant 0 : i32
      %cond3A_373 = arith.cmpi ne, %convert_element_type3A_371, %cond3A_372 : i32
      scf.if %cond3A_373 {
        %add3A_380 = arith.constant 2 : i32
        %add3A_381 = arith.addi %mul3A_332, %add3A_380 : i32
        %dma_start3A_382 = arith.constant 0 : i32
        %dma_start3A_383 = tpu.memref_slice %arg7[%add3A_381, %dma_start3A_382] : memref<40x128xi32, #tpu.memory_space<vmem>> -> memref<1x128xi32, #tpu.memory_space<vmem>>
        %dma_start3A_384 = tpu.memref_squeeze %dma_start3A_383 : memref<1x128xi32, #tpu.memory_space<vmem>> -> memref<128xi32, #tpu.memory_space<vmem>>
        %dma_start3A_385 = arith.constant 0 : i32
        %dma_start3A_386 = arith.constant 0 : i32
        %dma_start3A_387 = tpu.memref_slice %arg2[%dma_start3A_385, %dma_start3A_386] : memref<10000x128xf32, #tpu.memory_space<hbm>> -> memref<10000x128xf32, #tpu.memory_space<hbm>>
        tpu.enqueue_indirect_dma source(%dma_start3A_387 : memref<10000x128xf32, #tpu.memory_space<hbm>>) target(%arg9 : memref<128x128xf32, #tpu.memory_space<vmem>>) offsets(%dma_start3A_384 : memref<128xi32, #tpu.memory_space<vmem>>) semaphore(%arg12 : memref<!tpu.dma_semaphore, #tpu.memory_space<semaphore_mem>>)
      } else {
      }
      %dma_start3A_374 = arith.constant 0 : i32
      %dma_start3A_375 = tpu.memref_slice %arg8[%add3A_334, %dma_start3A_374] : memref<40x128xi32, #tpu.memory_space<vmem>> -> memref<1x128xi32, #tpu.memory_space<vmem>>
      %dma_start3A_376 = tpu.memref_squeeze %dma_start3A_375 : memref<1x128xi32, #tpu.memory_space<vmem>> -> memref<128xi32, #tpu.memory_space<vmem>>
      %dma_start3A_377 = arith.constant 0 : i32
      %dma_start3A_378 = arith.constant 0 : i32
      %dma_start3A_379 = tpu.memref_slice %arg11[%dma_start3A_377, %dma_start3A_378] : memref<10112x128xf32, #tpu.memory_space<vmem_shared>> -> memref<10112x128xf32, #tpu.memory_space<vmem_shared>>
      tpu.enqueue_indirect_dma source(%arg10 : memref<128x128xf32, #tpu.memory_space<vmem>>) target(%dma_start3A_379 : memref<10112x128xf32, #tpu.memory_space<vmem_shared>>) offsets(%dma_start3A_376 : memref<128xi32, #tpu.memory_space<vmem>>) semaphore(%arg15 : memref<!tpu.dma_semaphore, #tpu.memory_space<semaphore_mem>>) {add = true}
    }
    %scan3A_138 = arith.constant 20 : i32
    %dma_wait3A_139 = arith.constant 0 : i32
    %dma_wait3A_140 = arith.constant 0 : i32
    %dma_wait3A_141 = tpu.memref_slice %arg8[%dma_wait3A_139, %dma_wait3A_140] : memref<40x128xi32, #tpu.memory_space<vmem>> -> memref<1x128xi32, #tpu.memory_space<vmem>>
    %dma_wait3A_142 = tpu.memref_squeeze %dma_wait3A_141 : memref<1x128xi32, #tpu.memory_space<vmem>> -> memref<128xi32, #tpu.memory_space<vmem>>
    %dma_wait3A_143 = arith.constant 0 : i32
    %dma_wait3A_144 = arith.constant 0 : i32
    %dma_wait3A_145 = tpu.memref_slice %arg11[%dma_wait3A_143, %dma_wait3A_144] : memref<10112x128xf32, #tpu.memory_space<vmem_shared>> -> memref<10112x128xf32, #tpu.memory_space<vmem_shared>>
    tpu.wait_indirect_dma semaphore(%arg15 : memref<!tpu.dma_semaphore, #tpu.memory_space<semaphore_mem>>) src(%arg10 : memref<128x128xf32, #tpu.memory_space<vmem>>) dst(%dma_wait3A_145 : memref<10112x128xf32, #tpu.memory_space<vmem_shared>>)
    %mul3A_146 = arith.constant 80 : i32
    %mul3A_147 = arith.muli %add3A, %mul3A_146 : i32
    %add3A_148 = arith.constant 40 : i32
    %add3A_149 = arith.addi %mul3A_147, %add3A_148 : i32
    "tpu.region"() ({
      %run_scoped3A = tpu.sem_alloc : memref<!tpu.dma_semaphore, #tpu.memory_space<semaphore_mem>>
      %dma_start3A_330 = arith.constant 0 : i32
      %dma_start3A_331 = tpu.memref_slice %arg3[%add3A_149, %dma_start3A_330] : memref<2560x128xi32, #tpu.memory_space<hbm>> -> memref<40x128xi32, #tpu.memory_space<hbm>>
      %dma_start3A_332 = arith.constant 0 : i32
      %dma_start3A_333 = tpu.memref_slice %arg3[%add3A_149, %dma_start3A_332] : memref<2560x128xi32, #tpu.memory_space<hbm>> -> memref<40x128xi32, #tpu.memory_space<hbm>>
      tpu.enqueue_dma source(%dma_start3A_333 : memref<40x128xi32, #tpu.memory_space<hbm>>) target(%arg7 : memref<40x128xi32, #tpu.memory_space<vmem>>) target_semaphore(%run_scoped3A : memref<!tpu.dma_semaphore, #tpu.memory_space<semaphore_mem>>)
      %dma_wait3A_334 = arith.constant 0 : i32
      %dma_wait3A_335 = tpu.memref_slice %arg3[%add3A_149, %dma_wait3A_334] : memref<2560x128xi32, #tpu.memory_space<hbm>> -> memref<40x128xi32, #tpu.memory_space<hbm>>
      %dma_wait3A_336 = arith.constant 0 : i32
      %dma_wait3A_337 = tpu.memref_slice %arg3[%add3A_149, %dma_wait3A_336] : memref<2560x128xi32, #tpu.memory_space<hbm>> -> memref<40x128xi32, #tpu.memory_space<hbm>>
      tpu.wait_dma2 semaphore(%run_scoped3A : memref<!tpu.dma_semaphore, #tpu.memory_space<semaphore_mem>>) src(%dma_wait3A_337 : memref<40x128xi32, #tpu.memory_space<hbm>>) dst(%arg7 : memref<40x128xi32, #tpu.memory_space<vmem>>)
      tpu.yield
    }) : () -> ()
    %mul3A_150 = arith.constant 80 : i32
    %mul3A_151 = arith.muli %add3A, %mul3A_150 : i32
    %add3A_152 = arith.constant 40 : i32
    %add3A_153 = arith.addi %mul3A_151, %add3A_152 : i32
    "tpu.region"() ({
      %run_scoped3A = tpu.sem_alloc : memref<!tpu.dma_semaphore, #tpu.memory_space<semaphore_mem>>
      %dma_start3A_330 = arith.constant 0 : i32
      %dma_start3A_331 = tpu.memref_slice %arg4[%add3A_153, %dma_start3A_330] : memref<2560x128xi32, #tpu.memory_space<hbm>> -> memref<40x128xi32, #tpu.memory_space<hbm>>
      %dma_start3A_332 = arith.constant 0 : i32
      %dma_start3A_333 = tpu.memref_slice %arg4[%add3A_153, %dma_start3A_332] : memref<2560x128xi32, #tpu.memory_space<hbm>> -> memref<40x128xi32, #tpu.memory_space<hbm>>
      tpu.enqueue_dma source(%dma_start3A_333 : memref<40x128xi32, #tpu.memory_space<hbm>>) target(%arg8 : memref<40x128xi32, #tpu.memory_space<vmem>>) target_semaphore(%run_scoped3A : memref<!tpu.dma_semaphore, #tpu.memory_space<semaphore_mem>>)
      %dma_wait3A_334 = arith.constant 0 : i32
      %dma_wait3A_335 = tpu.memref_slice %arg4[%add3A_153, %dma_wait3A_334] : memref<2560x128xi32, #tpu.memory_space<hbm>> -> memref<40x128xi32, #tpu.memory_space<hbm>>
      %dma_wait3A_336 = arith.constant 0 : i32
      %dma_wait3A_337 = tpu.memref_slice %arg4[%add3A_153, %dma_wait3A_336] : memref<2560x128xi32, #tpu.memory_space<hbm>> -> memref<40x128xi32, #tpu.memory_space<hbm>>
      tpu.wait_dma2 semaphore(%run_scoped3A : memref<!tpu.dma_semaphore, #tpu.memory_space<semaphore_mem>>) src(%dma_wait3A_337 : memref<40x128xi32, #tpu.memory_space<hbm>>) dst(%arg8 : memref<40x128xi32, #tpu.memory_space<vmem>>)
      tpu.yield
    }) : () -> ()
    %dma_start3A_154 = arith.constant 0 : i32
    %dma_start3A_155 = arith.constant 0 : i32
    %dma_start3A_156 = tpu.memref_slice %arg7[%dma_start3A_154, %dma_start3A_155] : memref<40x128xi32, #tpu.memory_space<vmem>> -> memref<1x128xi32, #tpu.memory_space<vmem>>
    %dma_start3A_157 = tpu.memref_squeeze %dma_start3A_156 : memref<1x128xi32, #tpu.memory_space<vmem>> -> memref<128xi32, #tpu.memory_space<vmem>>
    %dma_start3A_158 = arith.constant 0 : i32
    %dma_start3A_159 = arith.constant 0 : i32
    %dma_start3A_160 = tpu.memref_slice %arg2[%dma_start3A_158, %dma_start3A_159] : memref<10000x128xf32, #tpu.memory_space<hbm>> -> memref<10000x128xf32, #tpu.memory_space<hbm>>
    tpu.enqueue_indirect_dma source(%dma_start3A_160 : memref<10000x128xf32, #tpu.memory_space<hbm>>) target(%arg9 : memref<128x128xf32, #tpu.memory_space<vmem>>) offsets(%dma_start3A_157 : memref<128xi32, #tpu.memory_space<vmem>>) semaphore(%arg12 : memref<!tpu.dma_semaphore, #tpu.memory_space<semaphore_mem>>)
    %scan3A_161 = arith.constant 0 : i32
    %scan3A_162 = arith.constant 0 : i32
    %scan3A_163 = arith.constant 20 : i32
    %scan3A_164 = arith.addi %scan3A_162, %scan3A_163 : i32
    %scan3A_165 = arith.constant 1 : i32
    scf.for %scan3A_330 = %scan3A_162 to %scan3A_164 step %scan3A_165  : i32 {
      %mul3A_331 = arith.constant 2 : i32
      %mul3A_332 = arith.muli %mul3A_331, %scan3A_330 : i32
      %add3A_333 = arith.constant 1 : i32
      %add3A_334 = arith.addi %mul3A_332, %add3A_333 : i32
      %dma_wait3A_335 = arith.constant 0 : i32
      %dma_wait3A_336 = arith.constant 0 : i32
      %dma_wait3A_337 = tpu.memref_slice %arg7[%dma_wait3A_335, %dma_wait3A_336] : memref<40x128xi32, #tpu.memory_space<vmem>> -> memref<1x128xi32, #tpu.memory_space<vmem>>
      %dma_wait3A_338 = tpu.memref_squeeze %dma_wait3A_337 : memref<1x128xi32, #tpu.memory_space<vmem>> -> memref<128xi32, #tpu.memory_space<vmem>>
      %dma_wait3A_339 = arith.constant 0 : i32
      %dma_wait3A_340 = arith.constant 0 : i32
      %dma_wait3A_341 = tpu.memref_slice %arg2[%dma_wait3A_339, %dma_wait3A_340] : memref<10000x128xf32, #tpu.memory_space<hbm>> -> memref<10000x128xf32, #tpu.memory_space<hbm>>
      tpu.wait_indirect_dma semaphore(%arg12 : memref<!tpu.dma_semaphore, #tpu.memory_space<semaphore_mem>>) src(%dma_wait3A_341 : memref<10000x128xf32, #tpu.memory_space<hbm>>) dst(%arg9 : memref<128x128xf32, #tpu.memory_space<vmem>>)
      %gt3A = arith.constant 0 : i32
      %gt3A_342 = arith.cmpi sgt, %scan3A_330, %gt3A : i32
      %convert_element_type3A = arith.extui %gt3A_342 : i1 to i32
      %cond3A = arith.constant 0 : i32
      %cond3A_343 = arith.cmpi ne, %convert_element_type3A, %cond3A : i32
      scf.if %cond3A_343 {
        %dma_wait3A_380 = arith.constant 0 : i32
        %dma_wait3A_381 = arith.constant 0 : i32
        %dma_wait3A_382 = tpu.memref_slice %arg8[%dma_wait3A_380, %dma_wait3A_381] : memref<40x128xi32, #tpu.memory_space<vmem>> -> memref<1x128xi32, #tpu.memory_space<vmem>>
        %dma_wait3A_383 = tpu.memref_squeeze %dma_wait3A_382 : memref<1x128xi32, #tpu.memory_space<vmem>> -> memref<128xi32, #tpu.memory_space<vmem>>
        %dma_wait3A_384 = arith.constant 0 : i32
        %dma_wait3A_385 = arith.constant 0 : i32
        %dma_wait3A_386 = tpu.memref_slice %arg11[%dma_wait3A_384, %dma_wait3A_385] : memref<10112x128xf32, #tpu.memory_space<vmem_shared>> -> memref<10112x128xf32, #tpu.memory_space<vmem_shared>>
        tpu.wait_indirect_dma semaphore(%arg15 : memref<!tpu.dma_semaphore, #tpu.memory_space<semaphore_mem>>) src(%arg10 : memref<128x128xf32, #tpu.memory_space<vmem>>) dst(%dma_wait3A_386 : memref<10112x128xf32, #tpu.memory_space<vmem_shared>>)
      } else {
      }
      %dma_start3A_344 = arith.constant 0 : i32
      %dma_start3A_345 = tpu.memref_slice %arg7[%add3A_334, %dma_start3A_344] : memref<40x128xi32, #tpu.memory_space<vmem>> -> memref<1x128xi32, #tpu.memory_space<vmem>>
      %dma_start3A_346 = tpu.memref_squeeze %dma_start3A_345 : memref<1x128xi32, #tpu.memory_space<vmem>> -> memref<128xi32, #tpu.memory_space<vmem>>
      %dma_start3A_347 = arith.constant 0 : i32
      %dma_start3A_348 = arith.constant 0 : i32
      %dma_start3A_349 = tpu.memref_slice %arg2[%dma_start3A_347, %dma_start3A_348] : memref<10000x128xf32, #tpu.memory_space<hbm>> -> memref<10000x128xf32, #tpu.memory_space<hbm>>
      tpu.enqueue_indirect_dma source(%dma_start3A_349 : memref<10000x128xf32, #tpu.memory_space<hbm>>) target(%arg10 : memref<128x128xf32, #tpu.memory_space<vmem>>) offsets(%dma_start3A_346 : memref<128xi32, #tpu.memory_space<vmem>>) semaphore(%arg13 : memref<!tpu.dma_semaphore, #tpu.memory_space<semaphore_mem>>)
      %dma_start3A_350 = arith.constant 0 : i32
      %dma_start3A_351 = tpu.memref_slice %arg8[%mul3A_332, %dma_start3A_350] : memref<40x128xi32, #tpu.memory_space<vmem>> -> memref<1x128xi32, #tpu.memory_space<vmem>>
      %dma_start3A_352 = tpu.memref_squeeze %dma_start3A_351 : memref<1x128xi32, #tpu.memory_space<vmem>> -> memref<128xi32, #tpu.memory_space<vmem>>
      %dma_start3A_353 = arith.constant 0 : i32
      %dma_start3A_354 = arith.constant 0 : i32
      %dma_start3A_355 = tpu.memref_slice %arg11[%dma_start3A_353, %dma_start3A_354] : memref<10112x128xf32, #tpu.memory_space<vmem_shared>> -> memref<10112x128xf32, #tpu.memory_space<vmem_shared>>
      tpu.enqueue_indirect_dma source(%arg9 : memref<128x128xf32, #tpu.memory_space<vmem>>) target(%dma_start3A_355 : memref<10112x128xf32, #tpu.memory_space<vmem_shared>>) offsets(%dma_start3A_352 : memref<128xi32, #tpu.memory_space<vmem>>) semaphore(%arg14 : memref<!tpu.dma_semaphore, #tpu.memory_space<semaphore_mem>>) {add = true}
      %dma_wait3A_356 = arith.constant 0 : i32
      %dma_wait3A_357 = arith.constant 0 : i32
      %dma_wait3A_358 = tpu.memref_slice %arg7[%dma_wait3A_356, %dma_wait3A_357] : memref<40x128xi32, #tpu.memory_space<vmem>> -> memref<1x128xi32, #tpu.memory_space<vmem>>
      %dma_wait3A_359 = tpu.memref_squeeze %dma_wait3A_358 : memref<1x128xi32, #tpu.memory_space<vmem>> -> memref<128xi32, #tpu.memory_space<vmem>>
      %dma_wait3A_360 = arith.constant 0 : i32
      %dma_wait3A_361 = arith.constant 0 : i32
      %dma_wait3A_362 = tpu.memref_slice %arg2[%dma_wait3A_360, %dma_wait3A_361] : memref<10000x128xf32, #tpu.memory_space<hbm>> -> memref<10000x128xf32, #tpu.memory_space<hbm>>
      tpu.wait_indirect_dma semaphore(%arg13 : memref<!tpu.dma_semaphore, #tpu.memory_space<semaphore_mem>>) src(%dma_wait3A_362 : memref<10000x128xf32, #tpu.memory_space<hbm>>) dst(%arg10 : memref<128x128xf32, #tpu.memory_space<vmem>>)
      %dma_wait3A_363 = arith.constant 0 : i32
      %dma_wait3A_364 = arith.constant 0 : i32
      %dma_wait3A_365 = tpu.memref_slice %arg8[%dma_wait3A_363, %dma_wait3A_364] : memref<40x128xi32, #tpu.memory_space<vmem>> -> memref<1x128xi32, #tpu.memory_space<vmem>>
      %dma_wait3A_366 = tpu.memref_squeeze %dma_wait3A_365 : memref<1x128xi32, #tpu.memory_space<vmem>> -> memref<128xi32, #tpu.memory_space<vmem>>
      %dma_wait3A_367 = arith.constant 0 : i32
      %dma_wait3A_368 = arith.constant 0 : i32
      %dma_wait3A_369 = tpu.memref_slice %arg11[%dma_wait3A_367, %dma_wait3A_368] : memref<10112x128xf32, #tpu.memory_space<vmem_shared>> -> memref<10112x128xf32, #tpu.memory_space<vmem_shared>>
      tpu.wait_indirect_dma semaphore(%arg14 : memref<!tpu.dma_semaphore, #tpu.memory_space<semaphore_mem>>) src(%arg9 : memref<128x128xf32, #tpu.memory_space<vmem>>) dst(%dma_wait3A_369 : memref<10112x128xf32, #tpu.memory_space<vmem_shared>>)
      %lt3A = arith.constant 19 : i32
      %lt3A_370 = arith.cmpi slt, %scan3A_330, %lt3A : i32
      %convert_element_type3A_371 = arith.extui %lt3A_370 : i1 to i32
      %cond3A_372 = arith.constant 0 : i32
      %cond3A_373 = arith.cmpi ne, %convert_element_type3A_371, %cond3A_372 : i32
      scf.if %cond3A_373 {
        %add3A_380 = arith.constant 2 : i32
        %add3A_381 = arith.addi %mul3A_332, %add3A_380 : i32
        %dma_start3A_382 = arith.constant 0 : i32
        %dma_start3A_383 = tpu.memref_slice %arg7[%add3A_381, %dma_start3A_382] : memref<40x128xi32, #tpu.memory_space<vmem>> -> memref<1x128xi32, #tpu.memory_space<vmem>>
        %dma_start3A_384 = tpu.memref_squeeze %dma_start3A_383 : memref<1x128xi32, #tpu.memory_space<vmem>> -> memref<128xi32, #tpu.memory_space<vmem>>
        %dma_start3A_385 = arith.constant 0 : i32
        %dma_start3A_386 = arith.constant 0 : i32
        %dma_start3A_387 = tpu.memref_slice %arg2[%dma_start3A_385, %dma_start3A_386] : memref<10000x128xf32, #tpu.memory_space<hbm>> -> memref<10000x128xf32, #tpu.memory_space<hbm>>
        tpu.enqueue_indirect_dma source(%dma_start3A_387 : memref<10000x128xf32, #tpu.memory_space<hbm>>) target(%arg9 : memref<128x128xf32, #tpu.memory_space<vmem>>) offsets(%dma_start3A_384 : memref<128xi32, #tpu.memory_space<vmem>>) semaphore(%arg12 : memref<!tpu.dma_semaphore, #tpu.memory_space<semaphore_mem>>)
      } else {
      }
      %dma_start3A_374 = arith.constant 0 : i32
      %dma_start3A_375 = tpu.memref_slice %arg8[%add3A_334, %dma_start3A_374] : memref<40x128xi32, #tpu.memory_space<vmem>> -> memref<1x128xi32, #tpu.memory_space<vmem>>
      %dma_start3A_376 = tpu.memref_squeeze %dma_start3A_375 : memref<1x128xi32, #tpu.memory_space<vmem>> -> memref<128xi32, #tpu.memory_space<vmem>>
      %dma_start3A_377 = arith.constant 0 : i32
      %dma_start3A_378 = arith.constant 0 : i32
      %dma_start3A_379 = tpu.memref_slice %arg11[%dma_start3A_377, %dma_start3A_378] : memref<10112x128xf32, #tpu.memory_space<vmem_shared>> -> memref<10112x128xf32, #tpu.memory_space<vmem_shared>>
      tpu.enqueue_indirect_dma source(%arg10 : memref<128x128xf32, #tpu.memory_space<vmem>>) target(%dma_start3A_379 : memref<10112x128xf32, #tpu.memory_space<vmem_shared>>) offsets(%dma_start3A_376 : memref<128xi32, #tpu.memory_space<vmem>>) semaphore(%arg15 : memref<!tpu.dma_semaphore, #tpu.memory_space<semaphore_mem>>) {add = true}
    }
    %scan3A_166 = arith.constant 20 : i32
    %dma_wait3A_167 = arith.constant 0 : i32
    %dma_wait3A_168 = arith.constant 0 : i32
    %dma_wait3A_169 = tpu.memref_slice %arg8[%dma_wait3A_167, %dma_wait3A_168] : memref<40x128xi32, #tpu.memory_space<vmem>> -> memref<1x128xi32, #tpu.memory_space<vmem>>
    %dma_wait3A_170 = tpu.memref_squeeze %dma_wait3A_169 : memref<1x128xi32, #tpu.memory_space<vmem>> -> memref<128xi32, #tpu.memory_space<vmem>>
    %dma_wait3A_171 = arith.constant 0 : i32
    %dma_wait3A_172 = arith.constant 0 : i32
    %dma_wait3A_173 = tpu.memref_slice %arg11[%dma_wait3A_171, %dma_wait3A_172] : memref<10112x128xf32, #tpu.memory_space<vmem_shared>> -> memref<10112x128xf32, #tpu.memory_space<vmem_shared>>
    tpu.wait_indirect_dma semaphore(%arg15 : memref<!tpu.dma_semaphore, #tpu.memory_space<semaphore_mem>>) src(%arg10 : memref<128x128xf32, #tpu.memory_space<vmem>>) dst(%dma_wait3A_173 : memref<10112x128xf32, #tpu.memory_space<vmem_shared>>)
    %barrier3A_174 = arith.constant 0 : index
    tpu.barrier barrier_id(%barrier3A_174)
    %mul3A_175 = arith.constant 632 : i32
    %mul3A_176 = arith.muli %arg1, %mul3A_175 : i32
    %add3A_177 = arith.constant 0 : i32
    %add3A_178 = arith.addi %mul3A_176, %add3A_177 : i32
    "tpu.region"() ({
      %run_scoped3A = tpu.sem_alloc : memref<!tpu.dma_semaphore, #tpu.memory_space<semaphore_mem>>
      %dma_start3A_330 = arith.constant 0 : i32
      %dma_start3A_331 = arith.constant 0 : i32
      %dma_start3A_332 = tpu.memref_slice %arg9[%dma_start3A_330, %dma_start3A_331] : memref<128x128xf32, #tpu.memory_space<vmem>> -> memref<128x128xf32, #tpu.memory_space<vmem>>
      %dma_start3A_333 = arith.constant 0 : i32
      %dma_start3A_334 = tpu.memref_slice %arg11[%add3A_178, %dma_start3A_333] : memref<10112x128xf32, #tpu.memory_space<vmem_shared>> -> memref<128x128xf32, #tpu.memory_space<vmem_shared>>
      %dma_start3A_335 = arith.constant 0 : i32
      %dma_start3A_336 = arith.constant 0 : i32
      %dma_start3A_337 = tpu.memref_slice %arg9[%dma_start3A_335, %dma_start3A_336] : memref<128x128xf32, #tpu.memory_space<vmem>> -> memref<128x128xf32, #tpu.memory_space<vmem>>
      %dma_start3A_338 = arith.constant 0 : i32
      %dma_start3A_339 = tpu.memref_slice %arg11[%add3A_178, %dma_start3A_338] : memref<10112x128xf32, #tpu.memory_space<vmem_shared>> -> memref<128x128xf32, #tpu.memory_space<vmem_shared>>
      tpu.enqueue_dma source(%dma_start3A_339 : memref<128x128xf32, #tpu.memory_space<vmem_shared>>) target(%dma_start3A_337 : memref<128x128xf32, #tpu.memory_space<vmem>>) target_semaphore(%run_scoped3A : memref<!tpu.dma_semaphore, #tpu.memory_space<semaphore_mem>>)
      %dma_wait3A_340 = arith.constant 0 : i32
      %dma_wait3A_341 = arith.constant 0 : i32
      %dma_wait3A_342 = tpu.memref_slice %arg9[%dma_wait3A_340, %dma_wait3A_341] : memref<128x128xf32, #tpu.memory_space<vmem>> -> memref<128x128xf32, #tpu.memory_space<vmem>>
      %dma_wait3A_343 = arith.constant 0 : i32
      %dma_wait3A_344 = tpu.memref_slice %arg11[%add3A_178, %dma_wait3A_343] : memref<10112x128xf32, #tpu.memory_space<vmem_shared>> -> memref<128x128xf32, #tpu.memory_space<vmem_shared>>
      %dma_wait3A_345 = arith.constant 0 : i32
      %dma_wait3A_346 = arith.constant 0 : i32
      %dma_wait3A_347 = tpu.memref_slice %arg9[%dma_wait3A_345, %dma_wait3A_346] : memref<128x128xf32, #tpu.memory_space<vmem>> -> memref<128x128xf32, #tpu.memory_space<vmem>>
      %dma_wait3A_348 = arith.constant 0 : i32
      %dma_wait3A_349 = tpu.memref_slice %arg11[%add3A_178, %dma_wait3A_348] : memref<10112x128xf32, #tpu.memory_space<vmem_shared>> -> memref<128x128xf32, #tpu.memory_space<vmem_shared>>
      tpu.wait_dma2 semaphore(%run_scoped3A : memref<!tpu.dma_semaphore, #tpu.memory_space<semaphore_mem>>) src(%dma_wait3A_349 : memref<128x128xf32, #tpu.memory_space<vmem_shared>>) dst(%dma_wait3A_347 : memref<128x128xf32, #tpu.memory_space<vmem>>)
      tpu.yield
    }) : () -> ()
    %mul3A_179 = arith.constant 10112 : i32
    %mul3A_180 = arith.muli %arg0, %mul3A_179 : i32
    %mul3A_181 = arith.constant 632 : i32
    %mul3A_182 = arith.muli %arg1, %mul3A_181 : i32
    %add3A_183 = arith.addi %mul3A_180, %mul3A_182 : i32
    %add3A_184 = arith.constant 0 : i32
    %add3A_185 = arith.addi %add3A_183, %add3A_184 : i32
    %dma_start3A_186 = arith.constant 0 : i32
    %dma_start3A_187 = arith.constant 0 : i32
    %dma_start3A_188 = tpu.memref_slice %arg9[%dma_start3A_186, %dma_start3A_187] : memref<128x128xf32, #tpu.memory_space<vmem>> -> memref<128x128xf32, #tpu.memory_space<vmem>>
    %dma_start3A_189 = arith.constant 0 : i32
    %dma_start3A_190 = tpu.memref_slice %arg6[%add3A_185, %dma_start3A_189] : memref<20224x128xf32, #tpu.memory_space<hbm>> -> memref<128x128xf32, #tpu.memory_space<hbm>>
    %dma_start3A_191 = arith.constant 0 : i32
    %dma_start3A_192 = tpu.memref_slice %arg6[%add3A_185, %dma_start3A_191] : memref<20224x128xf32, #tpu.memory_space<hbm>> -> memref<128x128xf32, #tpu.memory_space<hbm>>
    %dma_start3A_193 = arith.constant 0 : i32
    %dma_start3A_194 = arith.constant 0 : i32
    %dma_start3A_195 = tpu.memref_slice %arg9[%dma_start3A_193, %dma_start3A_194] : memref<128x128xf32, #tpu.memory_space<vmem>> -> memref<128x128xf32, #tpu.memory_space<vmem>>
    tpu.enqueue_dma source(%dma_start3A_195 : memref<128x128xf32, #tpu.memory_space<vmem>>) target(%dma_start3A_192 : memref<128x128xf32, #tpu.memory_space<hbm>>) target_semaphore(%arg14 : memref<!tpu.dma_semaphore, #tpu.memory_space<semaphore_mem>>)
    %mul3A_196 = arith.constant 632 : i32
    %mul3A_197 = arith.muli %arg1, %mul3A_196 : i32
    %add3A_198 = arith.constant 128 : i32
    %add3A_199 = arith.addi %mul3A_197, %add3A_198 : i32
    "tpu.region"() ({
      %run_scoped3A = tpu.sem_alloc : memref<!tpu.dma_semaphore, #tpu.memory_space<semaphore_mem>>
      %dma_start3A_330 = arith.constant 0 : i32
      %dma_start3A_331 = arith.constant 0 : i32
      %dma_start3A_332 = tpu.memref_slice %arg10[%dma_start3A_330, %dma_start3A_331] : memref<128x128xf32, #tpu.memory_space<vmem>> -> memref<128x128xf32, #tpu.memory_space<vmem>>
      %dma_start3A_333 = arith.constant 0 : i32
      %dma_start3A_334 = tpu.memref_slice %arg11[%add3A_199, %dma_start3A_333] : memref<10112x128xf32, #tpu.memory_space<vmem_shared>> -> memref<128x128xf32, #tpu.memory_space<vmem_shared>>
      %dma_start3A_335 = arith.constant 0 : i32
      %dma_start3A_336 = arith.constant 0 : i32
      %dma_start3A_337 = tpu.memref_slice %arg10[%dma_start3A_335, %dma_start3A_336] : memref<128x128xf32, #tpu.memory_space<vmem>> -> memref<128x128xf32, #tpu.memory_space<vmem>>
      %dma_start3A_338 = arith.constant 0 : i32
      %dma_start3A_339 = tpu.memref_slice %arg11[%add3A_199, %dma_start3A_338] : memref<10112x128xf32, #tpu.memory_space<vmem_shared>> -> memref<128x128xf32, #tpu.memory_space<vmem_shared>>
      tpu.enqueue_dma source(%dma_start3A_339 : memref<128x128xf32, #tpu.memory_space<vmem_shared>>) target(%dma_start3A_337 : memref<128x128xf32, #tpu.memory_space<vmem>>) target_semaphore(%run_scoped3A : memref<!tpu.dma_semaphore, #tpu.memory_space<semaphore_mem>>)
      %dma_wait3A_340 = arith.constant 0 : i32
      %dma_wait3A_341 = arith.constant 0 : i32
      %dma_wait3A_342 = tpu.memref_slice %arg10[%dma_wait3A_340, %dma_wait3A_341] : memref<128x128xf32, #tpu.memory_space<vmem>> -> memref<128x128xf32, #tpu.memory_space<vmem>>
      %dma_wait3A_343 = arith.constant 0 : i32
      %dma_wait3A_344 = tpu.memref_slice %arg11[%add3A_199, %dma_wait3A_343] : memref<10112x128xf32, #tpu.memory_space<vmem_shared>> -> memref<128x128xf32, #tpu.memory_space<vmem_shared>>
      %dma_wait3A_345 = arith.constant 0 : i32
      %dma_wait3A_346 = arith.constant 0 : i32
      %dma_wait3A_347 = tpu.memref_slice %arg10[%dma_wait3A_345, %dma_wait3A_346] : memref<128x128xf32, #tpu.memory_space<vmem>> -> memref<128x128xf32, #tpu.memory_space<vmem>>
      %dma_wait3A_348 = arith.constant 0 : i32
      %dma_wait3A_349 = tpu.memref_slice %arg11[%add3A_199, %dma_wait3A_348] : memref<10112x128xf32, #tpu.memory_space<vmem_shared>> -> memref<128x128xf32, #tpu.memory_space<vmem_shared>>
      tpu.wait_dma2 semaphore(%run_scoped3A : memref<!tpu.dma_semaphore, #tpu.memory_space<semaphore_mem>>) src(%dma_wait3A_349 : memref<128x128xf32, #tpu.memory_space<vmem_shared>>) dst(%dma_wait3A_347 : memref<128x128xf32, #tpu.memory_space<vmem>>)
      tpu.yield
    }) : () -> ()
    %mul3A_200 = arith.constant 10112 : i32
    %mul3A_201 = arith.muli %arg0, %mul3A_200 : i32
    %mul3A_202 = arith.constant 632 : i32
    %mul3A_203 = arith.muli %arg1, %mul3A_202 : i32
    %add3A_204 = arith.addi %mul3A_201, %mul3A_203 : i32
    %add3A_205 = arith.constant 128 : i32
    %add3A_206 = arith.addi %add3A_204, %add3A_205 : i32
    %dma_start3A_207 = arith.constant 0 : i32
    %dma_start3A_208 = arith.constant 0 : i32
    %dma_start3A_209 = tpu.memref_slice %arg10[%dma_start3A_207, %dma_start3A_208] : memref<128x128xf32, #tpu.memory_space<vmem>> -> memref<128x128xf32, #tpu.memory_space<vmem>>
    %dma_start3A_210 = arith.constant 0 : i32
    %dma_start3A_211 = tpu.memref_slice %arg6[%add3A_206, %dma_start3A_210] : memref<20224x128xf32, #tpu.memory_space<hbm>> -> memref<128x128xf32, #tpu.memory_space<hbm>>
    %dma_start3A_212 = arith.constant 0 : i32
    %dma_start3A_213 = tpu.memref_slice %arg6[%add3A_206, %dma_start3A_212] : memref<20224x128xf32, #tpu.memory_space<hbm>> -> memref<128x128xf32, #tpu.memory_space<hbm>>
    %dma_start3A_214 = arith.constant 0 : i32
    %dma_start3A_215 = arith.constant 0 : i32
    %dma_start3A_216 = tpu.memref_slice %arg10[%dma_start3A_214, %dma_start3A_215] : memref<128x128xf32, #tpu.memory_space<vmem>> -> memref<128x128xf32, #tpu.memory_space<vmem>>
    tpu.enqueue_dma source(%dma_start3A_216 : memref<128x128xf32, #tpu.memory_space<vmem>>) target(%dma_start3A_213 : memref<128x128xf32, #tpu.memory_space<hbm>>) target_semaphore(%arg15 : memref<!tpu.dma_semaphore, #tpu.memory_space<semaphore_mem>>)
    %dma_wait3A_217 = arith.constant 0 : i32
    %dma_wait3A_218 = arith.constant 0 : i32
    %dma_wait3A_219 = tpu.memref_slice %arg9[%dma_wait3A_217, %dma_wait3A_218] : memref<128x128xf32, #tpu.memory_space<vmem>> -> memref<128x128xf32, #tpu.memory_space<vmem>>
    %dma_wait3A_220 = arith.constant 0 : i32
    %dma_wait3A_221 = tpu.memref_slice %arg6[%add3A_185, %dma_wait3A_220] : memref<20224x128xf32, #tpu.memory_space<hbm>> -> memref<128x128xf32, #tpu.memory_space<hbm>>
    %dma_wait3A_222 = arith.constant 0 : i32
    %dma_wait3A_223 = tpu.memref_slice %arg6[%add3A_185, %dma_wait3A_222] : memref<20224x128xf32, #tpu.memory_space<hbm>> -> memref<128x128xf32, #tpu.memory_space<hbm>>
    %dma_wait3A_224 = arith.constant 0 : i32
    %dma_wait3A_225 = arith.constant 0 : i32
    %dma_wait3A_226 = tpu.memref_slice %arg9[%dma_wait3A_224, %dma_wait3A_225] : memref<128x128xf32, #tpu.memory_space<vmem>> -> memref<128x128xf32, #tpu.memory_space<vmem>>
    tpu.wait_dma2 semaphore(%arg14 : memref<!tpu.dma_semaphore, #tpu.memory_space<semaphore_mem>>) src(%dma_wait3A_226 : memref<128x128xf32, #tpu.memory_space<vmem>>) dst(%dma_wait3A_223 : memref<128x128xf32, #tpu.memory_space<hbm>>)
    %mul3A_227 = arith.constant 632 : i32
    %mul3A_228 = arith.muli %arg1, %mul3A_227 : i32
    %add3A_229 = arith.constant 256 : i32
    %add3A_230 = arith.addi %mul3A_228, %add3A_229 : i32
    "tpu.region"() ({
      %run_scoped3A = tpu.sem_alloc : memref<!tpu.dma_semaphore, #tpu.memory_space<semaphore_mem>>
      %dma_start3A_330 = arith.constant 0 : i32
      %dma_start3A_331 = arith.constant 0 : i32
      %dma_start3A_332 = tpu.memref_slice %arg9[%dma_start3A_330, %dma_start3A_331] : memref<128x128xf32, #tpu.memory_space<vmem>> -> memref<128x128xf32, #tpu.memory_space<vmem>>
      %dma_start3A_333 = arith.constant 0 : i32
      %dma_start3A_334 = tpu.memref_slice %arg11[%add3A_230, %dma_start3A_333] : memref<10112x128xf32, #tpu.memory_space<vmem_shared>> -> memref<128x128xf32, #tpu.memory_space<vmem_shared>>
      %dma_start3A_335 = arith.constant 0 : i32
      %dma_start3A_336 = arith.constant 0 : i32
      %dma_start3A_337 = tpu.memref_slice %arg9[%dma_start3A_335, %dma_start3A_336] : memref<128x128xf32, #tpu.memory_space<vmem>> -> memref<128x128xf32, #tpu.memory_space<vmem>>
      %dma_start3A_338 = arith.constant 0 : i32
      %dma_start3A_339 = tpu.memref_slice %arg11[%add3A_230, %dma_start3A_338] : memref<10112x128xf32, #tpu.memory_space<vmem_shared>> -> memref<128x128xf32, #tpu.memory_space<vmem_shared>>
      tpu.enqueue_dma source(%dma_start3A_339 : memref<128x128xf32, #tpu.memory_space<vmem_shared>>) target(%dma_start3A_337 : memref<128x128xf32, #tpu.memory_space<vmem>>) target_semaphore(%run_scoped3A : memref<!tpu.dma_semaphore, #tpu.memory_space<semaphore_mem>>)
      %dma_wait3A_340 = arith.constant 0 : i32
      %dma_wait3A_341 = arith.constant 0 : i32
      %dma_wait3A_342 = tpu.memref_slice %arg9[%dma_wait3A_340, %dma_wait3A_341] : memref<128x128xf32, #tpu.memory_space<vmem>> -> memref<128x128xf32, #tpu.memory_space<vmem>>
      %dma_wait3A_343 = arith.constant 0 : i32
      %dma_wait3A_344 = tpu.memref_slice %arg11[%add3A_230, %dma_wait3A_343] : memref<10112x128xf32, #tpu.memory_space<vmem_shared>> -> memref<128x128xf32, #tpu.memory_space<vmem_shared>>
      %dma_wait3A_345 = arith.constant 0 : i32
      %dma_wait3A_346 = arith.constant 0 : i32
      %dma_wait3A_347 = tpu.memref_slice %arg9[%dma_wait3A_345, %dma_wait3A_346] : memref<128x128xf32, #tpu.memory_space<vmem>> -> memref<128x128xf32, #tpu.memory_space<vmem>>
      %dma_wait3A_348 = arith.constant 0 : i32
      %dma_wait3A_349 = tpu.memref_slice %arg11[%add3A_230, %dma_wait3A_348] : memref<10112x128xf32, #tpu.memory_space<vmem_shared>> -> memref<128x128xf32, #tpu.memory_space<vmem_shared>>
      tpu.wait_dma2 semaphore(%run_scoped3A : memref<!tpu.dma_semaphore, #tpu.memory_space<semaphore_mem>>) src(%dma_wait3A_349 : memref<128x128xf32, #tpu.memory_space<vmem_shared>>) dst(%dma_wait3A_347 : memref<128x128xf32, #tpu.memory_space<vmem>>)
      tpu.yield
    }) : () -> ()
    %mul3A_231 = arith.constant 10112 : i32
    %mul3A_232 = arith.muli %arg0, %mul3A_231 : i32
    %mul3A_233 = arith.constant 632 : i32
    %mul3A_234 = arith.muli %arg1, %mul3A_233 : i32
    %add3A_235 = arith.addi %mul3A_232, %mul3A_234 : i32
    %add3A_236 = arith.constant 256 : i32
    %add3A_237 = arith.addi %add3A_235, %add3A_236 : i32
    %dma_start3A_238 = arith.constant 0 : i32
    %dma_start3A_239 = arith.constant 0 : i32
    %dma_start3A_240 = tpu.memref_slice %arg9[%dma_start3A_238, %dma_start3A_239] : memref<128x128xf32, #tpu.memory_space<vmem>> -> memref<128x128xf32, #tpu.memory_space<vmem>>
    %dma_start3A_241 = arith.constant 0 : i32
    %dma_start3A_242 = tpu.memref_slice %arg6[%add3A_237, %dma_start3A_241] : memref<20224x128xf32, #tpu.memory_space<hbm>> -> memref<128x128xf32, #tpu.memory_space<hbm>>
    %dma_start3A_243 = arith.constant 0 : i32
    %dma_start3A_244 = tpu.memref_slice %arg6[%add3A_237, %dma_start3A_243] : memref<20224x128xf32, #tpu.memory_space<hbm>> -> memref<128x128xf32, #tpu.memory_space<hbm>>
    %dma_start3A_245 = arith.constant 0 : i32
    %dma_start3A_246 = arith.constant 0 : i32
    %dma_start3A_247 = tpu.memref_slice %arg9[%dma_start3A_245, %dma_start3A_246] : memref<128x128xf32, #tpu.memory_space<vmem>> -> memref<128x128xf32, #tpu.memory_space<vmem>>
    tpu.enqueue_dma source(%dma_start3A_247 : memref<128x128xf32, #tpu.memory_space<vmem>>) target(%dma_start3A_244 : memref<128x128xf32, #tpu.memory_space<hbm>>) target_semaphore(%arg14 : memref<!tpu.dma_semaphore, #tpu.memory_space<semaphore_mem>>)
    %dma_wait3A_248 = arith.constant 0 : i32
    %dma_wait3A_249 = arith.constant 0 : i32
    %dma_wait3A_250 = tpu.memref_slice %arg10[%dma_wait3A_248, %dma_wait3A_249] : memref<128x128xf32, #tpu.memory_space<vmem>> -> memref<128x128xf32, #tpu.memory_space<vmem>>
    %dma_wait3A_251 = arith.constant 0 : i32
    %dma_wait3A_252 = tpu.memref_slice %arg6[%add3A_206, %dma_wait3A_251] : memref<20224x128xf32, #tpu.memory_space<hbm>> -> memref<128x128xf32, #tpu.memory_space<hbm>>
    %dma_wait3A_253 = arith.constant 0 : i32
    %dma_wait3A_254 = tpu.memref_slice %arg6[%add3A_206, %dma_wait3A_253] : memref<20224x128xf32, #tpu.memory_space<hbm>> -> memref<128x128xf32, #tpu.memory_space<hbm>>
    %dma_wait3A_255 = arith.constant 0 : i32
    %dma_wait3A_256 = arith.constant 0 : i32
    %dma_wait3A_257 = tpu.memref_slice %arg10[%dma_wait3A_255, %dma_wait3A_256] : memref<128x128xf32, #tpu.memory_space<vmem>> -> memref<128x128xf32, #tpu.memory_space<vmem>>
    tpu.wait_dma2 semaphore(%arg15 : memref<!tpu.dma_semaphore, #tpu.memory_space<semaphore_mem>>) src(%dma_wait3A_257 : memref<128x128xf32, #tpu.memory_space<vmem>>) dst(%dma_wait3A_254 : memref<128x128xf32, #tpu.memory_space<hbm>>)
    %mul3A_258 = arith.constant 632 : i32
    %mul3A_259 = arith.muli %arg1, %mul3A_258 : i32
    %add3A_260 = arith.constant 384 : i32
    %add3A_261 = arith.addi %mul3A_259, %add3A_260 : i32
    "tpu.region"() ({
      %run_scoped3A = tpu.sem_alloc : memref<!tpu.dma_semaphore, #tpu.memory_space<semaphore_mem>>
      %dma_start3A_330 = arith.constant 0 : i32
      %dma_start3A_331 = arith.constant 0 : i32
      %dma_start3A_332 = tpu.memref_slice %arg10[%dma_start3A_330, %dma_start3A_331] : memref<128x128xf32, #tpu.memory_space<vmem>> -> memref<128x128xf32, #tpu.memory_space<vmem>>
      %dma_start3A_333 = arith.constant 0 : i32
      %dma_start3A_334 = tpu.memref_slice %arg11[%add3A_261, %dma_start3A_333] : memref<10112x128xf32, #tpu.memory_space<vmem_shared>> -> memref<128x128xf32, #tpu.memory_space<vmem_shared>>
      %dma_start3A_335 = arith.constant 0 : i32
      %dma_start3A_336 = arith.constant 0 : i32
      %dma_start3A_337 = tpu.memref_slice %arg10[%dma_start3A_335, %dma_start3A_336] : memref<128x128xf32, #tpu.memory_space<vmem>> -> memref<128x128xf32, #tpu.memory_space<vmem>>
      %dma_start3A_338 = arith.constant 0 : i32
      %dma_start3A_339 = tpu.memref_slice %arg11[%add3A_261, %dma_start3A_338] : memref<10112x128xf32, #tpu.memory_space<vmem_shared>> -> memref<128x128xf32, #tpu.memory_space<vmem_shared>>
      tpu.enqueue_dma source(%dma_start3A_339 : memref<128x128xf32, #tpu.memory_space<vmem_shared>>) target(%dma_start3A_337 : memref<128x128xf32, #tpu.memory_space<vmem>>) target_semaphore(%run_scoped3A : memref<!tpu.dma_semaphore, #tpu.memory_space<semaphore_mem>>)
      %dma_wait3A_340 = arith.constant 0 : i32
      %dma_wait3A_341 = arith.constant 0 : i32
      %dma_wait3A_342 = tpu.memref_slice %arg10[%dma_wait3A_340, %dma_wait3A_341] : memref<128x128xf32, #tpu.memory_space<vmem>> -> memref<128x128xf32, #tpu.memory_space<vmem>>
      %dma_wait3A_343 = arith.constant 0 : i32
      %dma_wait3A_344 = tpu.memref_slice %arg11[%add3A_261, %dma_wait3A_343] : memref<10112x128xf32, #tpu.memory_space<vmem_shared>> -> memref<128x128xf32, #tpu.memory_space<vmem_shared>>
      %dma_wait3A_345 = arith.constant 0 : i32
      %dma_wait3A_346 = arith.constant 0 : i32
      %dma_wait3A_347 = tpu.memref_slice %arg10[%dma_wait3A_345, %dma_wait3A_346] : memref<128x128xf32, #tpu.memory_space<vmem>> -> memref<128x128xf32, #tpu.memory_space<vmem>>
      %dma_wait3A_348 = arith.constant 0 : i32
      %dma_wait3A_349 = tpu.memref_slice %arg11[%add3A_261, %dma_wait3A_348] : memref<10112x128xf32, #tpu.memory_space<vmem_shared>> -> memref<128x128xf32, #tpu.memory_space<vmem_shared>>
      tpu.wait_dma2 semaphore(%run_scoped3A : memref<!tpu.dma_semaphore, #tpu.memory_space<semaphore_mem>>) src(%dma_wait3A_349 : memref<128x128xf32, #tpu.memory_space<vmem_shared>>) dst(%dma_wait3A_347 : memref<128x128xf32, #tpu.memory_space<vmem>>)
      tpu.yield
    }) : () -> ()
    %mul3A_262 = arith.constant 10112 : i32
    %mul3A_263 = arith.muli %arg0, %mul3A_262 : i32
    %mul3A_264 = arith.constant 632 : i32
    %mul3A_265 = arith.muli %arg1, %mul3A_264 : i32
    %add3A_266 = arith.addi %mul3A_263, %mul3A_265 : i32
    %add3A_267 = arith.constant 384 : i32
    %add3A_268 = arith.addi %add3A_266, %add3A_267 : i32
    %dma_start3A_269 = arith.constant 0 : i32
    %dma_start3A_270 = arith.constant 0 : i32
    %dma_start3A_271 = tpu.memref_slice %arg10[%dma_start3A_269, %dma_start3A_270] : memref<128x128xf32, #tpu.memory_space<vmem>> -> memref<128x128xf32, #tpu.memory_space<vmem>>
    %dma_start3A_272 = arith.constant 0 : i32
    %dma_start3A_273 = tpu.memref_slice %arg6[%add3A_268, %dma_start3A_272] : memref<20224x128xf32, #tpu.memory_space<hbm>> -> memref<128x128xf32, #tpu.memory_space<hbm>>
    %dma_start3A_274 = arith.constant 0 : i32
    %dma_start3A_275 = tpu.memref_slice %arg6[%add3A_268, %dma_start3A_274] : memref<20224x128xf32, #tpu.memory_space<hbm>> -> memref<128x128xf32, #tpu.memory_space<hbm>>
    %dma_start3A_276 = arith.constant 0 : i32
    %dma_start3A_277 = arith.constant 0 : i32
    %dma_start3A_278 = tpu.memref_slice %arg10[%dma_start3A_276, %dma_start3A_277] : memref<128x128xf32, #tpu.memory_space<vmem>> -> memref<128x128xf32, #tpu.memory_space<vmem>>
    tpu.enqueue_dma source(%dma_start3A_278 : memref<128x128xf32, #tpu.memory_space<vmem>>) target(%dma_start3A_275 : memref<128x128xf32, #tpu.memory_space<hbm>>) target_semaphore(%arg15 : memref<!tpu.dma_semaphore, #tpu.memory_space<semaphore_mem>>)
    %dma_wait3A_279 = arith.constant 0 : i32
    %dma_wait3A_280 = arith.constant 0 : i32
    %dma_wait3A_281 = tpu.memref_slice %arg9[%dma_wait3A_279, %dma_wait3A_280] : memref<128x128xf32, #tpu.memory_space<vmem>> -> memref<128x128xf32, #tpu.memory_space<vmem>>
    %dma_wait3A_282 = arith.constant 0 : i32
    %dma_wait3A_283 = tpu.memref_slice %arg6[%add3A_237, %dma_wait3A_282] : memref<20224x128xf32, #tpu.memory_space<hbm>> -> memref<128x128xf32, #tpu.memory_space<hbm>>
    %dma_wait3A_284 = arith.constant 0 : i32
    %dma_wait3A_285 = tpu.memref_slice %arg6[%add3A_237, %dma_wait3A_284] : memref<20224x128xf32, #tpu.memory_space<hbm>> -> memref<128x128xf32, #tpu.memory_space<hbm>>
    %dma_wait3A_286 = arith.constant 0 : i32
    %dma_wait3A_287 = arith.constant 0 : i32
    %dma_wait3A_288 = tpu.memref_slice %arg9[%dma_wait3A_286, %dma_wait3A_287] : memref<128x128xf32, #tpu.memory_space<vmem>> -> memref<128x128xf32, #tpu.memory_space<vmem>>
    tpu.wait_dma2 semaphore(%arg14 : memref<!tpu.dma_semaphore, #tpu.memory_space<semaphore_mem>>) src(%dma_wait3A_288 : memref<128x128xf32, #tpu.memory_space<vmem>>) dst(%dma_wait3A_285 : memref<128x128xf32, #tpu.memory_space<hbm>>)
    %mul3A_289 = arith.constant 632 : i32
    %mul3A_290 = arith.muli %arg1, %mul3A_289 : i32
    %add3A_291 = arith.constant 512 : i32
    %add3A_292 = arith.addi %mul3A_290, %add3A_291 : i32
    "tpu.region"() ({
      %run_scoped3A = tpu.sem_alloc : memref<!tpu.dma_semaphore, #tpu.memory_space<semaphore_mem>>
      %dma_start3A_330 = arith.constant 0 : i32
      %dma_start3A_331 = arith.constant 0 : i32
      %dma_start3A_332 = tpu.memref_slice %arg9[%dma_start3A_330, %dma_start3A_331] : memref<128x128xf32, #tpu.memory_space<vmem>> -> memref<120x128xf32, #tpu.memory_space<vmem>>
      %dma_start3A_333 = arith.constant 0 : i32
      %dma_start3A_334 = tpu.memref_slice %arg11[%add3A_292, %dma_start3A_333] : memref<10112x128xf32, #tpu.memory_space<vmem_shared>> -> memref<120x128xf32, #tpu.memory_space<vmem_shared>>
      %dma_start3A_335 = arith.constant 0 : i32
      %dma_start3A_336 = arith.constant 0 : i32
      %dma_start3A_337 = tpu.memref_slice %arg9[%dma_start3A_335, %dma_start3A_336] : memref<128x128xf32, #tpu.memory_space<vmem>> -> memref<120x128xf32, #tpu.memory_space<vmem>>
      %dma_start3A_338 = arith.constant 0 : i32
      %dma_start3A_339 = tpu.memref_slice %arg11[%add3A_292, %dma_start3A_338] : memref<10112x128xf32, #tpu.memory_space<vmem_shared>> -> memref<120x128xf32, #tpu.memory_space<vmem_shared>>
      tpu.enqueue_dma source(%dma_start3A_339 : memref<120x128xf32, #tpu.memory_space<vmem_shared>>) target(%dma_start3A_337 : memref<120x128xf32, #tpu.memory_space<vmem>>) target_semaphore(%run_scoped3A : memref<!tpu.dma_semaphore, #tpu.memory_space<semaphore_mem>>)
      %dma_wait3A_340 = arith.constant 0 : i32
      %dma_wait3A_341 = arith.constant 0 : i32
      %dma_wait3A_342 = tpu.memref_slice %arg9[%dma_wait3A_340, %dma_wait3A_341] : memref<128x128xf32, #tpu.memory_space<vmem>> -> memref<120x128xf32, #tpu.memory_space<vmem>>
      %dma_wait3A_343 = arith.constant 0 : i32
      %dma_wait3A_344 = tpu.memref_slice %arg11[%add3A_292, %dma_wait3A_343] : memref<10112x128xf32, #tpu.memory_space<vmem_shared>> -> memref<120x128xf32, #tpu.memory_space<vmem_shared>>
      %dma_wait3A_345 = arith.constant 0 : i32
      %dma_wait3A_346 = arith.constant 0 : i32
      %dma_wait3A_347 = tpu.memref_slice %arg9[%dma_wait3A_345, %dma_wait3A_346] : memref<128x128xf32, #tpu.memory_space<vmem>> -> memref<120x128xf32, #tpu.memory_space<vmem>>
      %dma_wait3A_348 = arith.constant 0 : i32
      %dma_wait3A_349 = tpu.memref_slice %arg11[%add3A_292, %dma_wait3A_348] : memref<10112x128xf32, #tpu.memory_space<vmem_shared>> -> memref<120x128xf32, #tpu.memory_space<vmem_shared>>
      tpu.wait_dma2 semaphore(%run_scoped3A : memref<!tpu.dma_semaphore, #tpu.memory_space<semaphore_mem>>) src(%dma_wait3A_349 : memref<120x128xf32, #tpu.memory_space<vmem_shared>>) dst(%dma_wait3A_347 : memref<120x128xf32, #tpu.memory_space<vmem>>)
      tpu.yield
    }) : () -> ()
    %mul3A_293 = arith.constant 10112 : i32
    %mul3A_294 = arith.muli %arg0, %mul3A_293 : i32
    %mul3A_295 = arith.constant 632 : i32
    %mul3A_296 = arith.muli %arg1, %mul3A_295 : i32
    %add3A_297 = arith.addi %mul3A_294, %mul3A_296 : i32
    %add3A_298 = arith.constant 512 : i32
    %add3A_299 = arith.addi %add3A_297, %add3A_298 : i32
    %dma_start3A_300 = arith.constant 0 : i32
    %dma_start3A_301 = arith.constant 0 : i32
    %dma_start3A_302 = tpu.memref_slice %arg9[%dma_start3A_300, %dma_start3A_301] : memref<128x128xf32, #tpu.memory_space<vmem>> -> memref<120x128xf32, #tpu.memory_space<vmem>>
    %dma_start3A_303 = arith.constant 0 : i32
    %dma_start3A_304 = tpu.memref_slice %arg6[%add3A_299, %dma_start3A_303] : memref<20224x128xf32, #tpu.memory_space<hbm>> -> memref<120x128xf32, #tpu.memory_space<hbm>>
    %dma_start3A_305 = arith.constant 0 : i32
    %dma_start3A_306 = tpu.memref_slice %arg6[%add3A_299, %dma_start3A_305] : memref<20224x128xf32, #tpu.memory_space<hbm>> -> memref<120x128xf32, #tpu.memory_space<hbm>>
    %dma_start3A_307 = arith.constant 0 : i32
    %dma_start3A_308 = arith.constant 0 : i32
    %dma_start3A_309 = tpu.memref_slice %arg9[%dma_start3A_307, %dma_start3A_308] : memref<128x128xf32, #tpu.memory_space<vmem>> -> memref<120x128xf32, #tpu.memory_space<vmem>>
    tpu.enqueue_dma source(%dma_start3A_309 : memref<120x128xf32, #tpu.memory_space<vmem>>) target(%dma_start3A_306 : memref<120x128xf32, #tpu.memory_space<hbm>>) target_semaphore(%arg14 : memref<!tpu.dma_semaphore, #tpu.memory_space<semaphore_mem>>)
    %dma_wait3A_310 = arith.constant 0 : i32
    %dma_wait3A_311 = arith.constant 0 : i32
    %dma_wait3A_312 = tpu.memref_slice %arg9[%dma_wait3A_310, %dma_wait3A_311] : memref<128x128xf32, #tpu.memory_space<vmem>> -> memref<120x128xf32, #tpu.memory_space<vmem>>
    %dma_wait3A_313 = arith.constant 0 : i32
    %dma_wait3A_314 = tpu.memref_slice %arg6[%add3A_299, %dma_wait3A_313] : memref<20224x128xf32, #tpu.memory_space<hbm>> -> memref<120x128xf32, #tpu.memory_space<hbm>>
    %dma_wait3A_315 = arith.constant 0 : i32
    %dma_wait3A_316 = tpu.memref_slice %arg6[%add3A_299, %dma_wait3A_315] : memref<20224x128xf32, #tpu.memory_space<hbm>> -> memref<120x128xf32, #tpu.memory_space<hbm>>
    %dma_wait3A_317 = arith.constant 0 : i32
    %dma_wait3A_318 = arith.constant 0 : i32
    %dma_wait3A_319 = tpu.memref_slice %arg9[%dma_wait3A_317, %dma_wait3A_318] : memref<128x128xf32, #tpu.memory_space<vmem>> -> memref<120x128xf32, #tpu.memory_space<vmem>>
    tpu.wait_dma2 semaphore(%arg14 : memref<!tpu.dma_semaphore, #tpu.memory_space<semaphore_mem>>) src(%dma_wait3A_319 : memref<120x128xf32, #tpu.memory_space<vmem>>) dst(%dma_wait3A_316 : memref<120x128xf32, #tpu.memory_space<hbm>>)
    %dma_wait3A_320 = arith.constant 0 : i32
    %dma_wait3A_321 = arith.constant 0 : i32
    %dma_wait3A_322 = tpu.memref_slice %arg10[%dma_wait3A_320, %dma_wait3A_321] : memref<128x128xf32, #tpu.memory_space<vmem>> -> memref<128x128xf32, #tpu.memory_space<vmem>>
    %dma_wait3A_323 = arith.constant 0 : i32
    %dma_wait3A_324 = tpu.memref_slice %arg6[%add3A_268, %dma_wait3A_323] : memref<20224x128xf32, #tpu.memory_space<hbm>> -> memref<128x128xf32, #tpu.memory_space<hbm>>
    %dma_wait3A_325 = arith.constant 0 : i32
    %dma_wait3A_326 = tpu.memref_slice %arg6[%add3A_268, %dma_wait3A_325] : memref<20224x128xf32, #tpu.memory_space<hbm>> -> memref<128x128xf32, #tpu.memory_space<hbm>>
    %dma_wait3A_327 = arith.constant 0 : i32
    %dma_wait3A_328 = arith.constant 0 : i32
    %dma_wait3A_329 = tpu.memref_slice %arg10[%dma_wait3A_327, %dma_wait3A_328] : memref<128x128xf32, #tpu.memory_space<vmem>> -> memref<128x128xf32, #tpu.memory_space<vmem>>
    tpu.wait_dma2 semaphore(%arg15 : memref<!tpu.dma_semaphore, #tpu.memory_space<semaphore_mem>>) src(%dma_wait3A_329 : memref<128x128xf32, #tpu.memory_space<vmem>>) dst(%dma_wait3A_326 : memref<128x128xf32, #tpu.memory_space<hbm>>)
    return
  }
}

module attributes {stable_mosaic.version = 14 : i64} {
  func.func @body(%arg0: i32, %arg1: memref<2x1024xf32, #tpu.memory_space<vmem>>, %arg2: memref<1024x128xf32, #tpu.memory_space<vmem>>, %arg3: memref<1024x128xf32, #tpu.memory_space<vmem>>, %arg4: memref<1024x128xf32, #tpu.memory_space<vmem>>) attributes {dimension_semantics = [#tpu.dimension_semantics<arbitrary>], iteration_bounds = array<i64: 10>, scalar_prefetch = 0 : i64, scratch_operands = 0 : i64, tpu.core_type = #tpu.core_type<tc>, window_params = [{transform_indices = @transform_0, window_bounds = array<i64: 2, 1024>}, {transform_indices = @transform_1, window_bounds = array<i64: 1024, 128>}, {transform_indices = @transform_2, window_bounds = array<i64: 1024, 128>}, {transform_indices = @transform_3, window_bounds = array<i64: 1024, 128>}]} {
    %get3A = arith.constant 0 : index
    %get3A_0 = arith.constant 0 : index
    %get3A_1 = vector.load %arg1[%get3A, %get3A_0] : memref<2x1024xf32, #tpu.memory_space<vmem>>, vector<1x1024xf32>
    %get3A_2 = vector.shape_cast %get3A_1 : vector<1x1024xf32> to vector<1024xf32>
    %get3A_3 = arith.constant 1 : index
    %get3A_4 = arith.constant 0 : index
    %get3A_5 = vector.load %arg1[%get3A_3, %get3A_4] : memref<2x1024xf32, #tpu.memory_space<vmem>>, vector<1x1024xf32>
    %get3A_6 = vector.shape_cast %get3A_5 : vector<1x1024xf32> to vector<1024xf32>
    %add3A = arith.addf %get3A_2, %get3A_6 : vector<1024xf32>
    %add3A_7 = arith.constant 1.000000e+00 : f32
    %add3A_8 = vector.broadcast %add3A_7 : f32 to vector<1024xf32>
    %add3A_9 = arith.addf %add3A, %add3A_8 : vector<1024xf32>
    %rsqrt3A = math.rsqrt %add3A_9 : vector<1024xf32>
    %broadcast_in_dim3A = vector.shape_cast %rsqrt3A : vector<1024xf32> to vector<1024x1xf32>
    %broadcast_in_dim3A_10 = vector.shape_cast %broadcast_in_dim3A : vector<1024x1xf32> to vector<1024x1xf32>
    %broadcast_in_dim3A_11 = vector.broadcast %broadcast_in_dim3A_10 : vector<1024x1xf32> to vector<1024x128xf32>
    %swap3A = arith.constant 0 : index
    %swap3A_12 = arith.constant 0 : index
    %swap3A_13 = vector.load %arg3[%swap3A, %swap3A_12] : memref<1024x128xf32, #tpu.memory_space<vmem>>, vector<1024x128xf32>
    tpu.vector_store %arg3[%swap3A, %swap3A_12], %broadcast_in_dim3A_11 {strides = array<i32>} : memref<1024x128xf32, #tpu.memory_space<vmem>>, vector<1024x128xf32>,
    %get3A_14 = arith.constant 0 : index
    %get3A_15 = arith.constant 0 : index
    %get3A_16 = vector.load %arg2[%get3A_14, %get3A_15] : memref<1024x128xf32, #tpu.memory_space<vmem>>, vector<1024x128xf32>
    %mul3A = arith.mulf %get3A_16, %broadcast_in_dim3A_11 : vector<1024x128xf32>
    %swap3A_17 = arith.constant 0 : index
    %swap3A_18 = arith.constant 0 : index
    %swap3A_19 = vector.load %arg4[%swap3A_17, %swap3A_18] : memref<1024x128xf32, #tpu.memory_space<vmem>>, vector<1024x128xf32>
    tpu.vector_store %arg4[%swap3A_17, %swap3A_18], %mul3A {strides = array<i32>} : memref<1024x128xf32, #tpu.memory_space<vmem>>, vector<1024x128xf32>,
    return
  }
  func.func @transform_0(%arg0: i32) -> (i32, i32) {
    %c0_i32 = arith.constant 0 : i32
    %c0_i32_0 = arith.constant 0 : i32
    return %c0_i32, %arg0 : i32, i32
  }
  func.func @transform_1(%arg0: i32) -> (i32, i32) {
    %c0_i32 = arith.constant 0 : i32
    %c0_i32_0 = arith.constant 0 : i32
    return %arg0, %c0_i32 : i32, i32
  }
  func.func @transform_2(%arg0: i32) -> (i32, i32) {
    %c0_i32 = arith.constant 0 : i32
    %c0_i32_0 = arith.constant 0 : i32
    return %arg0, %c0_i32 : i32, i32
  }
  func.func @transform_3(%arg0: i32) -> (i32, i32) {
    %c0_i32 = arith.constant 0 : i32
    %c0_i32_0 = arith.constant 0 : i32
    return %arg0, %c0_i32 : i32, i32
  }
}

module attributes {stable_mosaic.version = 14 : i64} {
  func.func @body(%arg0: i32, %arg1: memref<2x1024x128xf32, #tpu.memory_space<vmem>>, %arg2: memref<1024x128xf32, #tpu.memory_space<vmem>>, %arg3: memref<1024x128xf32, #tpu.memory_space<vmem>>, %arg4: memref<128x256xf32, #tpu.memory_space<vmem>>, %arg5: memref<1x256xf32, #tpu.memory_space<vmem>>, %arg6: memref<256x128xf32, #tpu.memory_space<vmem>>, %arg7: memref<1024x128xf32, #tpu.memory_space<vmem>>) attributes {dimension_semantics = [#tpu.dimension_semantics<arbitrary>], iteration_bounds = array<i64: 10>, scalar_prefetch = 0 : i64, scratch_operands = 0 : i64, tpu.core_type = #tpu.core_type<tc>, window_params = [{transform_indices = @transform_0, window_bounds = array<i64: 2, 1024, 128>}, {transform_indices = @transform_1, window_bounds = array<i64: 1024, 128>}, {transform_indices = @transform_2, window_bounds = array<i64: 1024, 128>}, {pipeline_mode = #tpu.pipeline_mode<synchronous>, transform_indices = @transform_3, window_bounds = array<i64: 128, 256>}, {pipeline_mode = #tpu.pipeline_mode<synchronous>, transform_indices = @transform_4, window_bounds = array<i64: 1, 256>}, {pipeline_mode = #tpu.pipeline_mode<synchronous>, transform_indices = @transform_5, window_bounds = array<i64: 256, 128>}, {transform_indices = @transform_6, window_bounds = array<i64: 1024, 128>}]} {
    %get3A = arith.constant 0 : index
    %get3A_0 = arith.constant 0 : index
    %get3A_1 = vector.load %arg3[%get3A, %get3A_0] : memref<1024x128xf32, #tpu.memory_space<vmem>>, vector<1024x128xf32>
    %get3A_2 = arith.constant 0 : index
    %get3A_3 = arith.constant 0 : index
    %get3A_4 = arith.constant 0 : index
    %get3A_5 = vector.load %arg1[%get3A_2, %get3A_3, %get3A_4] : memref<2x1024x128xf32, #tpu.memory_space<vmem>>, vector<1x1024x128xf32>
    %get3A_6 = vector.shape_cast %get3A_5 : vector<1x1024x128xf32> to vector<1024x128xf32>
    %get3A_7 = arith.constant 1 : index
    %get3A_8 = arith.constant 0 : index
    %get3A_9 = arith.constant 0 : index
    %get3A_10 = vector.load %arg1[%get3A_7, %get3A_8, %get3A_9] : memref<2x1024x128xf32, #tpu.memory_space<vmem>>, vector<1x1024x128xf32>
    %get3A_11 = vector.shape_cast %get3A_10 : vector<1x1024x128xf32> to vector<1024x128xf32>
    %add3A = arith.addf %get3A_6, %get3A_11 : vector<1024x128xf32>
    %get3A_12 = arith.constant 0 : index
    %get3A_13 = arith.constant 0 : index
    %get3A_14 = vector.load %arg2[%get3A_12, %get3A_13] : memref<1024x128xf32, #tpu.memory_space<vmem>>, vector<1024x128xf32>
    %add3A_15 = arith.addf %add3A, %get3A_14 : vector<1024x128xf32>
    %mul3A = arith.mulf %get3A_1, %add3A_15 : vector<1024x128xf32>
    %get3A_16 = arith.constant 0 : index
    %get3A_17 = arith.constant 0 : index
    %get3A_18 = vector.load %arg4[%get3A_16, %get3A_17] : memref<128x256xf32, #tpu.memory_space<vmem>>, vector<128x256xf32>
    %dot_general3A = arith.constant dense<0.000000e+00> : vector<1024x256xf32>
    %dot_general3A_19 = tpu.matmul %mul3A, %get3A_18, %dot_general3A {dimension_numbers = #tpu.dot_dimension_numbers<[1], [0], [0], [1], [0, 0, 1, 1], [], []>, transpose_lhs_hint = false} : vector<1024x128xf32>, vector<128x256xf32>, vector<1024x256xf32> -> vector<1024x256xf32>
    %get3A_20 = arith.constant 0 : index
    %get3A_21 = arith.constant 0 : index
    %get3A_22 = vector.load %arg5[%get3A_20, %get3A_21] : memref<1x256xf32, #tpu.memory_space<vmem>>, vector<1x256xf32>
    %add3A_23 = vector.broadcast %get3A_22 : vector<1x256xf32> to vector<1024x256xf32>
    %add3A_24 = arith.addf %dot_general3A_19, %add3A_23 : vector<1024x256xf32>
    %max3A = arith.constant 0.000000e+00 : f32
    %max3A_25 = vector.broadcast %max3A : f32 to vector<1024x256xf32>
    %max3A_26 = arith.maximumf %add3A_24, %max3A_25 : vector<1024x256xf32>
    %get3A_27 = arith.constant 0 : index
    %get3A_28 = arith.constant 0 : index
    %get3A_29 = vector.load %arg6[%get3A_27, %get3A_28] : memref<256x128xf32, #tpu.memory_space<vmem>>, vector<256x128xf32>
    %dot_general3A_30 = arith.constant dense<0.000000e+00> : vector<1024x128xf32>
    %dot_general3A_31 = tpu.matmul %max3A_26, %get3A_29, %dot_general3A_30 {dimension_numbers = #tpu.dot_dimension_numbers<[1], [0], [0], [1], [0, 0, 1, 1], [], []>, transpose_lhs_hint = false} : vector<1024x256xf32>, vector<256x128xf32>, vector<1024x128xf32> -> vector<1024x128xf32>
    %mul3A_32 = arith.mulf %get3A_1, %dot_general3A_31 : vector<1024x128xf32>
    %swap3A = arith.constant 0 : index
    %swap3A_33 = arith.constant 0 : index
    %swap3A_34 = vector.load %arg7[%swap3A, %swap3A_33] : memref<1024x128xf32, #tpu.memory_space<vmem>>, vector<1024x128xf32>
    tpu.vector_store %arg7[%swap3A, %swap3A_33], %mul3A_32 {strides = array<i32>} : memref<1024x128xf32, #tpu.memory_space<vmem>>, vector<1024x128xf32>,
    return
  }
  func.func @transform_0(%arg0: i32) -> (i32, i32, i32) {
    %c0_i32 = arith.constant 0 : i32
    %c0_i32_0 = arith.constant 0 : i32
    %c0_i32_1 = arith.constant 0 : i32
    return %c0_i32, %arg0, %c0_i32_0 : i32, i32, i32
  }
  func.func @transform_1(%arg0: i32) -> (i32, i32) {
    %c0_i32 = arith.constant 0 : i32
    %c0_i32_0 = arith.constant 0 : i32
    return %arg0, %c0_i32 : i32, i32
  }
  func.func @transform_2(%arg0: i32) -> (i32, i32) {
    %c0_i32 = arith.constant 0 : i32
    %c0_i32_0 = arith.constant 0 : i32
    return %arg0, %c0_i32 : i32, i32
  }
  func.func @transform_3(%arg0: i32) -> (i32, i32) {
    %c0_i32 = arith.constant 0 : i32
    %c0_i32_0 = arith.constant 0 : i32
    %c0_i32_1 = arith.constant 0 : i32
    return %c0_i32, %c0_i32_0 : i32, i32
  }
  func.func @transform_4(%arg0: i32) -> (i32, i32) {
    %c0_i32 = arith.constant 0 : i32
    %c0_i32_0 = arith.constant 0 : i32
    %c0_i32_1 = arith.constant 0 : i32
    return %c0_i32, %c0_i32_0 : i32, i32
  }
  func.func @transform_5(%arg0: i32) -> (i32, i32) {
    %c0_i32 = arith.constant 0 : i32
    %c0_i32_0 = arith.constant 0 : i32
    %c0_i32_1 = arith.constant 0 : i32
    return %c0_i32, %c0_i32_0 : i32, i32
  }
  func.func @transform_6(%arg0: i32) -> (i32, i32) {
    %c0_i32 = arith.constant 0 : i32
    %c0_i32_0 = arith.constant 0 : i32
    return %arg0, %c0_i32 : i32, i32
  }
}

module attributes {stable_mosaic.version = 14 : i64} {
  func.func @body(%arg0: i32, %arg1: memref<2x1024x128xf32, #tpu.memory_space<vmem>>, %arg2: memref<1024x128xf32, #tpu.memory_space<vmem>>, %arg3: memref<1024x128xf32, #tpu.memory_space<vmem>>, %arg4: memref<1x128xf32, #tpu.memory_space<vmem>>, %arg5: memref<1024x128xf32, #tpu.memory_space<vmem>>) attributes {dimension_semantics = [#tpu.dimension_semantics<arbitrary>], iteration_bounds = array<i64: 10>, scalar_prefetch = 0 : i64, scratch_operands = 0 : i64, tpu.core_type = #tpu.core_type<tc>, window_params = [{transform_indices = @transform_0, window_bounds = array<i64: 2, 1024, 128>}, {transform_indices = @transform_1, window_bounds = array<i64: 1024, 128>}, {transform_indices = @transform_2, window_bounds = array<i64: 1024, 128>}, {pipeline_mode = #tpu.pipeline_mode<synchronous>, transform_indices = @transform_3, window_bounds = array<i64: 1, 128>}, {transform_indices = @transform_4, window_bounds = array<i64: 1024, 128>}]} {
    %get3A = arith.constant 0 : index
    %get3A_0 = arith.constant 0 : index
    %get3A_1 = vector.load %arg3[%get3A, %get3A_0] : memref<1024x128xf32, #tpu.memory_space<vmem>>, vector<1024x128xf32>
    %get3A_2 = arith.constant 0 : index
    %get3A_3 = arith.constant 0 : index
    %get3A_4 = arith.constant 0 : index
    %get3A_5 = vector.load %arg1[%get3A_2, %get3A_3, %get3A_4] : memref<2x1024x128xf32, #tpu.memory_space<vmem>>, vector<1x1024x128xf32>
    %get3A_6 = vector.shape_cast %get3A_5 : vector<1x1024x128xf32> to vector<1024x128xf32>
    %get3A_7 = arith.constant 1 : index
    %get3A_8 = arith.constant 0 : index
    %get3A_9 = arith.constant 0 : index
    %get3A_10 = vector.load %arg1[%get3A_7, %get3A_8, %get3A_9] : memref<2x1024x128xf32, #tpu.memory_space<vmem>>, vector<1x1024x128xf32>
    %get3A_11 = vector.shape_cast %get3A_10 : vector<1x1024x128xf32> to vector<1024x128xf32>
    %add3A = arith.addf %get3A_6, %get3A_11 : vector<1024x128xf32>
    %get3A_12 = arith.constant 0 : index
    %get3A_13 = arith.constant 0 : index
    %get3A_14 = vector.load %arg2[%get3A_12, %get3A_13] : memref<1024x128xf32, #tpu.memory_space<vmem>>, vector<1024x128xf32>
    %add3A_15 = arith.addf %add3A, %get3A_14 : vector<1024x128xf32>
    %mul3A = arith.mulf %get3A_1, %add3A_15 : vector<1024x128xf32>
    %get3A_16 = arith.constant 0 : index
    %get3A_17 = arith.constant 0 : index
    %get3A_18 = vector.load %arg4[%get3A_16, %get3A_17] : memref<1x128xf32, #tpu.memory_space<vmem>>, vector<1x128xf32>
    %add3A_19 = vector.broadcast %get3A_18 : vector<1x128xf32> to vector<1024x128xf32>
    %add3A_20 = arith.addf %mul3A, %add3A_19 : vector<1024x128xf32>
    %swap3A = arith.constant 0 : index
    %swap3A_21 = arith.constant 0 : index
    %swap3A_22 = vector.load %arg5[%swap3A, %swap3A_21] : memref<1024x128xf32, #tpu.memory_space<vmem>>, vector<1024x128xf32>
    tpu.vector_store %arg5[%swap3A, %swap3A_21], %add3A_20 {strides = array<i32>} : memref<1024x128xf32, #tpu.memory_space<vmem>>, vector<1024x128xf32>,
    return
  }
  func.func @transform_0(%arg0: i32) -> (i32, i32, i32) {
    %c0_i32 = arith.constant 0 : i32
    %c0_i32_0 = arith.constant 0 : i32
    %c0_i32_1 = arith.constant 0 : i32
    return %c0_i32, %arg0, %c0_i32_0 : i32, i32, i32
  }
  func.func @transform_1(%arg0: i32) -> (i32, i32) {
    %c0_i32 = arith.constant 0 : i32
    %c0_i32_0 = arith.constant 0 : i32
    return %arg0, %c0_i32 : i32, i32
  }
  func.func @transform_2(%arg0: i32) -> (i32, i32) {
    %c0_i32 = arith.constant 0 : i32
    %c0_i32_0 = arith.constant 0 : i32
    return %arg0, %c0_i32 : i32, i32
  }
  func.func @transform_3(%arg0: i32) -> (i32, i32) {
    %c0_i32 = arith.constant 0 : i32
    %c0_i32_0 = arith.constant 0 : i32
    %c0_i32_1 = arith.constant 0 : i32
    return %c0_i32, %c0_i32_0 : i32, i32
  }
  func.func @transform_4(%arg0: i32) -> (i32, i32) {
    %c0_i32 = arith.constant 0 : i32
    %c0_i32_0 = arith.constant 0 : i32
    return %arg0, %c0_i32 : i32, i32
  }
}

</mosaic_0001>

<sc_bundles>
// kernel: kernel.11.cloned.1.call-start
scs
__scs_entry_jumppad:
0x0: {  	(pc) =	sbr.rel $0x88, $3  }
0x1: {  	(tag) =	ssettag $0x0;
	lr =	simm.s32 $0x1  }
0x2: {  	[smem:$0x3F9B] =	sst lr;
	_ =	strace $0xD0000000  }
0x3: {  	_ = 	snop  }
0x4: {  	_ = 	snop  }
0x5: {  	_ = 	snop  }
0x6: {  	_ = 	snop  }
0x7: {  	_ = 	snop  }
__scs_overlays_trampoline_lowered:
0x8: {  	[smem:$0x3FAA] =	sst s0  }
0x9: {  	[smem:$0x3FAB] =	sst s1  }
0xa: {  	[smem:$0x3FAC] =	sst s2  }
0xb: {  	[smem:$0x3FAD] =	sst s3  }
0xc: {  	[smem:$0x3FAE] =	sst s4  }
0xd: {  	[smem:$0x3FAF] =	sst s5  }
0xe: {  	[smem:$0x3FB0] =	sst s6  }
0xf: {  	[smem:$0x3FB1] =	sst s7  }
0x10: {  	[smem:$0x3FB2] =	sst s8  }
0x11: {  	[smem:$0x3FB3] =	sst s9;
	s0 =	simm.s32 @!p0 $0x0  }
0x12: {  	s1 =	sld [smem:$0x3F99];
	s0 =	simm.s32 @p0 $0x1  }
0x13: {  	[smem:$0x3FB4] =	sst s0;
	s0 =	simm.s32 @!p1 $0x0  }
0x14: {  	s2 =	sld [smem:$0x3F98];
	s0 =	simm.s32 @p1 $0x1  }
0x15: {  	[smem:$0x3FB5] =	sst s0;
	s0 =	simm.s32 @!p2 $0x0  }
0x16: {  	s3 =	sld [smem:$0x3FDB];
	s0 =	simm.s32 @p2 $0x1  }
0x17: {  	s4 =	simm.s32 $0x1BF5;
	[smem:$0x3FB7] =	sst s0  }
0x18: {  	s0 =	sld [smem:$0x3F9A];
	_ =	swait.ge [sflag:s4], $0x0  }
0x19: {  	s7 =	sld [smem:$0x3F9B]  }
0x1a: {  	s8 =	sadd.s32 $0xFFFFE003, lr  }
0x1b: {  	s9 =	sadd.s32 $0xFFFFFEF7, lr;
	s5 =	simm.s32 $0xFFFFFFFF;
	p2 =	slt.u32 s8, $0xFFFFF086  }
0x1c: {  	p1 =	slt.u32 s9, $0xF7A;
	s5 =	simm.s32 @!p2 $0x0  }
0x1d: {  	s5 =	simm.s32 @p1 $0x1;
	p0 =	seq.s32 s7, s2  }
0x1e: {  	s7 =	smul.u32 @!p0 $0xF7A, s2;
	p2 =	seq.s32 @!p0 s5, $0x0  }
0x1f: {  	s9 =	smul.u32 $0xF7A, s1;
	s8 =	simm.s32 @!p0 $0x1BF5;
	p2 =	por !p2, p0  }
0x20: {  	[sflag:s8] =	ssyncset.s32 @!p0 $0xFFFFF086;
	s6 =	sadd.s32 @!p0 s3, s7;
	s7 =	simm.s32 @!p0 $0x108  }
0x21: {  	s3 =	sadd.s32 s3, s9;
	s6 =	sadd.s32 @!p0 $0x88, s6;
	s7 =	simm.s32 @p2 $0x1082  }
0x22: {  	[simem:s7], [sflag:s8] =	dma.local @!p0 [hbm:s6], $0xF7A  }
0x23: {  	s9 =	sor.u32 $0xD0000000, s2;
	s6 =	simm.s32 $0x108;
	_ =	swait.ge @!p0 [sflag:s8], $0x0  }
0x24: {  	s3 =	sadd.s32 $0x88, s3;
	s6 =	simm.s32 @!p1 $0x1082;
	[sflag:s4] =	ssyncset.s32 $0xFFFFF086  }
0x25: {  	[simem:s6], [sflag:s4] =	dma.local [hbm:s3], $0xF7A  }
0x26: {  	[smem:$0x3F9B] =	sst s1;
	(tag) =	ssettag s2;
	_ =	strace s9  }
0x27: {  	s1 =	sld [smem:$0x3FAB]  }
0x28: {  	s2 =	sld [smem:$0x3FAC]  }
0x29: {  	s4 =	sld [smem:$0x3FAE]  }
0x2a: {  	p0 =	seq.s32 s5, $0x0;
	s5 =	sld [smem:$0x3FAF]  }
0x2b: {  	s6 =	sld [smem:$0x3FB0]  }
0x2c: {  	s7 =	sld [smem:$0x3FB1]  }
0x2d: {  	s3 =	simm.s32 $0x108;
	s8 =	sld [smem:$0x3FB2]  }
0x2e: {  	s3 =	simm.s32 @!p0 $0x1082;
	s9 =	sld [smem:$0x3FB3]  }
0x2f: {  	lr =	sadd.s32 s0, s3;
	s0 =	sld [smem:$0x3FAA]  }
0x30: {  	s3 =	sld [smem:$0x3FAD]  }
0x31: {  	[smem:$0x3FB6] =	sst s10  }
0x32: {  	s10 =	sld [smem:$0x3FB4];
	_ =	sdelay $0x3  }
0x33: {  	p0 =	seq.s32 s10, $0x1;
	s10 =	sld [smem:$0x3FB6];
	_ =	sdelay $0x3  }
0x34: {  	[smem:$0x3FB6] =	sst s10  }
0x35: {  	s10 =	sld [smem:$0x3FB5];
	_ =	sdelay $0x3  }
0x36: {  	p1 =	seq.s32 s10, $0x1;
	s10 =	sld [smem:$0x3FB6];
	_ =	sdelay $0x3  }
0x37: {  	[smem:$0x3FB6] =	sst s10  }
0x38: {  	s10 =	sld [smem:$0x3FB7]  }
0x39: {  	_ = 	snop;
	(pc) =	sbr.ind lr, $3  }
0x3a: {  	_ = 	snop  }
0x3b: {  	_ = 	snop  }
0x3c: {  	p2 =	seq.s32 s10, $0x1;
	s10 =	sld [smem:$0x3FB6]  }
0x3d: {  	_ =	shalt  }
0x3e: {  	_ =	shalt  }
0x3f: {  	_ =	shalt  }
0x40: {  	_ =	shalt  }
0x41: {  	_ =	shalt  }
0x42: {  	_ =	shalt  }
0x43: {  	_ =	shalt  }
0x44: {  	_ =	shalt  }
0x45: {  	_ =	shalt  }
0x46: {  	_ =	shalt  }
0x47: {  	_ =	shalt  }
0x48: {  	_ =	shalt  }
0x49: {  	_ =	shalt  }
0x4a: {  	_ =	shalt  }
0x4b: {  	_ =	shalt  }
0x4c: {  	_ =	shalt  }
0x4d: {  	_ =	shalt  }
0x4e: {  	_ =	shalt  }
0x4f: {  	_ =	shalt  }
0x50: {  	_ =	shalt  }
0x51: {  	_ =	shalt  }
0x52: {  	_ =	shalt  }
0x53: {  	_ =	shalt  }
0x54: {  	_ =	shalt  }
0x55: {  	_ =	shalt  }
0x56: {  	_ =	shalt  }
0x57: {  	_ =	shalt  }
0x58: {  	_ =	shalt  }
0x59: {  	_ =	shalt  }
0x5a: {  	_ =	shalt  }
0x5b: {  	_ =	shalt  }
0x5c: {  	_ =	shalt  }
0x5d: {  	_ =	shalt  }
0x5e: {  	_ =	shalt  }
0x5f: {  	_ =	shalt  }
0x60: {  	_ =	shalt  }
0x61: {  	_ =	shalt  }
0x62: {  	_ =	shalt  }
0x63: {  	_ =	shalt  }
0x64: {  	_ =	shalt  }
0x65: {  	_ =	shalt  }
0x66: {  	_ =	shalt  }
0x67: {  	_ =	shalt  }
0x68: {  	_ =	shalt  }
0x69: {  	_ =	shalt  }
0x6a: {  	_ =	shalt  }
0x6b: {  	_ =	shalt  }
0x6c: {  	_ =	shalt  }
0x6d: {  	_ =	shalt  }
0x6e: {  	_ =	shalt  }
0x6f: {  	_ =	shalt  }
0x70: {  	_ =	shalt  }
0x71: {  	_ =	shalt  }
0x72: {  	_ =	shalt  }
0x73: {  	_ =	shalt  }
0x74: {  	_ =	shalt  }
0x75: {  	_ =	shalt  }
0x76: {  	_ =	shalt  }
0x77: {  	_ =	shalt  }
0x78: {  	_ =	shalt  }
0x79: {  	_ =	shalt  }
0x7a: {  	_ =	shalt  }
0x7b: {  	_ =	shalt  }
0x7c: {  	_ =	shalt  }
0x7d: {  	_ =	shalt  }
0x7e: {  	_ =	shalt  }
0x7f: {  	_ =	shalt  }
0x80: {  	_ =	shalt  }
0x81: {  	_ =	shalt  }
0x82: {  	_ =	shalt  }
0x83: {  	_ =	shalt  }
0x84: {  	_ =	shalt  }
0x85: {  	_ =	shalt  }
0x86: {  	_ =	shalt  }
0x87: {  	_ =	shalt  }
.Lfunc_end0:
.L_simem_size_0:
called_computation.1_lowered:
.L_overlay_start_0:
0x88: {  	s2 =	sld [smem:$0x3FD9]  }
0x89: {  	s3 =	sld [smem:$0x3FFE];
	_ =	sdelay $0x1  }
0x8a: {  	s1 =	srdreg.scid  }
0x8b: {  	s0 =	sand.u32 $0x1, s1  }
0x8c: {  	s17 =	sshll.u32 s0, $0xA;
	s2 =	sadd.s32 s3, s2  }
0x8d: {  	s2 =	sadd.s32 s2, s17  }
0x8e: {  	[smem:$0x3FC2] =	sst s2  }
0x8f: {  	_ = 	snop  }
0x90: {  	s2 =	sld [smem:$0x3FD0];
	(tm) =	ssettm $0x1  }
0x91: {  	s18 =	sld [smem:$0x3FFB];
	_ =	sdelay $0x3  }
0x92: {  	_ =	strace s18  }
0x93: {  	s3 =	sld [smem:$0x3FFC];
	_ =	sdelay $0x3  }
0x94: {  	_ =	strace s3  }
0x95: {  	s3 =	sld [smem:$0x3FFD];
	_ =	sdelay $0x3  }
0x96: {  	_ =	strace s3  }
0x97: {  	_ =	strace $0x8FFFFFFF  }
0x98: {  	s19 =	sld [smem:$0x3FDB];
	_ =	sdelay $0x1  }
0x99: {  	s4 =	simm.s32 $_scs_section_size  }
0x9a: {  	s5 =	simm.s32 $_size__tile_overlayer_lowered;
	s6 =	simm.s32 $_tile_overlayer_lowered  }
0x9b: {  	s22 =	simm.s32 $0x1BFF;
	s21 =	sshll.u32 s6, $0x1;
	s3 =	sadd.s32 s4, s19  }
0x9c: {  	s7 =	simm.s32 $0x0;
	s20 =	sshll.u32 s5, $0x1;
	s5 =	sadd.s32 s21, s3  }
0x9d: {  	[timem:s7], [sflag:s22] =	dma.local [hbm:s5], s20  }
0x9e: {  	_ =	swait.ge [sflag:s22], s20  }
0x9f: {  	s4 =	ssub.s32 $0x0, s20;
	[sflag:s22] =	ssyncset.done $0x0  }
0xa0: {  	[sflag:s22] =	ssyncadd.s32 s4;
	_ =	sdelay $0x1  }
0xa1: {  	s23 =	simm.s32 $0x1B8B  }
0xa2: {  	_ =	swait.ge [sflag:s23], $0x1  }
0xa3: {  	[sflag:s23] =	ssyncset.done $0x0  }
0xa4: {  	s25 =	simm.s32 $0x1B8E;
	s24 =	sld [smem:$0x3FFE];
	[sflag:s23] =	ssyncadd.s32 $0xFFFFFFFF  }
0xa5: {  	s26 =	simm.s32 $execute0_lowered;
	[smem:$0x3FD2] =	sst s25  }
0xa6: {  	s5 =	sshll.u32 s26, $0x1;
	_ =	strace $0x80000049;
	[dreg:$0x1] =	wrdreg $0xFFFFFFFF  }
0xa7: {  	s28 =	simm.s32 $_size_execute0_lowered;
	s3 =	sadd.s32 s3, s5;
	[dreg:$0x0] =	wrdreg $0x0  }
0xa8: {  	s5 =	sshll.u32 s28, $0x1;
	[dreg:$0x2] =	wrdreg s3  }
0xa9: {  	[dreg:$0x3] =	wrdreg s5  }
0xaa: {  	[dreg:$0x4] =	wrdreg $0xC0  }
0xab: {  	_ =	task [dreg:s7], $0x5FFFF  }
0xac: {  	[dreg:$0x1] =	wrdreg $0xFFFFFFFF  }
0xad: {  	[dreg:$0x0] =	wrdreg $0x60  }
0xae: {  	[dreg:$0x2] =	wrdreg s2  }
0xaf: {  	[dreg:$0x3] =	wrdreg s24  }
0xb0: {  	[dreg:$0x4] =	wrdreg $0xA8000  }
0xb1: {  	[dreg:$0x5] =	wrdreg $0x9  }
0xb2: {  	_ =	task.clear_ibuf [dreg:s7], $0x6FFFF;
	_ =	strace $0x90000049  }
0xb3: {  	s29 =	simm.s32 $0x9;
	_ =	strace $0x8000004B  }
0xb4: {  	_ =	swait.ge [sflag:s29], $0x1  }
0xb5: {  	[sflag:s29] =	ssyncadd.s32 $0xFFFFFFFF  }
0xb6: {  	_ =	strace $0x9000004B  }
0xb7: {  	_ =	sfence  }
0xb8: {  	s30 =	sld [smem:$0x0];
	_ =	sdelay $0x2  }
0xb9: {  	s31 =	sshll.u32 s1, $0xD;
	s1 =	sshrl.u32 s1, $0x2  }
0xba: {  	s3 =	sand.u32 $0x4000, s31;
	s1 =	sadd.s32 s1, s30  }
0xbb: {  	s0 =	sor.u32 s3, s0;
	s1 =	sshll.u32 s1, $0x11  }
0xbc: {  	s0 =	sor.u32 s1, s0  }
0xbd: {  	s0 =	sadd.s32 $0x8F2B, s0  }
0xbe: {  	[sflag:s0] =	ssyncadd.remote.s32 $0x1  }
0xbf: {  	_ =	sfence.sel $0xFFFF  }
0xc0: {  	[dreg:$0x0] =	wrdreg $0xFFFFFFFF;
	(pc) =	sbr.abs _section_cstart, $3  }
0xc1: {  	[dreg:$0x1] =	wrdreg $0xFFFFFFFF  }
0xc2: {  	_ =	task.clear_ibuf [dreg:s7], $0x2FFFF;
	_ =	strace $0x9FFFFFFF  }
0xc3: {  	(tm) =	ssettm $0x7FFFFFFF  }
tec
execute0_lowered:
.L_overlay_start_1:
0x0: {  	(tag) =	ssettag $0x1  }
0x1: {  	s1 =	rddreg [dreg:$0x0]  }
0x2: {  	s0 =	rddreg [dreg:$0x1];
	s2 =	srdreg.scid  }
0x3: {  	s7 =	stileid.u32;
	s3 =	rddreg [dreg:$0x2]  }
0x4: {  	s4 =	simm.s32 $0x0;
	s21 =	simm.s32 $0x2800;
	s22 =	simm.s32 $0x5  }
0x5: {  	s28 =	simm.s32 $0x1;
	s29 =	simm.s32 $0x6800;
	s30 =	simm.s32 $0x2  }
0x6: {  	s31 =	simm.s32 $0x100;
	s2 =	sand.u32 $0x1, s2;
	s5 =	smul.u32 $0x278, s7  }
0x7: {  	[smem:$0x7FF] =	sst s4;
	s11 =	sadd.s32 $0xC200, s0;
	s23 =	smul.u32 $0x4F000, s7  }
0x8: {  	s12 =	sadd.s32 $0x2200, s0;
	s8 =	sadd.s32 $0x16200, s0;
	s6 =	smul.u32 $0x2780, s2  }
0x9: {  	_ =	strace $0x8000004A;
	s24 =	sshll.u32 s2, $0x4;
	s2 =	ssub.s32 $0x2, s2  }
0xa: {  	[dreg:$0x4] =	wrdreg s8;
	s25 =	sshrl.u32 s2, $0x1;
	s5 =	sadd.s32 s5, s6  }
0xb: {  	s6 =	sshrl.u32 s23, $0x2;
	s2 =	ssub.s32 s2, s25;
	s23 =	simm.s32 $0x3  }
0xc: {  	s25 =	simm.s32 $0x1400;
	s5 =	sshll.u32 s5, $0x4;
	s6 =	sadd.s32 s6, s3  }
0xd: {  	s20 =	smax.u32 s2, $0x1;
	s2 =	simm.s32 $0x1480;
	s0 =	sadd.s32 s5, s0  }
0xe: {  	s5 =	sor.u32 s7, s24;
	s7 =	sadd.s32 $0x4000, s6;
	s8 =	sadd.s32 $0x8000, s6  }
0xf: {  	s9 =	sadd.s32 $0xC000, s6;
	s24 =	simm.s32 $0x4;
	s10 =	smul.u32 $0x2800, s5  }
0x10: {  	s5 =	smul.u32 $0x500, s5;
	s15 =	sadd.s32 $0x3DA00, s0;
	s16 =	sadd.s32 $0x3E200, s0  }
.Ltmp0:
0x11: {  	s17 =	sadd.s32 $0x3EA00, s0;
	s18 =	sadd.s32 $0x3F200, s0;
	(pc) =	sbr.rel .LBB2_1-.Ltmp0, $4  }
0x12: {  	s19 =	sadd.s32 $0x3FA00, s0;
	s0 =	simm.s32 $0x0;
	s14 =	sadd.s32 s11, s5  }
0x13: {  	s13 =	sshrl.u32 s10, $0x3;
	s5 =	sadd.s32 s12, s5;
	[dreg:$0x5] =	wrdreg s14  }
0x14: {  	s10 =	sadd.s32 $0x10000, s6;
	s26 =	sadd.s32 $0x280, s13;
	[dreg:$0x6] =	wrdreg s5  }
0x15: {  	s13 =	sadd.s32 s11, s26;
	s14 =	sadd.s32 s12, s26;
	s26 =	simm.s32 $0x80  }
.LBB2_7:
0x16: {  	[spmem:s3] =	stream.indirect.scatter.add.f32 [tilespmem:s29], [sflag:$0x4], $0x80, s12, s26, $0xb8;
	[tilespmem:$0x1E400] =	vst v63  }
0x17: {  	_ =	swait.ge [sflag:s24], $0x4000  }
0x18: {  	[sflag:s24] =	ssyncset.done $0x0  }
0x19: {  	[sflag:s24] =	ssyncadd.s32 $0xFFFFC000  }
0x1a: {  	[bflag:$0x0] =	sbarrier.arrive $0xFFFF  }
0x1b: {  	[tilespmem:s21], [sflag:$0x5] =	stream.linear.gather [spmem:s6], $0x4000, $0x38;
	[tilespmem:$0x1E400] =	vst v63  }
0x1c: {  	_ =	swait.ge [sflag:s22], $0x4000  }
0x1d: {  	[sflag:s22] =	ssyncset.done $0x0  }
0x1e: {  	[sflag:s22] =	ssyncadd.s32 $0xFFFFC000  }
0x1f: {  	[hbm4b:s15+s4] =	stream.linear.scatter [tilespmem:s21], [sflag:$0x3], $0x4000, $0x38;
	[tilespmem:$0x1E400] =	vst v63  }
0x20: {  	_ = 	snop  }
0x21: {  	[tilespmem:s29], [sflag:$0x5] =	stream.linear.gather [spmem:s7], $0x4000, $0x38;
	[tilespmem:$0x1E400] =	vst v63  }
0x22: {  	_ =	swait.ge [sflag:s22], $0x4000  }
0x23: {  	[sflag:s22] =	ssyncset.done $0x0  }
0x24: {  	[sflag:s22] =	ssyncadd.s32 $0xFFFFC000  }
0x25: {  	[hbm4b:s16+s4] =	stream.linear.scatter [tilespmem:s29], [sflag:$0x4], $0x4000, $0x38;
	[tilespmem:$0x1E400] =	vst v63  }
0x26: {  	_ =	swait.ge [sflag:s23], $0x4000  }
0x27: {  	[sflag:s23] =	ssyncset.done $0x0  }
0x28: {  	[sflag:s23] =	ssyncadd.s32 $0xFFFFC000  }
0x29: {  	[tilespmem:s21], [sflag:$0x5] =	stream.linear.gather [spmem:s8], $0x4000, $0x38;
	[tilespmem:$0x1E400] =	vst v63  }
0x2a: {  	_ =	swait.ge [sflag:s22], $0x4000  }
0x2b: {  	[sflag:s22] =	ssyncset.done $0x0  }
0x2c: {  	[sflag:s22] =	ssyncadd.s32 $0xFFFFC000  }
0x2d: {  	[hbm4b:s17+s4] =	stream.linear.scatter [tilespmem:s21], [sflag:$0x3], $0x4000, $0x38;
	[tilespmem:$0x1E400] =	vst v63  }
0x2e: {  	_ =	swait.ge [sflag:s24], $0x4000  }
0x2f: {  	[sflag:s24] =	ssyncset.done $0x0  }
0x30: {  	[sflag:s24] =	ssyncadd.s32 $0xFFFFC000  }
0x31: {  	[tilespmem:s29], [sflag:$0x5] =	stream.linear.gather [spmem:s9], $0x4000, $0x38;
	[tilespmem:$0x1E400] =	vst v63  }
0x32: {  	_ =	swait.ge [sflag:s22], $0x4000  }
0x33: {  	[sflag:s22] =	ssyncset.done $0x0  }
0x34: {  	[sflag:s22] =	ssyncadd.s32 $0xFFFFC000  }
0x35: {  	[hbm4b:s18+s4] =	stream.linear.scatter [tilespmem:s29], [sflag:$0x4], $0x4000, $0x38;
	[tilespmem:$0x1E400] =	vst v63  }
0x36: {  	_ =	swait.ge [sflag:s23], $0x4000  }
0x37: {  	[sflag:s23] =	ssyncset.done $0x0  }
0x38: {  	[sflag:s23] =	ssyncadd.s32 $0xFFFFC000  }
0x39: {  	[tilespmem:s21], [sflag:$0x5] =	stream.linear.gather [spmem:s10], $0x3C00, $0x38;
	[tilespmem:$0x1E400] =	vst v63  }
0x3a: {  	_ =	swait.ge [sflag:s22], $0x3C00  }
0x3b: {  	[sflag:s22] =	ssyncset.done $0x0  }
0x3c: {  	s0 =	sadd.s32 $0x1, s0;
	[sflag:s22] =	ssyncadd.s32 $0xFFFFC400  }
0x3d: {  	[hbm4b:s19+s4] =	stream.linear.scatter [tilespmem:s21], [sflag:$0x3], $0x3C00, $0x38;
	[tilespmem:$0x1E400] =	vst v63  }
0x3e: {  	p0 =	sne.s32 s0, s20;
	_ =	swait.ge [sflag:s23], $0x3C00  }
.Ltmp1:
0x3f: {  	[sflag:s23] =	ssyncset.done $0x0;
	(pc) =	sbr.rel @!p0 .LBB2_8-.Ltmp1, $4  }
0x40: {  	[sflag:s23] =	ssyncadd.s32 $0xFFFFC400  }
0x41: {  	_ =	swait.ge [sflag:s24], $0x4000  }
0x42: {  	[sflag:s24] =	ssyncset.done $0x0  }
0x43: {  	[sflag:s24] =	ssyncadd.s32 $0xFFFFC000  }
.LBB2_1:
0x44: {  	s5 =	rddreg [dreg:$0x4]  }
0x45: {  	[tilespmem:s21], [sflag:$0x5] =	stream.linear.gather [hbm4b:s5+s4], $0x4000, $0x38;
	[tilespmem:$0x1E400] =	vst v63  }
0x46: {  	_ =	swait.ge [sflag:s22], $0x4000  }
0x47: {  	[sflag:s22] =	ssyncset.done $0x0  }
0x48: {  	[sflag:s22] =	ssyncadd.s32 $0xFFFFC000  }
0x49: {  	[spmem:s6] =	stream.linear.scatter [tilespmem:s21], [sflag:$0x3], $0x4000, $0x38;
	[tilespmem:$0x1E400] =	vst v63  }
0x4a: {  	_ = 	snop  }
0x4b: {  	[spmem:s7] =	stream.linear.scatter [tilespmem:s21], [sflag:$0x4], $0x4000, $0x38;
	[tilespmem:$0x1E400] =	vst v63  }
0x4c: {  	_ = 	snop  }
0x4d: {  	[spmem:s8] =	stream.linear.scatter [tilespmem:s21], [sflag:$0x3], $0x4000, $0x38;
	[tilespmem:$0x1E400] =	vst v63  }
0x4e: {  	_ = 	snop  }
0x4f: {  	[spmem:s9] =	stream.linear.scatter [tilespmem:s21], [sflag:$0x4], $0x4000, $0x38;
	[tilespmem:$0x1E400] =	vst v63  }
0x50: {  	_ = 	snop  }
0x51: {  	[spmem:s10] =	stream.linear.scatter [tilespmem:s21], [sflag:$0x3], $0x3C00, $0x38;
	[tilespmem:$0x1E400] =	vst v63  }
0x52: {  	_ =	swait.ge [sflag:s23], $0x4000  }
0x53: {  	[sflag:s23] =	ssyncset.done $0x0  }
0x54: {  	[sflag:s23] =	ssyncadd.s32 $0xFFFFC000  }
0x55: {  	_ =	swait.ge [sflag:s24], $0x4000  }
0x56: {  	[sflag:s24] =	ssyncset.done $0x0  }
0x57: {  	[sflag:s24] =	ssyncadd.s32 $0xFFFFC000  }
0x58: {  	_ =	swait.ge [sflag:s23], $0x4000  }
0x59: {  	[sflag:s23] =	ssyncset.done $0x0  }
0x5a: {  	[sflag:s23] =	ssyncadd.s32 $0xFFFFC000  }
0x5b: {  	_ =	swait.ge [sflag:s24], $0x4000  }
0x5c: {  	[sflag:s24] =	ssyncset.done $0x0  }
0x5d: {  	[sflag:s24] =	ssyncadd.s32 $0xFFFFC000  }
0x5e: {  	_ =	swait.ge [sflag:s23], $0x3C00  }
0x5f: {  	[sflag:s23] =	ssyncset.done $0x0  }
0x60: {  	[sflag:s23] =	ssyncadd.s32 $0xFFFFC400  }
0x61: {  	[bflag:$0x0] =	sbarrier.arrive $0xFFFF  }
0x62: {  	s11 =	rddreg [dreg:$0x5]  }
0x63: {  	[tilespmem:s4], [sflag:$0x5] =	stream.linear.gather [hbm4b:s11+s4], $0x1400, $0x38;
	[tilespmem:$0x1E400] =	vst v63  }
0x64: {  	_ =	swait.ge [sflag:s22], $0x1400  }
0x65: {  	[sflag:s22] =	ssyncset.done $0x0  }
0x66: {  	s12 =	rddreg [dreg:$0x6];
	[sflag:s22] =	ssyncadd.s32 $0xFFFFEC00  }
0x67: {  	[tilespmem:s25], [sflag:$0x5] =	stream.linear.gather [hbm4b:s12+s4], $0x1400, $0x38;
	[tilespmem:$0x1E400] =	vst v63  }
0x68: {  	_ =	swait.ge [sflag:s22], $0x1400  }
0x69: {  	[sflag:s22] =	ssyncset.done $0x0  }
0x6a: {  	[sflag:s22] =	ssyncadd.s32 $0xFFFFEC00  }
0x6b: {  	[tilespmem:s21], [sflag:$0x1] =	stream.indirect.gather [hbm4b:s1+s26], $0x80, s4, s26, $0xb8;
	[tilespmem:$0x1E400] =	vst v63  }
0x6c: {  	_ =	swait.ge [sflag:s28], $0x4000  }
0x6d: {  	[sflag:s28] =	ssyncset.done $0x0  }
0x6e: {  	[sflag:s28] =	ssyncadd.s32 $0xFFFFC000  }
0x6f: {  	[tilespmem:s29], [sflag:$0x2] =	stream.indirect.gather [hbm4b:s1+s26], $0x80, s26, s26, $0xb8;
	[tilespmem:$0x1E400] =	vst v63  }
0x70: {  	_ = 	snop  }
0x71: {  	[spmem:s3] =	stream.indirect.scatter.add.f32 [tilespmem:s21], [sflag:$0x3], $0x80, s25, s26, $0xb8;
	[tilespmem:$0x1E400] =	vst v63  }
0x72: {  	_ =	swait.ge [sflag:s30], $0x4000  }
0x73: {  	[sflag:s30] =	ssyncset.done $0x0  }
0x74: {  	[sflag:s30] =	ssyncadd.s32 $0xFFFFC000  }
0x75: {  	_ =	swait.ge [sflag:s23], $0x4000  }
0x76: {  	[sflag:s23] =	ssyncset.done $0x0  }
0x77: {  	[sflag:s23] =	ssyncadd.s32 $0xFFFFC000  }
0x78: {  	[tilespmem:s21], [sflag:$0x1] =	stream.indirect.gather [hbm4b:s1+s26], $0x80, s31, s26, $0xb8;
	[tilespmem:$0x1E400] =	vst v63  }
0x79: {  	s5 =	simm.s32 $0xFFFFB800  }
0x7a: {  	[spmem:s3] =	stream.indirect.scatter.add.f32 [tilespmem:s29], [sflag:$0x4], $0x80, s2, s26, $0xb8;
	[tilespmem:$0x1E400] =	vst v63  }
.LBB2_2:
0x7b: {  	_ =	swait.ge [sflag:s28], $0x4000  }
0x7c: {  	[sflag:s28] =	ssyncset.done $0x0  }
0x7d: {  	[sflag:s28] =	ssyncadd.s32 $0xFFFFC000  }
0x7e: {  	_ =	swait.ge [sflag:s24], $0x4000  }
0x7f: {  	s11 =	sshra.s32 s5, $0x2;
	[sflag:s24] =	ssyncset.done $0x0  }
0x80: {  	s12 =	sadd.s32 $0x1380, s11;
	[sflag:s24] =	ssyncadd.s32 $0xFFFFC000  }
0x81: {  	[tilespmem:s29], [sflag:$0x2] =	stream.indirect.gather [hbm4b:s1+s26], $0x80, s12, s26, $0xb8;
	[tilespmem:$0x1E400] =	vst v63  }
0x82: {  	s12 =	sadd.s32 $0x2700, s11  }
0x83: {  	[spmem:s3] =	stream.indirect.scatter.add.f32 [tilespmem:s21], [sflag:$0x3], $0x80, s12, s26, $0xb8;
	[tilespmem:$0x1E400] =	vst v63  }
0x84: {  	p0 =	seq.s32 s5, $0x0;
	_ =	swait.ge [sflag:s30], $0x4000  }
.Ltmp2:
0x85: {  	[sflag:s30] =	ssyncset.done $0x0;
	(pc) =	sbr.rel @p0 .LBB2_4-.Ltmp2, $4  }
0x86: {  	[sflag:s30] =	ssyncadd.s32 $0xFFFFC000  }
0x87: {  	_ =	swait.ge [sflag:s23], $0x4000  }
0x88: {  	[sflag:s23] =	ssyncset.done $0x0  }
0x89: {  	s12 =	sadd.s32 $0x2780, s11;
	[sflag:s23] =	ssyncadd.s32 $0xFFFFC000  }
.Ltmp3:
0x8a: {  	(pc) =	sbr.rel .LBB2_2-.Ltmp3, $4  }
0x8b: {  	s11 =	sadd.s32 $0x1400, s11  }
0x8c: {  	[tilespmem:s21], [sflag:$0x1] =	stream.indirect.gather [hbm4b:s1+s26], $0x80, s11, s26, $0xb8;
	[tilespmem:$0x1E400] =	vst v63  }
0x8d: {  	s5 =	sadd.s32 $0x400, s5  }
0x8e: {  	[spmem:s3] =	stream.indirect.scatter.add.f32 [tilespmem:s29], [sflag:$0x4], $0x80, s12, s26, $0xb8;
	[tilespmem:$0x1E400] =	vst v63  }
.LBB2_4:
0x8f: {  	[spmem:s3] =	stream.indirect.scatter.add.f32 [tilespmem:s29], [sflag:$0x4], $0x80, s12, s26, $0xb8;
	[tilespmem:$0x1E400] =	vst v63  }
0x90: {  	_ =	swait.ge [sflag:s24], $0x4000  }
0x91: {  	[sflag:s24] =	ssyncset.done $0x0  }
0x92: {  	[sflag:s24] =	ssyncadd.s32 $0xFFFFC000  }
0x93: {  	[tilespmem:s4], [sflag:$0x5] =	stream.linear.gather [hbm4b:s13+s4], $0x1400, $0x38;
	[tilespmem:$0x1E400] =	vst v63  }
0x94: {  	_ =	swait.ge [sflag:s22], $0x1400  }
0x95: {  	[sflag:s22] =	ssyncset.done $0x0  }
0x96: {  	[sflag:s22] =	ssyncadd.s32 $0xFFFFEC00  }
0x97: {  	[tilespmem:s25], [sflag:$0x5] =	stream.linear.gather [hbm4b:s14+s4], $0x1400, $0x38;
	[tilespmem:$0x1E400] =	vst v63  }
0x98: {  	_ =	swait.ge [sflag:s22], $0x1400  }
0x99: {  	[sflag:s22] =	ssyncset.done $0x0  }
0x9a: {  	[sflag:s22] =	ssyncadd.s32 $0xFFFFEC00  }
0x9b: {  	[tilespmem:s21], [sflag:$0x1] =	stream.indirect.gather [hbm4b:s1+s26], $0x80, s4, s26, $0xb8;
	[tilespmem:$0x1E400] =	vst v63  }
0x9c: {  	_ =	swait.ge [sflag:s28], $0x4000  }
0x9d: {  	[sflag:s28] =	ssyncset.done $0x0  }
0x9e: {  	[sflag:s28] =	ssyncadd.s32 $0xFFFFC000  }
0x9f: {  	[tilespmem:s29], [sflag:$0x2] =	stream.indirect.gather [hbm4b:s1+s26], $0x80, s26, s26, $0xb8;
	[tilespmem:$0x1E400] =	vst v63  }
0xa0: {  	_ = 	snop  }
0xa1: {  	[spmem:s3] =	stream.indirect.scatter.add.f32 [tilespmem:s21], [sflag:$0x3], $0x80, s25, s26, $0xb8;
	[tilespmem:$0x1E400] =	vst v63  }
0xa2: {  	_ =	swait.ge [sflag:s30], $0x4000  }
0xa3: {  	[sflag:s30] =	ssyncset.done $0x0  }
0xa4: {  	[sflag:s30] =	ssyncadd.s32 $0xFFFFC000  }
0xa5: {  	_ =	swait.ge [sflag:s23], $0x4000  }
0xa6: {  	[sflag:s23] =	ssyncset.done $0x0  }
0xa7: {  	[sflag:s23] =	ssyncadd.s32 $0xFFFFC000  }
0xa8: {  	[tilespmem:s21], [sflag:$0x1] =	stream.indirect.gather [hbm4b:s1+s26], $0x80, s31, s26, $0xb8;
	[tilespmem:$0x1E400] =	vst v63  }
0xa9: {  	s5 =	simm.s32 $0xFFFFB800  }
0xaa: {  	[spmem:s3] =	stream.indirect.scatter.add.f32 [tilespmem:s29], [sflag:$0x4], $0x80, s2, s26, $0xb8;
	[tilespmem:$0x1E400] =	vst v63  }
.LBB2_5:
0xab: {  	_ =	swait.ge [sflag:s28], $0x4000  }
0xac: {  	[sflag:s28] =	ssyncset.done $0x0  }
0xad: {  	[sflag:s28] =	ssyncadd.s32 $0xFFFFC000  }
0xae: {  	_ =	swait.ge [sflag:s24], $0x4000  }
0xaf: {  	s11 =	sshra.s32 s5, $0x2;
	[sflag:s24] =	ssyncset.done $0x0  }
0xb0: {  	s12 =	sadd.s32 $0x1380, s11;
	[sflag:s24] =	ssyncadd.s32 $0xFFFFC000  }
0xb1: {  	[tilespmem:s29], [sflag:$0x2] =	stream.indirect.gather [hbm4b:s1+s26], $0x80, s12, s26, $0xb8;
	[tilespmem:$0x1E400] =	vst v63  }
0xb2: {  	s12 =	sadd.s32 $0x2700, s11  }
0xb3: {  	[spmem:s3] =	stream.indirect.scatter.add.f32 [tilespmem:s21], [sflag:$0x3], $0x80, s12, s26, $0xb8;
	[tilespmem:$0x1E400] =	vst v63  }
0xb4: {  	p0 =	seq.s32 s5, $0x0;
	_ =	swait.ge [sflag:s30], $0x4000  }
.Ltmp4:
0xb5: {  	[sflag:s30] =	ssyncset.done $0x0;
	(pc) =	sbr.rel @p0 .LBB2_7-.Ltmp4, $4  }
0xb6: {  	[sflag:s30] =	ssyncadd.s32 $0xFFFFC000  }
0xb7: {  	_ =	swait.ge [sflag:s23], $0x4000  }
0xb8: {  	[sflag:s23] =	ssyncset.done $0x0  }
0xb9: {  	s12 =	sadd.s32 $0x2780, s11;
	[sflag:s23] =	ssyncadd.s32 $0xFFFFC000  }
.Ltmp5:
0xba: {  	(pc) =	sbr.rel .LBB2_5-.Ltmp5, $4  }
0xbb: {  	s11 =	sadd.s32 $0x1400, s11  }
0xbc: {  	[tilespmem:s21], [sflag:$0x1] =	stream.indirect.gather [hbm4b:s1+s26], $0x80, s11, s26, $0xb8;
	[tilespmem:$0x1E400] =	vst v63  }
0xbd: {  	s5 =	sadd.s32 $0x400, s5  }
0xbe: {  	[spmem:s3] =	stream.indirect.scatter.add.f32 [tilespmem:s29], [sflag:$0x4], $0x80, s12, s26, $0xb8;
	[tilespmem:$0x1E400] =	vst v63  }
.LBB2_8:
0xbf: {  	_ =	sfence.sel $0x180000  }
0xc0: {  	[bflag:$0x0] =	sbarrier.arrive $0xFFFF  }
0xc1: {  	_ =	strace $0x9000004A  }
0xc2: {  	s0 =	stileid.u32;
	[bflag:$0x2] =	sbarrier.arrive $0xFFFF  }
0xc3: {  	p0 =	sne.s32 s0, $0x0;
	s0 =	rddreg [dreg:$0x3]  }
0xc4: {  	s0 =	sadd.s32 @!p0 $0x100000, s0  }
0xc5: {  	[sflag:s0] =	ssyncadd.tile.s32 @!p0 $0x1;
	_ =	shalt  }
.Lfunc_end2:
_tile_overlayer_lowered:
.L_overlay_start_2:
0xc6: {  	(tag) =	ssettag $0x2  }
0xc7: {  	s0 =	rddreg [dreg:$0x0];
	s2 =	stileid.u32  }
0xc8: {  	s1 =	rddreg [dreg:$0x1];
	p0 =	sne.s32 s2, $0x0  }
0xc9: {  	s3 =	rddreg [dreg:$0x2];
	[bflag:$0x3] =	sbarrier.arrive $0xFFFF;
	s2 =	simm.s32 @!p0 $0x1C05  }
0xca: {  	[timem:s3], [sflag:s2] =	dma.local @!p0 [hbm:s0], s1  }
0xcb: {  	s0 =	simm.s32 @!p0 $0x5  }
0xcc: {  	_ =	swait.ge @!p0 [sflag:s0], s1  }
0xcd: {  	s1 =	ssub.s32 @!p0 $0x0, s1;
	[sflag:s0] =	ssyncset.done @!p0 $0x0  }
0xce: {  	[sflag:s0] =	ssyncadd.s32 @!p0 s1  }
0xcf: {  	[bflag:$0x3] =	sbarrier.arrive $0xFFFF  }
0xd0: {  	_ =	shalt  }

// kernel: kernel.14.cloned.1.call-start
scs
__scs_entry_jumppad:
0x0: {  	(pc) =	sbr.rel $0x88, $3  }
0x1: {  	(tag) =	ssettag $0x0;
	lr =	simm.s32 $0x1  }
0x2: {  	[smem:$0x3F9B] =	sst lr;
	_ =	strace $0xD0000000  }
0x3: {  	_ = 	snop  }
0x4: {  	_ = 	snop  }
0x5: {  	_ = 	snop  }
0x6: {  	_ = 	snop  }
0x7: {  	_ = 	snop  }
__scs_overlays_trampoline_lowered:
0x8: {  	[smem:$0x3FAA] =	sst s0  }
0x9: {  	[smem:$0x3FAB] =	sst s1  }
0xa: {  	[smem:$0x3FAC] =	sst s2  }
0xb: {  	[smem:$0x3FAD] =	sst s3  }
0xc: {  	[smem:$0x3FAE] =	sst s4  }
0xd: {  	[smem:$0x3FAF] =	sst s5  }
0xe: {  	[smem:$0x3FB0] =	sst s6  }
0xf: {  	[smem:$0x3FB1] =	sst s7  }
0x10: {  	[smem:$0x3FB2] =	sst s8  }
0x11: {  	[smem:$0x3FB3] =	sst s9;
	s0 =	simm.s32 @!p0 $0x0  }
0x12: {  	s1 =	sld [smem:$0x3F99];
	s0 =	simm.s32 @p0 $0x1  }
0x13: {  	[smem:$0x3FB4] =	sst s0;
	s0 =	simm.s32 @!p1 $0x0  }
0x14: {  	s2 =	sld [smem:$0x3F98];
	s0 =	simm.s32 @p1 $0x1  }
0x15: {  	[smem:$0x3FB5] =	sst s0;
	s0 =	simm.s32 @!p2 $0x0  }
0x16: {  	s3 =	sld [smem:$0x3FDB];
	s0 =	simm.s32 @p2 $0x1  }
0x17: {  	s4 =	simm.s32 $0x1BF5;
	[smem:$0x3FB7] =	sst s0  }
0x18: {  	s0 =	sld [smem:$0x3F9A];
	_ =	swait.ge [sflag:s4], $0x0  }
0x19: {  	s7 =	sld [smem:$0x3F9B]  }
0x1a: {  	s8 =	sadd.s32 $0xFFFFE003, lr  }
0x1b: {  	s9 =	sadd.s32 $0xFFFFFEF7, lr;
	s5 =	simm.s32 $0xFFFFFFFF;
	p2 =	slt.u32 s8, $0xFFFFF086  }
0x1c: {  	p1 =	slt.u32 s9, $0xF7A;
	s5 =	simm.s32 @!p2 $0x0  }
0x1d: {  	s5 =	simm.s32 @p1 $0x1;
	p0 =	seq.s32 s7, s2  }
0x1e: {  	s7 =	smul.u32 @!p0 $0xF7A, s2;
	p2 =	seq.s32 @!p0 s5, $0x0  }
0x1f: {  	s9 =	smul.u32 $0xF7A, s1;
	s8 =	simm.s32 @!p0 $0x1BF5;
	p2 =	por !p2, p0  }
0x20: {  	[sflag:s8] =	ssyncset.s32 @!p0 $0xFFFFF086;
	s6 =	sadd.s32 @!p0 s3, s7;
	s7 =	simm.s32 @!p0 $0x108  }
0x21: {  	s3 =	sadd.s32 s3, s9;
	s6 =	sadd.s32 @!p0 $0x88, s6;
	s7 =	simm.s32 @p2 $0x1082  }
0x22: {  	[simem:s7], [sflag:s8] =	dma.local @!p0 [hbm:s6], $0xF7A  }
0x23: {  	s9 =	sor.u32 $0xD0000000, s2;
	s6 =	simm.s32 $0x108;
	_ =	swait.ge @!p0 [sflag:s8], $0x0  }
0x24: {  	s3 =	sadd.s32 $0x88, s3;
	s6 =	simm.s32 @!p1 $0x1082;
	[sflag:s4] =	ssyncset.s32 $0xFFFFF086  }
0x25: {  	[simem:s6], [sflag:s4] =	dma.local [hbm:s3], $0xF7A  }
0x26: {  	[smem:$0x3F9B] =	sst s1;
	(tag) =	ssettag s2;
	_ =	strace s9  }
0x27: {  	s1 =	sld [smem:$0x3FAB]  }
0x28: {  	s2 =	sld [smem:$0x3FAC]  }
0x29: {  	s4 =	sld [smem:$0x3FAE]  }
0x2a: {  	p0 =	seq.s32 s5, $0x0;
	s5 =	sld [smem:$0x3FAF]  }
0x2b: {  	s6 =	sld [smem:$0x3FB0]  }
0x2c: {  	s7 =	sld [smem:$0x3FB1]  }
0x2d: {  	s3 =	simm.s32 $0x108;
	s8 =	sld [smem:$0x3FB2]  }
0x2e: {  	s3 =	simm.s32 @!p0 $0x1082;
	s9 =	sld [smem:$0x3FB3]  }
0x2f: {  	lr =	sadd.s32 s0, s3;
	s0 =	sld [smem:$0x3FAA]  }
0x30: {  	s3 =	sld [smem:$0x3FAD]  }
0x31: {  	[smem:$0x3FB6] =	sst s10  }
0x32: {  	s10 =	sld [smem:$0x3FB4];
	_ =	sdelay $0x3  }
0x33: {  	p0 =	seq.s32 s10, $0x1;
	s10 =	sld [smem:$0x3FB6];
	_ =	sdelay $0x3  }
0x34: {  	[smem:$0x3FB6] =	sst s10  }
0x35: {  	s10 =	sld [smem:$0x3FB5];
	_ =	sdelay $0x3  }
0x36: {  	p1 =	seq.s32 s10, $0x1;
	s10 =	sld [smem:$0x3FB6];
	_ =	sdelay $0x3  }
0x37: {  	[smem:$0x3FB6] =	sst s10  }
0x38: {  	s10 =	sld [smem:$0x3FB7]  }
0x39: {  	_ = 	snop;
	(pc) =	sbr.ind lr, $3  }
0x3a: {  	_ = 	snop  }
0x3b: {  	_ = 	snop  }
0x3c: {  	p2 =	seq.s32 s10, $0x1;
	s10 =	sld [smem:$0x3FB6]  }
0x3d: {  	_ =	shalt  }
0x3e: {  	_ =	shalt  }
0x3f: {  	_ =	shalt  }
0x40: {  	_ =	shalt  }
0x41: {  	_ =	shalt  }
0x42: {  	_ =	shalt  }
0x43: {  	_ =	shalt  }
0x44: {  	_ =	shalt  }
0x45: {  	_ =	shalt  }
0x46: {  	_ =	shalt  }
0x47: {  	_ =	shalt  }
0x48: {  	_ =	shalt  }
0x49: {  	_ =	shalt  }
0x4a: {  	_ =	shalt  }
0x4b: {  	_ =	shalt  }
0x4c: {  	_ =	shalt  }
0x4d: {  	_ =	shalt  }
0x4e: {  	_ =	shalt  }
0x4f: {  	_ =	shalt  }
0x50: {  	_ =	shalt  }
0x51: {  	_ =	shalt  }
0x52: {  	_ =	shalt  }
0x53: {  	_ =	shalt  }
0x54: {  	_ =	shalt  }
0x55: {  	_ =	shalt  }
0x56: {  	_ =	shalt  }
0x57: {  	_ =	shalt  }
0x58: {  	_ =	shalt  }
0x59: {  	_ =	shalt  }
0x5a: {  	_ =	shalt  }
0x5b: {  	_ =	shalt  }
0x5c: {  	_ =	shalt  }
0x5d: {  	_ =	shalt  }
0x5e: {  	_ =	shalt  }
0x5f: {  	_ =	shalt  }
0x60: {  	_ =	shalt  }
0x61: {  	_ =	shalt  }
0x62: {  	_ =	shalt  }
0x63: {  	_ =	shalt  }
0x64: {  	_ =	shalt  }
0x65: {  	_ =	shalt  }
0x66: {  	_ =	shalt  }
0x67: {  	_ =	shalt  }
0x68: {  	_ =	shalt  }
0x69: {  	_ =	shalt  }
0x6a: {  	_ =	shalt  }
0x6b: {  	_ =	shalt  }
0x6c: {  	_ =	shalt  }
0x6d: {  	_ =	shalt  }
0x6e: {  	_ =	shalt  }
0x6f: {  	_ =	shalt  }
0x70: {  	_ =	shalt  }
0x71: {  	_ =	shalt  }
0x72: {  	_ =	shalt  }
0x73: {  	_ =	shalt  }
0x74: {  	_ =	shalt  }
0x75: {  	_ =	shalt  }
0x76: {  	_ =	shalt  }
0x77: {  	_ =	shalt  }
0x78: {  	_ =	shalt  }
0x79: {  	_ =	shalt  }
0x7a: {  	_ =	shalt  }
0x7b: {  	_ =	shalt  }
0x7c: {  	_ =	shalt  }
0x7d: {  	_ =	shalt  }
0x7e: {  	_ =	shalt  }
0x7f: {  	_ =	shalt  }
0x80: {  	_ =	shalt  }
0x81: {  	_ =	shalt  }
0x82: {  	_ =	shalt  }
0x83: {  	_ =	shalt  }
0x84: {  	_ =	shalt  }
0x85: {  	_ =	shalt  }
0x86: {  	_ =	shalt  }
0x87: {  	_ =	shalt  }
.Lfunc_end0:
.L_simem_size_0:
called_computation.2_lowered:
.L_overlay_start_0:
0x88: {  	s2 =	sld [smem:$0x3FD9]  }
0x89: {  	s3 =	sld [smem:$0x3FFE];
	_ =	sdelay $0x1  }
0x8a: {  	s1 =	srdreg.scid  }
0x8b: {  	s0 =	sand.u32 $0x1, s1  }
0x8c: {  	s17 =	sshll.u32 s0, $0xA;
	s2 =	sadd.s32 s3, s2  }
0x8d: {  	s2 =	sadd.s32 s2, s17  }
0x8e: {  	[smem:$0x3FC2] =	sst s2  }
0x8f: {  	_ = 	snop  }
0x90: {  	s2 =	sld [smem:$0x3FD0];
	(tm) =	ssettm $0x1  }
0x91: {  	s18 =	sld [smem:$0x3FFB];
	_ =	sdelay $0x3  }
0x92: {  	_ =	strace s18  }
0x93: {  	s3 =	sld [smem:$0x3FFC];
	_ =	sdelay $0x3  }
0x94: {  	_ =	strace s3  }
0x95: {  	s3 =	sld [smem:$0x3FFD];
	_ =	sdelay $0x3  }
0x96: {  	_ =	strace s3  }
0x97: {  	_ =	strace $0x8FFFFFFF  }
0x98: {  	s19 =	sld [smem:$0x3FDB];
	_ =	sdelay $0x1  }
0x99: {  	s4 =	simm.s32 $_scs_section_size  }
0x9a: {  	s5 =	simm.s32 $_size__tile_overlayer_lowered;
	s6 =	simm.s32 $_tile_overlayer_lowered  }
0x9b: {  	s22 =	simm.s32 $0x1BFF;
	s21 =	sshll.u32 s6, $0x1;
	s3 =	sadd.s32 s4, s19  }
0x9c: {  	s7 =	simm.s32 $0x0;
	s20 =	sshll.u32 s5, $0x1;
	s5 =	sadd.s32 s21, s3  }
0x9d: {  	[timem:s7], [sflag:s22] =	dma.local [hbm:s5], s20  }
0x9e: {  	_ =	swait.ge [sflag:s22], s20  }
0x9f: {  	s4 =	ssub.s32 $0x0, s20;
	[sflag:s22] =	ssyncset.done $0x0  }
0xa0: {  	[sflag:s22] =	ssyncadd.s32 s4;
	_ =	sdelay $0x1  }
0xa1: {  	s23 =	simm.s32 $0x1B8B  }
0xa2: {  	_ =	swait.ge [sflag:s23], $0x1  }
0xa3: {  	[sflag:s23] =	ssyncset.done $0x0  }
0xa4: {  	s25 =	simm.s32 $0x1B8E;
	s24 =	sld [smem:$0x3FFE];
	[sflag:s23] =	ssyncadd.s32 $0xFFFFFFFF  }
0xa5: {  	s26 =	simm.s32 $execute0_lowered;
	[smem:$0x3FD2] =	sst s25  }
0xa6: {  	s5 =	sshll.u32 s26, $0x1;
	_ =	strace $0x8000004C;
	[dreg:$0x1] =	wrdreg $0xFFFFFFFF  }
0xa7: {  	s28 =	simm.s32 $_size_execute0_lowered;
	s3 =	sadd.s32 s3, s5;
	[dreg:$0x0] =	wrdreg $0x0  }
0xa8: {  	s5 =	sshll.u32 s28, $0x1;
	[dreg:$0x2] =	wrdreg s3  }
0xa9: {  	[dreg:$0x3] =	wrdreg s5  }
0xaa: {  	[dreg:$0x4] =	wrdreg $0xC0  }
0xab: {  	_ =	task [dreg:s7], $0x5FFFF  }
0xac: {  	[dreg:$0x1] =	wrdreg $0xFFFFFFFF  }
0xad: {  	[dreg:$0x0] =	wrdreg $0x60  }
0xae: {  	[dreg:$0x2] =	wrdreg s2  }
0xaf: {  	[dreg:$0x3] =	wrdreg s24  }
0xb0: {  	[dreg:$0x4] =	wrdreg $0xA8000  }
0xb1: {  	[dreg:$0x5] =	wrdreg $0x9  }
0xb2: {  	_ =	task.clear_ibuf [dreg:s7], $0x6FFFF;
	_ =	strace $0x9000004C  }
0xb3: {  	s29 =	simm.s32 $0x9;
	_ =	strace $0x8000004E  }
0xb4: {  	_ =	swait.ge [sflag:s29], $0x1  }
0xb5: {  	[sflag:s29] =	ssyncadd.s32 $0xFFFFFFFF  }
0xb6: {  	_ =	strace $0x9000004E  }
0xb7: {  	_ =	sfence  }
0xb8: {  	s30 =	sld [smem:$0x0];
	_ =	sdelay $0x2  }
0xb9: {  	s31 =	sshll.u32 s1, $0xD;
	s1 =	sshrl.u32 s1, $0x2  }
0xba: {  	s3 =	sand.u32 $0x4000, s31;
	s1 =	sadd.s32 s1, s30  }
0xbb: {  	s0 =	sor.u32 s3, s0;
	s1 =	sshll.u32 s1, $0x11  }
0xbc: {  	s0 =	sor.u32 s1, s0  }
0xbd: {  	s0 =	sadd.s32 $0x8F2B, s0  }
0xbe: {  	[sflag:s0] =	ssyncadd.remote.s32 $0x1  }
0xbf: {  	_ =	sfence.sel $0xFFFF  }
0xc0: {  	[dreg:$0x0] =	wrdreg $0xFFFFFFFF;
	(pc) =	sbr.abs _section_cstart, $3  }
0xc1: {  	[dreg:$0x1] =	wrdreg $0xFFFFFFFF  }
0xc2: {  	_ =	task.clear_ibuf [dreg:s7], $0x2FFFF;
	_ =	strace $0x9FFFFFFF  }
0xc3: {  	(tm) =	ssettm $0x7FFFFFFF  }
tec
execute0_lowered:
.L_overlay_start_1:
0x0: {  	(tag) =	ssettag $0x1  }
0x1: {  	s1 =	rddreg [dreg:$0x0]  }
0x2: {  	s0 =	rddreg [dreg:$0x1];
	s2 =	srdreg.scid  }
0x3: {  	s7 =	stileid.u32;
	s3 =	rddreg [dreg:$0x2]  }
0x4: {  	s4 =	simm.s32 $0x0;
	s21 =	simm.s32 $0x2800;
	s22 =	simm.s32 $0x5  }
0x5: {  	s28 =	simm.s32 $0x1;
	s29 =	simm.s32 $0x6800;
	s30 =	simm.s32 $0x2  }
0x6: {  	s31 =	simm.s32 $0x100;
	s2 =	sand.u32 $0x1, s2;
	s5 =	smul.u32 $0x278, s7  }
0x7: {  	[smem:$0x7FF] =	sst s4;
	s11 =	sadd.s32 $0xC200, s0;
	s23 =	smul.u32 $0x4F000, s7  }
0x8: {  	s12 =	sadd.s32 $0x2200, s0;
	s8 =	sadd.s32 $0x16200, s0;
	s6 =	smul.u32 $0x2780, s2  }
0x9: {  	_ =	strace $0x8000004D;
	s24 =	sshll.u32 s2, $0x4;
	s2 =	ssub.s32 $0x2, s2  }
0xa: {  	[dreg:$0x4] =	wrdreg s8;
	s25 =	sshrl.u32 s2, $0x1;
	s5 =	sadd.s32 s5, s6  }
0xb: {  	s6 =	sshrl.u32 s23, $0x2;
	s2 =	ssub.s32 s2, s25;
	s23 =	simm.s32 $0x3  }
0xc: {  	s25 =	simm.s32 $0x1400;
	s5 =	sshll.u32 s5, $0x4;
	s6 =	sadd.s32 s6, s3  }
0xd: {  	s20 =	smax.u32 s2, $0x1;
	s2 =	simm.s32 $0x1480;
	s0 =	sadd.s32 s5, s0  }
0xe: {  	s5 =	sor.u32 s7, s24;
	s7 =	sadd.s32 $0x4000, s6;
	s8 =	sadd.s32 $0x8000, s6  }
0xf: {  	s9 =	sadd.s32 $0xC000, s6;
	s24 =	simm.s32 $0x4;
	s10 =	smul.u32 $0x2800, s5  }
0x10: {  	s5 =	smul.u32 $0x500, s5;
	s15 =	sadd.s32 $0x3DA00, s0;
	s16 =	sadd.s32 $0x3E200, s0  }
.Ltmp0:
0x11: {  	s17 =	sadd.s32 $0x3EA00, s0;
	s18 =	sadd.s32 $0x3F200, s0;
	(pc) =	sbr.rel .LBB2_1-.Ltmp0, $4  }
0x12: {  	s19 =	sadd.s32 $0x3FA00, s0;
	s0 =	simm.s32 $0x0;
	s14 =	sadd.s32 s11, s5  }
0x13: {  	s13 =	sshrl.u32 s10, $0x3;
	s5 =	sadd.s32 s12, s5;
	[dreg:$0x5] =	wrdreg s14  }
0x14: {  	s10 =	sadd.s32 $0x10000, s6;
	s26 =	sadd.s32 $0x280, s13;
	[dreg:$0x6] =	wrdreg s5  }
0x15: {  	s13 =	sadd.s32 s11, s26;
	s14 =	sadd.s32 s12, s26;
	s26 =	simm.s32 $0x80  }
.LBB2_7:
0x16: {  	[spmem:s3] =	stream.indirect.scatter.add.f32 [tilespmem:s29], [sflag:$0x4], $0x80, s12, s26, $0xb8;
	[tilespmem:$0x1E400] =	vst v63  }
0x17: {  	_ =	swait.ge [sflag:s24], $0x4000  }
0x18: {  	[sflag:s24] =	ssyncset.done $0x0  }
0x19: {  	[sflag:s24] =	ssyncadd.s32 $0xFFFFC000  }
0x1a: {  	[bflag:$0x0] =	sbarrier.arrive $0xFFFF  }
0x1b: {  	[tilespmem:s21], [sflag:$0x5] =	stream.linear.gather [spmem:s6], $0x4000, $0x38;
	[tilespmem:$0x1E400] =	vst v63  }
0x1c: {  	_ =	swait.ge [sflag:s22], $0x4000  }
0x1d: {  	[sflag:s22] =	ssyncset.done $0x0  }
0x1e: {  	[sflag:s22] =	ssyncadd.s32 $0xFFFFC000  }
0x1f: {  	[hbm4b:s15+s4] =	stream.linear.scatter [tilespmem:s21], [sflag:$0x3], $0x4000, $0x38;
	[tilespmem:$0x1E400] =	vst v63  }
0x20: {  	_ = 	snop  }
0x21: {  	[tilespmem:s29], [sflag:$0x5] =	stream.linear.gather [spmem:s7], $0x4000, $0x38;
	[tilespmem:$0x1E400] =	vst v63  }
0x22: {  	_ =	swait.ge [sflag:s22], $0x4000  }
0x23: {  	[sflag:s22] =	ssyncset.done $0x0  }
0x24: {  	[sflag:s22] =	ssyncadd.s32 $0xFFFFC000  }
0x25: {  	[hbm4b:s16+s4] =	stream.linear.scatter [tilespmem:s29], [sflag:$0x4], $0x4000, $0x38;
	[tilespmem:$0x1E400] =	vst v63  }
0x26: {  	_ =	swait.ge [sflag:s23], $0x4000  }
0x27: {  	[sflag:s23] =	ssyncset.done $0x0  }
0x28: {  	[sflag:s23] =	ssyncadd.s32 $0xFFFFC000  }
0x29: {  	[tilespmem:s21], [sflag:$0x5] =	stream.linear.gather [spmem:s8], $0x4000, $0x38;
	[tilespmem:$0x1E400] =	vst v63  }
0x2a: {  	_ =	swait.ge [sflag:s22], $0x4000  }
0x2b: {  	[sflag:s22] =	ssyncset.done $0x0  }
0x2c: {  	[sflag:s22] =	ssyncadd.s32 $0xFFFFC000  }
0x2d: {  	[hbm4b:s17+s4] =	stream.linear.scatter [tilespmem:s21], [sflag:$0x3], $0x4000, $0x38;
	[tilespmem:$0x1E400] =	vst v63  }
0x2e: {  	_ =	swait.ge [sflag:s24], $0x4000  }
0x2f: {  	[sflag:s24] =	ssyncset.done $0x0  }
0x30: {  	[sflag:s24] =	ssyncadd.s32 $0xFFFFC000  }
0x31: {  	[tilespmem:s29], [sflag:$0x5] =	stream.linear.gather [spmem:s9], $0x4000, $0x38;
	[tilespmem:$0x1E400] =	vst v63  }
0x32: {  	_ =	swait.ge [sflag:s22], $0x4000  }
0x33: {  	[sflag:s22] =	ssyncset.done $0x0  }
0x34: {  	[sflag:s22] =	ssyncadd.s32 $0xFFFFC000  }
0x35: {  	[hbm4b:s18+s4] =	stream.linear.scatter [tilespmem:s29], [sflag:$0x4], $0x4000, $0x38;
	[tilespmem:$0x1E400] =	vst v63  }
0x36: {  	_ =	swait.ge [sflag:s23], $0x4000  }
0x37: {  	[sflag:s23] =	ssyncset.done $0x0  }
0x38: {  	[sflag:s23] =	ssyncadd.s32 $0xFFFFC000  }
0x39: {  	[tilespmem:s21], [sflag:$0x5] =	stream.linear.gather [spmem:s10], $0x3C00, $0x38;
	[tilespmem:$0x1E400] =	vst v63  }
0x3a: {  	_ =	swait.ge [sflag:s22], $0x3C00  }
0x3b: {  	[sflag:s22] =	ssyncset.done $0x0  }
0x3c: {  	s0 =	sadd.s32 $0x1, s0;
	[sflag:s22] =	ssyncadd.s32 $0xFFFFC400  }
0x3d: {  	[hbm4b:s19+s4] =	stream.linear.scatter [tilespmem:s21], [sflag:$0x3], $0x3C00, $0x38;
	[tilespmem:$0x1E400] =	vst v63  }
0x3e: {  	p0 =	sne.s32 s0, s20;
	_ =	swait.ge [sflag:s23], $0x3C00  }
.Ltmp1:
0x3f: {  	[sflag:s23] =	ssyncset.done $0x0;
	(pc) =	sbr.rel @!p0 .LBB2_8-.Ltmp1, $4  }
0x40: {  	[sflag:s23] =	ssyncadd.s32 $0xFFFFC400  }
0x41: {  	_ =	swait.ge [sflag:s24], $0x4000  }
0x42: {  	[sflag:s24] =	ssyncset.done $0x0  }
0x43: {  	[sflag:s24] =	ssyncadd.s32 $0xFFFFC000  }
.LBB2_1:
0x44: {  	s5 =	rddreg [dreg:$0x4]  }
0x45: {  	[tilespmem:s21], [sflag:$0x5] =	stream.linear.gather [hbm4b:s5+s4], $0x4000, $0x38;
	[tilespmem:$0x1E400] =	vst v63  }
0x46: {  	_ =	swait.ge [sflag:s22], $0x4000  }
0x47: {  	[sflag:s22] =	ssyncset.done $0x0  }
0x48: {  	[sflag:s22] =	ssyncadd.s32 $0xFFFFC000  }
0x49: {  	[spmem:s6] =	stream.linear.scatter [tilespmem:s21], [sflag:$0x3], $0x4000, $0x38;
	[tilespmem:$0x1E400] =	vst v63  }
0x4a: {  	_ = 	snop  }
0x4b: {  	[spmem:s7] =	stream.linear.scatter [tilespmem:s21], [sflag:$0x4], $0x4000, $0x38;
	[tilespmem:$0x1E400] =	vst v63  }
0x4c: {  	_ = 	snop  }
0x4d: {  	[spmem:s8] =	stream.linear.scatter [tilespmem:s21], [sflag:$0x3], $0x4000, $0x38;
	[tilespmem:$0x1E400] =	vst v63  }
0x4e: {  	_ = 	snop  }
0x4f: {  	[spmem:s9] =	stream.linear.scatter [tilespmem:s21], [sflag:$0x4], $0x4000, $0x38;
	[tilespmem:$0x1E400] =	vst v63  }
0x50: {  	_ = 	snop  }
0x51: {  	[spmem:s10] =	stream.linear.scatter [tilespmem:s21], [sflag:$0x3], $0x3C00, $0x38;
	[tilespmem:$0x1E400] =	vst v63  }
0x52: {  	_ =	swait.ge [sflag:s23], $0x4000  }
0x53: {  	[sflag:s23] =	ssyncset.done $0x0  }
0x54: {  	[sflag:s23] =	ssyncadd.s32 $0xFFFFC000  }
0x55: {  	_ =	swait.ge [sflag:s24], $0x4000  }
0x56: {  	[sflag:s24] =	ssyncset.done $0x0  }
0x57: {  	[sflag:s24] =	ssyncadd.s32 $0xFFFFC000  }
0x58: {  	_ =	swait.ge [sflag:s23], $0x4000  }
0x59: {  	[sflag:s23] =	ssyncset.done $0x0  }
0x5a: {  	[sflag:s23] =	ssyncadd.s32 $0xFFFFC000  }
0x5b: {  	_ =	swait.ge [sflag:s24], $0x4000  }
0x5c: {  	[sflag:s24] =	ssyncset.done $0x0  }
0x5d: {  	[sflag:s24] =	ssyncadd.s32 $0xFFFFC000  }
0x5e: {  	_ =	swait.ge [sflag:s23], $0x3C00  }
0x5f: {  	[sflag:s23] =	ssyncset.done $0x0  }
0x60: {  	[sflag:s23] =	ssyncadd.s32 $0xFFFFC400  }
0x61: {  	[bflag:$0x0] =	sbarrier.arrive $0xFFFF  }
0x62: {  	s11 =	rddreg [dreg:$0x5]  }
0x63: {  	[tilespmem:s4], [sflag:$0x5] =	stream.linear.gather [hbm4b:s11+s4], $0x1400, $0x38;
	[tilespmem:$0x1E400] =	vst v63  }
0x64: {  	_ =	swait.ge [sflag:s22], $0x1400  }
0x65: {  	[sflag:s22] =	ssyncset.done $0x0  }
0x66: {  	s12 =	rddreg [dreg:$0x6];
	[sflag:s22] =	ssyncadd.s32 $0xFFFFEC00  }
0x67: {  	[tilespmem:s25], [sflag:$0x5] =	stream.linear.gather [hbm4b:s12+s4], $0x1400, $0x38;
	[tilespmem:$0x1E400] =	vst v63  }
0x68: {  	_ =	swait.ge [sflag:s22], $0x1400  }
0x69: {  	[sflag:s22] =	ssyncset.done $0x0  }
0x6a: {  	[sflag:s22] =	ssyncadd.s32 $0xFFFFEC00  }
0x6b: {  	[tilespmem:s21], [sflag:$0x1] =	stream.indirect.gather [hbm4b:s1+s26], $0x80, s4, s26, $0xb8;
	[tilespmem:$0x1E400] =	vst v63  }
0x6c: {  	_ =	swait.ge [sflag:s28], $0x4000  }
0x6d: {  	[sflag:s28] =	ssyncset.done $0x0  }
0x6e: {  	[sflag:s28] =	ssyncadd.s32 $0xFFFFC000  }
0x6f: {  	[tilespmem:s29], [sflag:$0x2] =	stream.indirect.gather [hbm4b:s1+s26], $0x80, s26, s26, $0xb8;
	[tilespmem:$0x1E400] =	vst v63  }
0x70: {  	_ = 	snop  }
0x71: {  	[spmem:s3] =	stream.indirect.scatter.add.f32 [tilespmem:s21], [sflag:$0x3], $0x80, s25, s26, $0xb8;
	[tilespmem:$0x1E400] =	vst v63  }
0x72: {  	_ =	swait.ge [sflag:s30], $0x4000  }
0x73: {  	[sflag:s30] =	ssyncset.done $0x0  }
0x74: {  	[sflag:s30] =	ssyncadd.s32 $0xFFFFC000  }
0x75: {  	_ =	swait.ge [sflag:s23], $0x4000  }
0x76: {  	[sflag:s23] =	ssyncset.done $0x0  }
0x77: {  	[sflag:s23] =	ssyncadd.s32 $0xFFFFC000  }
0x78: {  	[tilespmem:s21], [sflag:$0x1] =	stream.indirect.gather [hbm4b:s1+s26], $0x80, s31, s26, $0xb8;
	[tilespmem:$0x1E400] =	vst v63  }
0x79: {  	s5 =	simm.s32 $0xFFFFB800  }
0x7a: {  	[spmem:s3] =	stream.indirect.scatter.add.f32 [tilespmem:s29], [sflag:$0x4], $0x80, s2, s26, $0xb8;
	[tilespmem:$0x1E400] =	vst v63  }
.LBB2_2:
0x7b: {  	_ =	swait.ge [sflag:s28], $0x4000  }
0x7c: {  	[sflag:s28] =	ssyncset.done $0x0  }
0x7d: {  	[sflag:s28] =	ssyncadd.s32 $0xFFFFC000  }
0x7e: {  	_ =	swait.ge [sflag:s24], $0x4000  }
0x7f: {  	s11 =	sshra.s32 s5, $0x2;
	[sflag:s24] =	ssyncset.done $0x0  }
0x80: {  	s12 =	sadd.s32 $0x1380, s11;
	[sflag:s24] =	ssyncadd.s32 $0xFFFFC000  }
0x81: {  	[tilespmem:s29], [sflag:$0x2] =	stream.indirect.gather [hbm4b:s1+s26], $0x80, s12, s26, $0xb8;
	[tilespmem:$0x1E400] =	vst v63  }
0x82: {  	s12 =	sadd.s32 $0x2700, s11  }
0x83: {  	[spmem:s3] =	stream.indirect.scatter.add.f32 [tilespmem:s21], [sflag:$0x3], $0x80, s12, s26, $0xb8;
	[tilespmem:$0x1E400] =	vst v63  }
0x84: {  	p0 =	seq.s32 s5, $0x0;
	_ =	swait.ge [sflag:s30], $0x4000  }
.Ltmp2:
0x85: {  	[sflag:s30] =	ssyncset.done $0x0;
	(pc) =	sbr.rel @p0 .LBB2_4-.Ltmp2, $4  }
0x86: {  	[sflag:s30] =	ssyncadd.s32 $0xFFFFC000  }
0x87: {  	_ =	swait.ge [sflag:s23], $0x4000  }
0x88: {  	[sflag:s23] =	ssyncset.done $0x0  }
0x89: {  	s12 =	sadd.s32 $0x2780, s11;
	[sflag:s23] =	ssyncadd.s32 $0xFFFFC000  }
.Ltmp3:
0x8a: {  	(pc) =	sbr.rel .LBB2_2-.Ltmp3, $4  }
0x8b: {  	s11 =	sadd.s32 $0x1400, s11  }
0x8c: {  	[tilespmem:s21], [sflag:$0x1] =	stream.indirect.gather [hbm4b:s1+s26], $0x80, s11, s26, $0xb8;
	[tilespmem:$0x1E400] =	vst v63  }
0x8d: {  	s5 =	sadd.s32 $0x400, s5  }
0x8e: {  	[spmem:s3] =	stream.indirect.scatter.add.f32 [tilespmem:s29], [sflag:$0x4], $0x80, s12, s26, $0xb8;
	[tilespmem:$0x1E400] =	vst v63  }
.LBB2_4:
0x8f: {  	[spmem:s3] =	stream.indirect.scatter.add.f32 [tilespmem:s29], [sflag:$0x4], $0x80, s12, s26, $0xb8;
	[tilespmem:$0x1E400] =	vst v63  }
0x90: {  	_ =	swait.ge [sflag:s24], $0x4000  }
0x91: {  	[sflag:s24] =	ssyncset.done $0x0  }
0x92: {  	[sflag:s24] =	ssyncadd.s32 $0xFFFFC000  }
0x93: {  	[tilespmem:s4], [sflag:$0x5] =	stream.linear.gather [hbm4b:s13+s4], $0x1400, $0x38;
	[tilespmem:$0x1E400] =	vst v63  }
0x94: {  	_ =	swait.ge [sflag:s22], $0x1400  }
0x95: {  	[sflag:s22] =	ssyncset.done $0x0  }
0x96: {  	[sflag:s22] =	ssyncadd.s32 $0xFFFFEC00  }
0x97: {  	[tilespmem:s25], [sflag:$0x5] =	stream.linear.gather [hbm4b:s14+s4], $0x1400, $0x38;
	[tilespmem:$0x1E400] =	vst v63  }
0x98: {  	_ =	swait.ge [sflag:s22], $0x1400  }
0x99: {  	[sflag:s22] =	ssyncset.done $0x0  }
0x9a: {  	[sflag:s22] =	ssyncadd.s32 $0xFFFFEC00  }
0x9b: {  	[tilespmem:s21], [sflag:$0x1] =	stream.indirect.gather [hbm4b:s1+s26], $0x80, s4, s26, $0xb8;
	[tilespmem:$0x1E400] =	vst v63  }
0x9c: {  	_ =	swait.ge [sflag:s28], $0x4000  }
0x9d: {  	[sflag:s28] =	ssyncset.done $0x0  }
0x9e: {  	[sflag:s28] =	ssyncadd.s32 $0xFFFFC000  }
0x9f: {  	[tilespmem:s29], [sflag:$0x2] =	stream.indirect.gather [hbm4b:s1+s26], $0x80, s26, s26, $0xb8;
	[tilespmem:$0x1E400] =	vst v63  }
0xa0: {  	_ = 	snop  }
0xa1: {  	[spmem:s3] =	stream.indirect.scatter.add.f32 [tilespmem:s21], [sflag:$0x3], $0x80, s25, s26, $0xb8;
	[tilespmem:$0x1E400] =	vst v63  }
0xa2: {  	_ =	swait.ge [sflag:s30], $0x4000  }
0xa3: {  	[sflag:s30] =	ssyncset.done $0x0  }
0xa4: {  	[sflag:s30] =	ssyncadd.s32 $0xFFFFC000  }
0xa5: {  	_ =	swait.ge [sflag:s23], $0x4000  }
0xa6: {  	[sflag:s23] =	ssyncset.done $0x0  }
0xa7: {  	[sflag:s23] =	ssyncadd.s32 $0xFFFFC000  }
0xa8: {  	[tilespmem:s21], [sflag:$0x1] =	stream.indirect.gather [hbm4b:s1+s26], $0x80, s31, s26, $0xb8;
	[tilespmem:$0x1E400] =	vst v63  }
0xa9: {  	s5 =	simm.s32 $0xFFFFB800  }
0xaa: {  	[spmem:s3] =	stream.indirect.scatter.add.f32 [tilespmem:s29], [sflag:$0x4], $0x80, s2, s26, $0xb8;
	[tilespmem:$0x1E400] =	vst v63  }
.LBB2_5:
0xab: {  	_ =	swait.ge [sflag:s28], $0x4000  }
0xac: {  	[sflag:s28] =	ssyncset.done $0x0  }
0xad: {  	[sflag:s28] =	ssyncadd.s32 $0xFFFFC000  }
0xae: {  	_ =	swait.ge [sflag:s24], $0x4000  }
0xaf: {  	s11 =	sshra.s32 s5, $0x2;
	[sflag:s24] =	ssyncset.done $0x0  }
0xb0: {  	s12 =	sadd.s32 $0x1380, s11;
	[sflag:s24] =	ssyncadd.s32 $0xFFFFC000  }
0xb1: {  	[tilespmem:s29], [sflag:$0x2] =	stream.indirect.gather [hbm4b:s1+s26], $0x80, s12, s26, $0xb8;
	[tilespmem:$0x1E400] =	vst v63  }
0xb2: {  	s12 =	sadd.s32 $0x2700, s11  }
0xb3: {  	[spmem:s3] =	stream.indirect.scatter.add.f32 [tilespmem:s21], [sflag:$0x3], $0x80, s12, s26, $0xb8;
	[tilespmem:$0x1E400] =	vst v63  }
0xb4: {  	p0 =	seq.s32 s5, $0x0;
	_ =	swait.ge [sflag:s30], $0x4000  }
.Ltmp4:
0xb5: {  	[sflag:s30] =	ssyncset.done $0x0;
	(pc) =	sbr.rel @p0 .LBB2_7-.Ltmp4, $4  }
0xb6: {  	[sflag:s30] =	ssyncadd.s32 $0xFFFFC000  }
0xb7: {  	_ =	swait.ge [sflag:s23], $0x4000  }
0xb8: {  	[sflag:s23] =	ssyncset.done $0x0  }
0xb9: {  	s12 =	sadd.s32 $0x2780, s11;
	[sflag:s23] =	ssyncadd.s32 $0xFFFFC000  }
.Ltmp5:
0xba: {  	(pc) =	sbr.rel .LBB2_5-.Ltmp5, $4  }
0xbb: {  	s11 =	sadd.s32 $0x1400, s11  }
0xbc: {  	[tilespmem:s21], [sflag:$0x1] =	stream.indirect.gather [hbm4b:s1+s26], $0x80, s11, s26, $0xb8;
	[tilespmem:$0x1E400] =	vst v63  }
0xbd: {  	s5 =	sadd.s32 $0x400, s5  }
0xbe: {  	[spmem:s3] =	stream.indirect.scatter.add.f32 [tilespmem:s29], [sflag:$0x4], $0x80, s12, s26, $0xb8;
	[tilespmem:$0x1E400] =	vst v63  }
.LBB2_8:
0xbf: {  	_ =	sfence.sel $0x180000  }
0xc0: {  	[bflag:$0x0] =	sbarrier.arrive $0xFFFF  }
0xc1: {  	_ =	strace $0x9000004D  }
0xc2: {  	s0 =	stileid.u32;
	[bflag:$0x2] =	sbarrier.arrive $0xFFFF  }
0xc3: {  	p0 =	sne.s32 s0, $0x0;
	s0 =	rddreg [dreg:$0x3]  }
0xc4: {  	s0 =	sadd.s32 @!p0 $0x100000, s0  }
0xc5: {  	[sflag:s0] =	ssyncadd.tile.s32 @!p0 $0x1;
	_ =	shalt  }
.Lfunc_end2:
_tile_overlayer_lowered:
.L_overlay_start_2:
0xc6: {  	(tag) =	ssettag $0x2  }
0xc7: {  	s0 =	rddreg [dreg:$0x0];
	s2 =	stileid.u32  }
0xc8: {  	s1 =	rddreg [dreg:$0x1];
	p0 =	sne.s32 s2, $0x0  }
0xc9: {  	s3 =	rddreg [dreg:$0x2];
	[bflag:$0x3] =	sbarrier.arrive $0xFFFF;
	s2 =	simm.s32 @!p0 $0x1C05  }
0xca: {  	[timem:s3], [sflag:s2] =	dma.local @!p0 [hbm:s0], s1  }
0xcb: {  	s0 =	simm.s32 @!p0 $0x5  }
0xcc: {  	_ =	swait.ge @!p0 [sflag:s0], s1  }
0xcd: {  	s1 =	ssub.s32 @!p0 $0x0, s1;
	[sflag:s0] =	ssyncset.done @!p0 $0x0  }
0xce: {  	[sflag:s0] =	ssyncadd.s32 @!p0 s1  }
0xcf: {  	[bflag:$0x3] =	sbarrier.arrive $0xFFFF  }
0xd0: {  	_ =	shalt  }

// kernel: kernel.8.cloned.1.call-start
scs
__scs_entry_jumppad:
0x0: {  	(pc) =	sbr.rel $0x88, $3  }
0x1: {  	(tag) =	ssettag $0x0;
	lr =	simm.s32 $0x1  }
0x2: {  	[smem:$0x3F9B] =	sst lr;
	_ =	strace $0xD0000000  }
0x3: {  	_ = 	snop  }
0x4: {  	_ = 	snop  }
0x5: {  	_ = 	snop  }
0x6: {  	_ = 	snop  }
0x7: {  	_ = 	snop  }
__scs_overlays_trampoline_lowered:
0x8: {  	[smem:$0x3FAA] =	sst s0  }
0x9: {  	[smem:$0x3FAB] =	sst s1  }
0xa: {  	[smem:$0x3FAC] =	sst s2  }
0xb: {  	[smem:$0x3FAD] =	sst s3  }
0xc: {  	[smem:$0x3FAE] =	sst s4  }
0xd: {  	[smem:$0x3FAF] =	sst s5  }
0xe: {  	[smem:$0x3FB0] =	sst s6  }
0xf: {  	[smem:$0x3FB1] =	sst s7  }
0x10: {  	[smem:$0x3FB2] =	sst s8  }
0x11: {  	[smem:$0x3FB3] =	sst s9;
	s0 =	simm.s32 @!p0 $0x0  }
0x12: {  	s1 =	sld [smem:$0x3F99];
	s0 =	simm.s32 @p0 $0x1  }
0x13: {  	[smem:$0x3FB4] =	sst s0;
	s0 =	simm.s32 @!p1 $0x0  }
0x14: {  	s2 =	sld [smem:$0x3F98];
	s0 =	simm.s32 @p1 $0x1  }
0x15: {  	[smem:$0x3FB5] =	sst s0;
	s0 =	simm.s32 @!p2 $0x0  }
0x16: {  	s3 =	sld [smem:$0x3FDB];
	s0 =	simm.s32 @p2 $0x1  }
0x17: {  	s4 =	simm.s32 $0x1BF5;
	[smem:$0x3FB7] =	sst s0  }
0x18: {  	s0 =	sld [smem:$0x3F9A];
	_ =	swait.ge [sflag:s4], $0x0  }
0x19: {  	s7 =	sld [smem:$0x3F9B]  }
0x1a: {  	s8 =	sadd.s32 $0xFFFFE003, lr  }
0x1b: {  	s9 =	sadd.s32 $0xFFFFFEF7, lr;
	s5 =	simm.s32 $0xFFFFFFFF;
	p2 =	slt.u32 s8, $0xFFFFF086  }
0x1c: {  	p1 =	slt.u32 s9, $0xF7A;
	s5 =	simm.s32 @!p2 $0x0  }
0x1d: {  	s5 =	simm.s32 @p1 $0x1;
	p0 =	seq.s32 s7, s2  }
0x1e: {  	s7 =	smul.u32 @!p0 $0xF7A, s2;
	p2 =	seq.s32 @!p0 s5, $0x0  }
0x1f: {  	s9 =	smul.u32 $0xF7A, s1;
	s8 =	simm.s32 @!p0 $0x1BF5;
	p2 =	por !p2, p0  }
0x20: {  	[sflag:s8] =	ssyncset.s32 @!p0 $0xFFFFF086;
	s6 =	sadd.s32 @!p0 s3, s7;
	s7 =	simm.s32 @!p0 $0x108  }
0x21: {  	s3 =	sadd.s32 s3, s9;
	s6 =	sadd.s32 @!p0 $0x88, s6;
	s7 =	simm.s32 @p2 $0x1082  }
0x22: {  	[simem:s7], [sflag:s8] =	dma.local @!p0 [hbm:s6], $0xF7A  }
0x23: {  	s9 =	sor.u32 $0xD0000000, s2;
	s6 =	simm.s32 $0x108;
	_ =	swait.ge @!p0 [sflag:s8], $0x0  }
0x24: {  	s3 =	sadd.s32 $0x88, s3;
	s6 =	simm.s32 @!p1 $0x1082;
	[sflag:s4] =	ssyncset.s32 $0xFFFFF086  }
0x25: {  	[simem:s6], [sflag:s4] =	dma.local [hbm:s3], $0xF7A  }
0x26: {  	[smem:$0x3F9B] =	sst s1;
	(tag) =	ssettag s2;
	_ =	strace s9  }
0x27: {  	s1 =	sld [smem:$0x3FAB]  }
0x28: {  	s2 =	sld [smem:$0x3FAC]  }
0x29: {  	s4 =	sld [smem:$0x3FAE]  }
0x2a: {  	p0 =	seq.s32 s5, $0x0;
	s5 =	sld [smem:$0x3FAF]  }
0x2b: {  	s6 =	sld [smem:$0x3FB0]  }
0x2c: {  	s7 =	sld [smem:$0x3FB1]  }
0x2d: {  	s3 =	simm.s32 $0x108;
	s8 =	sld [smem:$0x3FB2]  }
0x2e: {  	s3 =	simm.s32 @!p0 $0x1082;
	s9 =	sld [smem:$0x3FB3]  }
0x2f: {  	lr =	sadd.s32 s0, s3;
	s0 =	sld [smem:$0x3FAA]  }
0x30: {  	s3 =	sld [smem:$0x3FAD]  }
0x31: {  	[smem:$0x3FB6] =	sst s10  }
0x32: {  	s10 =	sld [smem:$0x3FB4];
	_ =	sdelay $0x3  }
0x33: {  	p0 =	seq.s32 s10, $0x1;
	s10 =	sld [smem:$0x3FB6];
	_ =	sdelay $0x3  }
0x34: {  	[smem:$0x3FB6] =	sst s10  }
0x35: {  	s10 =	sld [smem:$0x3FB5];
	_ =	sdelay $0x3  }
0x36: {  	p1 =	seq.s32 s10, $0x1;
	s10 =	sld [smem:$0x3FB6];
	_ =	sdelay $0x3  }
0x37: {  	[smem:$0x3FB6] =	sst s10  }
0x38: {  	s10 =	sld [smem:$0x3FB7]  }
0x39: {  	_ = 	snop;
	(pc) =	sbr.ind lr, $3  }
0x3a: {  	_ = 	snop  }
0x3b: {  	_ = 	snop  }
0x3c: {  	p2 =	seq.s32 s10, $0x1;
	s10 =	sld [smem:$0x3FB6]  }
0x3d: {  	_ =	shalt  }
0x3e: {  	_ =	shalt  }
0x3f: {  	_ =	shalt  }
0x40: {  	_ =	shalt  }
0x41: {  	_ =	shalt  }
0x42: {  	_ =	shalt  }
0x43: {  	_ =	shalt  }
0x44: {  	_ =	shalt  }
0x45: {  	_ =	shalt  }
0x46: {  	_ =	shalt  }
0x47: {  	_ =	shalt  }
0x48: {  	_ =	shalt  }
0x49: {  	_ =	shalt  }
0x4a: {  	_ =	shalt  }
0x4b: {  	_ =	shalt  }
0x4c: {  	_ =	shalt  }
0x4d: {  	_ =	shalt  }
0x4e: {  	_ =	shalt  }
0x4f: {  	_ =	shalt  }
0x50: {  	_ =	shalt  }
0x51: {  	_ =	shalt  }
0x52: {  	_ =	shalt  }
0x53: {  	_ =	shalt  }
0x54: {  	_ =	shalt  }
0x55: {  	_ =	shalt  }
0x56: {  	_ =	shalt  }
0x57: {  	_ =	shalt  }
0x58: {  	_ =	shalt  }
0x59: {  	_ =	shalt  }
0x5a: {  	_ =	shalt  }
0x5b: {  	_ =	shalt  }
0x5c: {  	_ =	shalt  }
0x5d: {  	_ =	shalt  }
0x5e: {  	_ =	shalt  }
0x5f: {  	_ =	shalt  }
0x60: {  	_ =	shalt  }
0x61: {  	_ =	shalt  }
0x62: {  	_ =	shalt  }
0x63: {  	_ =	shalt  }
0x64: {  	_ =	shalt  }
0x65: {  	_ =	shalt  }
0x66: {  	_ =	shalt  }
0x67: {  	_ =	shalt  }
0x68: {  	_ =	shalt  }
0x69: {  	_ =	shalt  }
0x6a: {  	_ =	shalt  }
0x6b: {  	_ =	shalt  }
0x6c: {  	_ =	shalt  }
0x6d: {  	_ =	shalt  }
0x6e: {  	_ =	shalt  }
0x6f: {  	_ =	shalt  }
0x70: {  	_ =	shalt  }
0x71: {  	_ =	shalt  }
0x72: {  	_ =	shalt  }
0x73: {  	_ =	shalt  }
0x74: {  	_ =	shalt  }
0x75: {  	_ =	shalt  }
0x76: {  	_ =	shalt  }
0x77: {  	_ =	shalt  }
0x78: {  	_ =	shalt  }
0x79: {  	_ =	shalt  }
0x7a: {  	_ =	shalt  }
0x7b: {  	_ =	shalt  }
0x7c: {  	_ =	shalt  }
0x7d: {  	_ =	shalt  }
0x7e: {  	_ =	shalt  }
0x7f: {  	_ =	shalt  }
0x80: {  	_ =	shalt  }
0x81: {  	_ =	shalt  }
0x82: {  	_ =	shalt  }
0x83: {  	_ =	shalt  }
0x84: {  	_ =	shalt  }
0x85: {  	_ =	shalt  }
0x86: {  	_ =	shalt  }
0x87: {  	_ =	shalt  }
.Lfunc_end0:
.L_simem_size_0:
called_computation_lowered:
.L_overlay_start_0:
0x88: {  	s2 =	sld [smem:$0x3FD9]  }
0x89: {  	s3 =	sld [smem:$0x3FFE];
	_ =	sdelay $0x1  }
0x8a: {  	s1 =	srdreg.scid  }
0x8b: {  	s0 =	sand.u32 $0x1, s1  }
0x8c: {  	s17 =	sshll.u32 s0, $0xA;
	s2 =	sadd.s32 s3, s2  }
0x8d: {  	s2 =	sadd.s32 s2, s17  }
0x8e: {  	[smem:$0x3FC2] =	sst s2  }
0x8f: {  	_ = 	snop  }
0x90: {  	s2 =	sld [smem:$0x3FD0];
	(tm) =	ssettm $0x1  }
0x91: {  	s18 =	sld [smem:$0x3FFB];
	_ =	sdelay $0x3  }
0x92: {  	_ =	strace s18  }
0x93: {  	s3 =	sld [smem:$0x3FFC];
	_ =	sdelay $0x3  }
0x94: {  	_ =	strace s3  }
0x95: {  	s3 =	sld [smem:$0x3FFD];
	_ =	sdelay $0x3  }
0x96: {  	_ =	strace s3  }
0x97: {  	_ =	strace $0x8FFFFFFF  }
0x98: {  	s19 =	sld [smem:$0x3FDB];
	_ =	sdelay $0x1  }
0x99: {  	s4 =	simm.s32 $_scs_section_size  }
0x9a: {  	s5 =	simm.s32 $_size__tile_overlayer_lowered;
	s6 =	simm.s32 $_tile_overlayer_lowered  }
0x9b: {  	s22 =	simm.s32 $0x1BFF;
	s21 =	sshll.u32 s6, $0x1;
	s3 =	sadd.s32 s4, s19  }
0x9c: {  	s7 =	simm.s32 $0x0;
	s20 =	sshll.u32 s5, $0x1;
	s5 =	sadd.s32 s21, s3  }
0x9d: {  	[timem:s7], [sflag:s22] =	dma.local [hbm:s5], s20  }
0x9e: {  	_ =	swait.ge [sflag:s22], s20  }
0x9f: {  	s4 =	ssub.s32 $0x0, s20;
	[sflag:s22] =	ssyncset.done $0x0  }
0xa0: {  	[sflag:s22] =	ssyncadd.s32 s4;
	_ =	sdelay $0x1  }
0xa1: {  	s23 =	simm.s32 $0x1B8B  }
0xa2: {  	_ =	swait.ge [sflag:s23], $0x1  }
0xa3: {  	[sflag:s23] =	ssyncset.done $0x0  }
0xa4: {  	s25 =	simm.s32 $0x1B8E;
	s24 =	sld [smem:$0x3FFE];
	[sflag:s23] =	ssyncadd.s32 $0xFFFFFFFF  }
0xa5: {  	s26 =	simm.s32 $execute0_lowered;
	[smem:$0x3FD2] =	sst s25  }
0xa6: {  	s5 =	sshll.u32 s26, $0x1;
	_ =	strace $0x80000046;
	[dreg:$0x1] =	wrdreg $0xFFFFFFFF  }
0xa7: {  	s28 =	simm.s32 $_size_execute0_lowered;
	s3 =	sadd.s32 s3, s5;
	[dreg:$0x0] =	wrdreg $0x0  }
0xa8: {  	s5 =	sshll.u32 s28, $0x1;
	[dreg:$0x2] =	wrdreg s3  }
0xa9: {  	[dreg:$0x3] =	wrdreg s5  }
0xaa: {  	[dreg:$0x4] =	wrdreg $0xC0  }
0xab: {  	_ =	task [dreg:s7], $0x5FFFF  }
0xac: {  	[dreg:$0x1] =	wrdreg $0xFFFFFFFF  }
0xad: {  	[dreg:$0x0] =	wrdreg $0x60  }
0xae: {  	[dreg:$0x2] =	wrdreg s24  }
0xaf: {  	[dreg:$0x3] =	wrdreg s2  }
0xb0: {  	[dreg:$0x4] =	wrdreg $0x29000  }
0xb1: {  	[dreg:$0x5] =	wrdreg $0x9  }
0xb2: {  	_ =	task.clear_ibuf [dreg:s7], $0x6FFFF;
	_ =	strace $0x90000046  }
0xb3: {  	s29 =	simm.s32 $0x9;
	_ =	strace $0x80000048  }
0xb4: {  	_ =	swait.ge [sflag:s29], $0x1  }
0xb5: {  	[sflag:s29] =	ssyncadd.s32 $0xFFFFFFFF  }
0xb6: {  	_ =	strace $0x90000048  }
0xb7: {  	_ =	sfence  }
0xb8: {  	s30 =	sld [smem:$0x0];
	_ =	sdelay $0x2  }
0xb9: {  	s31 =	sshll.u32 s1, $0xD;
	s1 =	sshrl.u32 s1, $0x2  }
0xba: {  	s3 =	sand.u32 $0x4000, s31;
	s1 =	sadd.s32 s1, s30  }
0xbb: {  	s0 =	sor.u32 s3, s0;
	s1 =	sshll.u32 s1, $0x11  }
0xbc: {  	s0 =	sor.u32 s1, s0  }
0xbd: {  	s0 =	sadd.s32 $0x8F2B, s0  }
0xbe: {  	[sflag:s0] =	ssyncadd.remote.s32 $0x1  }
0xbf: {  	_ =	sfence.sel $0xFFFF  }
0xc0: {  	[dreg:$0x0] =	wrdreg $0xFFFFFFFF;
	(pc) =	sbr.abs _section_cstart, $3  }
0xc1: {  	[dreg:$0x1] =	wrdreg $0xFFFFFFFF  }
0xc2: {  	_ =	task.clear_ibuf [dreg:s7], $0x2FFFF;
	_ =	strace $0x9FFFFFFF  }
0xc3: {  	(tm) =	ssettm $0x7FFFFFFF  }
tec
execute0_lowered:
.L_overlay_start_1:
0x0: {  	(tag) =	ssettag $0x1  }
0x1: {  	s4 =	rddreg [dreg:$0x0]  }
0x2: {  	s0 =	srdreg.scid;
	s11 =	rddreg [dreg:$0x1]  }
0x3: {  	s2 =	rddreg [dreg:$0x2];
	s1 =	stileid.u32  }
0x4: {  	s3 =	simm.s32 $0x0;
	s17 =	simm.s32 $0x2880;
	s18 =	simm.s32 $0x3  }
0x5: {  	s19 =	simm.s32 $0x80;
	s20 =	simm.s32 $0x2800;
	s21 =	simm.s32 $0x1  }
0x6: {  	s22 =	simm.s32 $0x2;
	s5 =	sand.u32 $0x1, s0;
	s0 =	rddreg [dreg:$0x3]  }
0x7: {  	s23 =	simm.s32 $0x0;
	[smem:$0x7FF] =	sst s3;
	s7 =	smul.u32 $0x278, s1  }
0x8: {  	s6 =	sshll.u32 s5, $0x4;
	_ =	strace $0x80000047;
	s30 =	ssub.s32 $0x2, s5  }
0x9: {  	s8 =	smul.u32 $0x2780, s5;
	s6 =	sor.u32 s1, s6;
	s9 =	sshrl.u32 s30, $0x1  }
0xa: {  	s5 =	sadd.s32 s7, s2;
	s6 =	smul.u32 $0x500, s6;
	s16 =	ssub.s32 s30, s9  }
0xb: {  	s31 =	sadd.s32 s7, s8;
	s7 =	sadd.s32 $0x100, s5;
	s8 =	sadd.s32 $0x180, s5  }
0xc: {  	s9 =	sadd.s32 $0x200, s5;
	s12 =	sshrl.u32 s31, $0x3;
	s16 =	smax.u32 s16, $0x1  }
0xd: {  	s10 =	sadd.s32 s6, s4;
	s4 =	sadd.s32 $0x16200, s4;
	s11 =	sadd.s32 s11, s12  }
0xe: {  	s6 =	sadd.s32 $0x80, s5;
	s10 =	sadd.s32 $0x2200, s10;
	s12 =	sadd.s32 $0x10, s11  }
0xf: {  	v0 =	vimm.f32 $1.000000000e+00;
	s13 =	sadd.s32 $0x20, s11;
	s14 =	sadd.s32 $0x30, s11;
	s15 =	sadd.s32 $0x40, s11  }
.LBB2_1:
0x10: {  	[tilespmem:$0x2800] =	vst v0  }
0x11: {  	[tilespmem:$0x2810] =	vst v0  }
0x12: {  	[tilespmem:$0x2820] =	vst v0  }
0x13: {  	[tilespmem:$0x2830] =	vst v0  }
0x14: {  	[tilespmem:$0x2840] =	vst v0  }
0x15: {  	[tilespmem:$0x2850] =	vst v0  }
0x16: {  	[tilespmem:$0x2860] =	vst v0  }
0x17: {  	[tilespmem:$0x2870] =	vst v0  }
0x18: {  	[tilespmem:s17], [sflag:$0x3] =	stream.linear.gather [hbm4b:s4+s3], $0x80, $0x38;
	[tilespmem:$0x2B78] =	vst v63  }
0x19: {  	_ =	swait.ge [sflag:s18], $0x80  }
0x1a: {  	[sflag:s18] =	ssyncset.done $0x0  }
0x1b: {  	[sflag:s18] =	ssyncadd.s32 $0xFFFFFF80  }
0x1c: {  	[spmem:s5] =	stream.linear.scatter [tilespmem:s17], [sflag:$0x3], $0x80, $0x38;
	[tilespmem:$0x2B78] =	vst v63  }
0x1d: {  	_ =	swait.ge [sflag:s18], $0x80  }
0x1e: {  	[sflag:s18] =	ssyncset.done $0x0  }
0x1f: {  	[sflag:s18] =	ssyncadd.s32 $0xFFFFFF80  }
0x20: {  	[spmem:s6] =	stream.linear.scatter [tilespmem:s17], [sflag:$0x3], $0x80, $0x38;
	[tilespmem:$0x2B78] =	vst v63  }
0x21: {  	_ =	swait.ge [sflag:s18], $0x80  }
0x22: {  	[sflag:s18] =	ssyncset.done $0x0  }
0x23: {  	[sflag:s18] =	ssyncadd.s32 $0xFFFFFF80  }
0x24: {  	[spmem:s7] =	stream.linear.scatter [tilespmem:s17], [sflag:$0x3], $0x80, $0x38;
	[tilespmem:$0x2B78] =	vst v63  }
0x25: {  	_ =	swait.ge [sflag:s18], $0x80  }
0x26: {  	[sflag:s18] =	ssyncset.done $0x0  }
0x27: {  	[sflag:s18] =	ssyncadd.s32 $0xFFFFFF80  }
0x28: {  	[spmem:s8] =	stream.linear.scatter [tilespmem:s17], [sflag:$0x3], $0x80, $0x38;
	[tilespmem:$0x2B78] =	vst v63  }
0x29: {  	_ =	swait.ge [sflag:s18], $0x80  }
0x2a: {  	[sflag:s18] =	ssyncset.done $0x0  }
0x2b: {  	[sflag:s18] =	ssyncadd.s32 $0xFFFFFF80  }
0x2c: {  	[spmem:s9] =	stream.linear.scatter [tilespmem:s17], [sflag:$0x3], $0x78, $0x38;
	[tilespmem:$0x2B78] =	vst v63  }
0x2d: {  	_ =	swait.ge [sflag:s18], $0x78  }
0x2e: {  	[sflag:s18] =	ssyncset.done $0x0  }
0x2f: {  	[sflag:s18] =	ssyncadd.s32 $0xFFFFFF88  }
0x30: {  	[tilespmem:s3], [sflag:$0x3] =	stream.linear.gather [hbm4b:s10+s3], $0x2800, $0x38;
	[tilespmem:$0x2B78] =	vst v63  }
0x31: {  	_ =	swait.ge [sflag:s18], $0x2800  }
0x32: {  	[sflag:s18] =	ssyncset.done $0x0  }
0x33: {  	[sflag:s18] =	ssyncadd.s32 $0xFFFFD800  }
0x34: {  	s24 =	simm.s32 $0x0;
	[bflag:$0x0] =	sbarrier.arrive $0xFFFF  }
0x35: {  	[spmem:s2] =	stream.indirect.scatter.add.f32 [tilespmem:s20], [sflag:$0x1], $0x1, s24, s19, $0xb8;
	[tilespmem:$0x2B78] =	vst v63  }
0x36: {  	s31 =	simm.s32 $0x80  }
0x37: {  	[spmem:s2] =	stream.indirect.scatter.add.f32 [tilespmem:s20], [sflag:$0x2], $0x1, s31, s19, $0xb8;
	[tilespmem:$0x2B78] =	vst v63  }
0x38: {  	s25 =	simm.s32 $0x100  }
0x39: {  	[spmem:s2] =	stream.indirect.scatter.add.f32 [tilespmem:s20], [sflag:$0x1], $0x1, s25, s19, $0xb8;
	[tilespmem:$0x2B78] =	vst v63  }
0x3a: {  	s26 =	simm.s32 $0x180  }
0x3b: {  	[spmem:s2] =	stream.indirect.scatter.add.f32 [tilespmem:s20], [sflag:$0x2], $0x1, s26, s19, $0xb8;
	[tilespmem:$0x2B78] =	vst v63  }
0x3c: {  	s28 =	simm.s32 $0x200  }
0x3d: {  	[spmem:s2] =	stream.indirect.scatter.add.f32 [tilespmem:s20], [sflag:$0x1], $0x1, s28, s19, $0xb8;
	[tilespmem:$0x2B78] =	vst v63  }
0x3e: {  	s29 =	simm.s32 $0x280  }
0x3f: {  	[spmem:s2] =	stream.indirect.scatter.add.f32 [tilespmem:s20], [sflag:$0x2], $0x1, s29, s19, $0xb8;
	[tilespmem:$0x2B78] =	vst v63  }
0x40: {  	s30 =	simm.s32 $0x300  }
0x41: {  	[spmem:s2] =	stream.indirect.scatter.add.f32 [tilespmem:s20], [sflag:$0x1], $0x1, s30, s19, $0xb8;
	[tilespmem:$0x2B78] =	vst v63  }
0x42: {  	s31 =	simm.s32 $0x380  }
0x43: {  	[spmem:s2] =	stream.indirect.scatter.add.f32 [tilespmem:s20], [sflag:$0x2], $0x1, s31, s19, $0xb8;
	[tilespmem:$0x2B78] =	vst v63  }
0x44: {  	_ =	swait.ge [sflag:s21], $0x80  }
0x45: {  	[sflag:s21] =	ssyncset.done $0x0  }
0x46: {  	[sflag:s21] =	ssyncadd.s32 $0xFFFFFF80  }
0x47: {  	_ =	swait.ge [sflag:s22], $0x80  }
0x48: {  	[sflag:s22] =	ssyncset.done $0x0  }
0x49: {  	[sflag:s22] =	ssyncadd.s32 $0xFFFFFF80  }
0x4a: {  	_ =	swait.ge [sflag:s21], $0x80  }
0x4b: {  	[sflag:s21] =	ssyncset.done $0x0  }
0x4c: {  	[sflag:s21] =	ssyncadd.s32 $0xFFFFFF80  }
0x4d: {  	_ =	swait.ge [sflag:s22], $0x80  }
0x4e: {  	[sflag:s22] =	ssyncset.done $0x0  }
0x4f: {  	[sflag:s22] =	ssyncadd.s32 $0xFFFFFF80  }
0x50: {  	_ =	swait.ge [sflag:s21], $0x80  }
0x51: {  	[sflag:s21] =	ssyncset.done $0x0  }
0x52: {  	[sflag:s21] =	ssyncadd.s32 $0xFFFFFF80  }
0x53: {  	_ =	swait.ge [sflag:s22], $0x80  }
0x54: {  	[sflag:s22] =	ssyncset.done $0x0  }
0x55: {  	[sflag:s22] =	ssyncadd.s32 $0xFFFFFF80  }
0x56: {  	_ =	swait.ge [sflag:s21], $0x80  }
0x57: {  	[sflag:s21] =	ssyncset.done $0x0  }
0x58: {  	[sflag:s21] =	ssyncadd.s32 $0xFFFFFF80  }
0x59: {  	_ =	swait.ge [sflag:s22], $0x80  }
0x5a: {  	s24 =	simm.s32 $0x1000;
	s26 =	simm.s32 $0x2000;
	[sflag:s22] =	ssyncset.done $0x0  }
.LBB2_2:
0x5b: {  	s28 =	sshra.s32 s24, $0x2  }
0x5c: {  	[sflag:s22] =	ssyncadd.s32 $0xFFFFFF80;
	s24 =	smov.u32 s26;
	s25 =	sadd.s32 $0x1000, s26  }
0x5d: {  	[spmem:s2] =	stream.indirect.scatter.add.f32 [tilespmem:s20], [sflag:$0x1], $0x1, s28, s19, $0xb8;
	[tilespmem:$0x2B78] =	vst v63  }
0x5e: {  	p0 =	sne.s32 s26, $0x9000;
	s26 =	sadd.s32 $0x80, s28  }
0x5f: {  	[spmem:s2] =	stream.indirect.scatter.add.f32 [tilespmem:s20], [sflag:$0x2], $0x1, s26, s19, $0xb8;
	[tilespmem:$0x2B78] =	vst v63  }
0x60: {  	s26 =	sadd.s32 $0x100, s28  }
0x61: {  	[spmem:s2] =	stream.indirect.scatter.add.f32 [tilespmem:s20], [sflag:$0x1], $0x1, s26, s19, $0xb8;
	[tilespmem:$0x2B78] =	vst v63  }
0x62: {  	s26 =	sadd.s32 $0x180, s28  }
0x63: {  	[spmem:s2] =	stream.indirect.scatter.add.f32 [tilespmem:s20], [sflag:$0x2], $0x1, s26, s19, $0xb8;
	[tilespmem:$0x2B78] =	vst v63  }
0x64: {  	s26 =	sadd.s32 $0x200, s28  }
0x65: {  	[spmem:s2] =	stream.indirect.scatter.add.f32 [tilespmem:s20], [sflag:$0x1], $0x1, s26, s19, $0xb8;
	[tilespmem:$0x2B78] =	vst v63  }
0x66: {  	s26 =	sadd.s32 $0x280, s28  }
0x67: {  	[spmem:s2] =	stream.indirect.scatter.add.f32 [tilespmem:s20], [sflag:$0x2], $0x1, s26, s19, $0xb8;
	[tilespmem:$0x2B78] =	vst v63  }
0x68: {  	s26 =	sadd.s32 $0x300, s28  }
0x69: {  	[spmem:s2] =	stream.indirect.scatter.add.f32 [tilespmem:s20], [sflag:$0x1], $0x1, s26, s19, $0xb8;
	[tilespmem:$0x2B78] =	vst v63  }
0x6a: {  	s26 =	sadd.s32 $0x380, s28  }
0x6b: {  	[spmem:s2] =	stream.indirect.scatter.add.f32 [tilespmem:s20], [sflag:$0x2], $0x1, s26, s19, $0xb8;
	[tilespmem:$0x2B78] =	vst v63  }
0x6c: {  	_ =	swait.ge [sflag:s21], $0x80  }
0x6d: {  	[sflag:s21] =	ssyncset.done $0x0  }
0x6e: {  	[sflag:s21] =	ssyncadd.s32 $0xFFFFFF80  }
0x6f: {  	_ =	swait.ge [sflag:s22], $0x80  }
0x70: {  	[sflag:s22] =	ssyncset.done $0x0  }
0x71: {  	[sflag:s22] =	ssyncadd.s32 $0xFFFFFF80  }
0x72: {  	_ =	swait.ge [sflag:s21], $0x80  }
0x73: {  	[sflag:s21] =	ssyncset.done $0x0  }
0x74: {  	[sflag:s21] =	ssyncadd.s32 $0xFFFFFF80  }
0x75: {  	_ =	swait.ge [sflag:s22], $0x80  }
0x76: {  	[sflag:s22] =	ssyncset.done $0x0  }
0x77: {  	[sflag:s22] =	ssyncadd.s32 $0xFFFFFF80  }
0x78: {  	_ =	swait.ge [sflag:s21], $0x80  }
0x79: {  	[sflag:s21] =	ssyncset.done $0x0  }
0x7a: {  	[sflag:s21] =	ssyncadd.s32 $0xFFFFFF80  }
0x7b: {  	_ =	swait.ge [sflag:s22], $0x80  }
0x7c: {  	[sflag:s22] =	ssyncset.done $0x0  }
0x7d: {  	[sflag:s22] =	ssyncadd.s32 $0xFFFFFF80  }
.Ltmp0:
0x7e: {  	_ =	swait.ge [sflag:s21], $0x80;
	(pc) =	sbr.rel @p0 .LBB2_2-.Ltmp0, $4  }
0x7f: {  	[sflag:s21] =	ssyncset.done $0x0  }
0x80: {  	[sflag:s21] =	ssyncadd.s32 $0xFFFFFF80  }
0x81: {  	_ =	swait.ge [sflag:s22], $0x80  }
0x82: {  	s26 =	smov.u32 s25;
	[sflag:s22] =	ssyncset.done $0x0  }
0x83: {  	s24 =	sshra.s32 s24, $0x2;
	[sflag:s22] =	ssyncadd.s32 $0xFFFFFF80  }
0x84: {  	[spmem:s2] =	stream.indirect.scatter.add.f32 [tilespmem:s20], [sflag:$0x1], $0x1, s24, s19, $0xb8;
	[tilespmem:$0x2B78] =	vst v63  }
0x85: {  	s25 =	sadd.s32 $0x80, s24  }
0x86: {  	[spmem:s2] =	stream.indirect.scatter.add.f32 [tilespmem:s20], [sflag:$0x2], $0x1, s25, s19, $0xb8;
	[tilespmem:$0x2B78] =	vst v63  }
0x87: {  	s26 =	sadd.s32 $0x100, s24  }
0x88: {  	[spmem:s2] =	stream.indirect.scatter.add.f32 [tilespmem:s20], [sflag:$0x1], $0x1, s26, s19, $0xb8;
	[tilespmem:$0x2B78] =	vst v63  }
0x89: {  	s28 =	sadd.s32 $0x180, s24  }
0x8a: {  	[spmem:s2] =	stream.indirect.scatter.add.f32 [tilespmem:s20], [sflag:$0x2], $0x1, s28, s19, $0xb8;
	[tilespmem:$0x2B78] =	vst v63  }
0x8b: {  	s29 =	sadd.s32 $0x200, s24  }
0x8c: {  	[spmem:s2] =	stream.indirect.scatter.add.f32 [tilespmem:s20], [sflag:$0x1], $0x1, s29, s19, $0xb8;
	[tilespmem:$0x2B78] =	vst v63  }
0x8d: {  	s30 =	sadd.s32 $0x280, s24  }
0x8e: {  	[spmem:s2] =	stream.indirect.scatter.add.f32 [tilespmem:s20], [sflag:$0x2], $0x1, s30, s19, $0xb8;
	[tilespmem:$0x2B78] =	vst v63  }
0x8f: {  	s31 =	sadd.s32 $0x300, s24  }
0x90: {  	[spmem:s2] =	stream.indirect.scatter.add.f32 [tilespmem:s20], [sflag:$0x1], $0x1, s31, s19, $0xb8;
	[tilespmem:$0x2B78] =	vst v63  }
0x91: {  	s24 =	sadd.s32 $0x380, s24  }
0x92: {  	[spmem:s2] =	stream.indirect.scatter.add.f32 [tilespmem:s20], [sflag:$0x2], $0x1, s24, s19, $0xb8;
	[tilespmem:$0x2B78] =	vst v63  }
0x93: {  	_ =	swait.ge [sflag:s21], $0x80  }
0x94: {  	[sflag:s21] =	ssyncset.done $0x0  }
0x95: {  	[sflag:s21] =	ssyncadd.s32 $0xFFFFFF80  }
0x96: {  	_ =	swait.ge [sflag:s22], $0x80  }
0x97: {  	[sflag:s22] =	ssyncset.done $0x0  }
0x98: {  	[sflag:s22] =	ssyncadd.s32 $0xFFFFFF80  }
0x99: {  	_ =	swait.ge [sflag:s21], $0x80  }
0x9a: {  	[sflag:s21] =	ssyncset.done $0x0  }
0x9b: {  	[sflag:s21] =	ssyncadd.s32 $0xFFFFFF80  }
0x9c: {  	_ =	swait.ge [sflag:s22], $0x80  }
0x9d: {  	[sflag:s22] =	ssyncset.done $0x0  }
0x9e: {  	[sflag:s22] =	ssyncadd.s32 $0xFFFFFF80  }
0x9f: {  	_ =	swait.ge [sflag:s21], $0x80  }
0xa0: {  	[sflag:s21] =	ssyncset.done $0x0  }
0xa1: {  	[sflag:s21] =	ssyncadd.s32 $0xFFFFFF80  }
0xa2: {  	_ =	swait.ge [sflag:s22], $0x80  }
0xa3: {  	[sflag:s22] =	ssyncset.done $0x0  }
0xa4: {  	[sflag:s22] =	ssyncadd.s32 $0xFFFFFF80  }
0xa5: {  	_ =	swait.ge [sflag:s21], $0x80  }
0xa6: {  	[sflag:s21] =	ssyncset.done $0x0  }
0xa7: {  	[sflag:s21] =	ssyncadd.s32 $0xFFFFFF80  }
0xa8: {  	_ =	swait.ge [sflag:s22], $0x80  }
0xa9: {  	[sflag:s22] =	ssyncset.done $0x0  }
0xaa: {  	[sflag:s22] =	ssyncadd.s32 $0xFFFFFF80  }
0xab: {  	[bflag:$0x0] =	sbarrier.arrive $0xFFFF  }
0xac: {  	[tilespmem:s17], [sflag:$0x3] =	stream.linear.gather [spmem:s5], $0x80, $0x38;
	[tilespmem:$0x2B78] =	vst v63  }
0xad: {  	_ =	swait.ge [sflag:s18], $0x80  }
0xae: {  	[sflag:s18] =	ssyncset.done $0x0  }
0xaf: {  	[sflag:s18] =	ssyncadd.s32 $0xFFFFFF80  }
0xb0: {  	[hbm4b:s11+s3] =	stream.linear.scatter [tilespmem:s17], [sflag:$0x3], $0x80, $0x38;
	[tilespmem:$0x2B78] =	vst v63  }
0xb1: {  	_ =	swait.ge [sflag:s18], $0x80  }
0xb2: {  	[sflag:s18] =	ssyncset.done $0x0  }
0xb3: {  	[sflag:s18] =	ssyncadd.s32 $0xFFFFFF80  }
0xb4: {  	[tilespmem:s17], [sflag:$0x3] =	stream.linear.gather [spmem:s6], $0x80, $0x38;
	[tilespmem:$0x2B78] =	vst v63  }
0xb5: {  	_ =	swait.ge [sflag:s18], $0x80  }
0xb6: {  	[sflag:s18] =	ssyncset.done $0x0  }
0xb7: {  	[sflag:s18] =	ssyncadd.s32 $0xFFFFFF80  }
0xb8: {  	[hbm4b:s12+s3] =	stream.linear.scatter [tilespmem:s17], [sflag:$0x3], $0x80, $0x38;
	[tilespmem:$0x2B78] =	vst v63  }
0xb9: {  	_ =	swait.ge [sflag:s18], $0x80  }
0xba: {  	[sflag:s18] =	ssyncset.done $0x0  }
0xbb: {  	[sflag:s18] =	ssyncadd.s32 $0xFFFFFF80  }
0xbc: {  	[tilespmem:s17], [sflag:$0x3] =	stream.linear.gather [spmem:s7], $0x80, $0x38;
	[tilespmem:$0x2B78] =	vst v63  }
0xbd: {  	_ =	swait.ge [sflag:s18], $0x80  }
0xbe: {  	[sflag:s18] =	ssyncset.done $0x0  }
0xbf: {  	[sflag:s18] =	ssyncadd.s32 $0xFFFFFF80  }
0xc0: {  	[hbm4b:s13+s3] =	stream.linear.scatter [tilespmem:s17], [sflag:$0x3], $0x80, $0x38;
	[tilespmem:$0x2B78] =	vst v63  }
0xc1: {  	_ =	swait.ge [sflag:s18], $0x80  }
0xc2: {  	[sflag:s18] =	ssyncset.done $0x0  }
0xc3: {  	[sflag:s18] =	ssyncadd.s32 $0xFFFFFF80  }
0xc4: {  	[tilespmem:s17], [sflag:$0x3] =	stream.linear.gather [spmem:s8], $0x80, $0x38;
	[tilespmem:$0x2B78] =	vst v63  }
0xc5: {  	_ =	swait.ge [sflag:s18], $0x80  }
0xc6: {  	[sflag:s18] =	ssyncset.done $0x0  }
0xc7: {  	[sflag:s18] =	ssyncadd.s32 $0xFFFFFF80  }
0xc8: {  	[hbm4b:s14+s3] =	stream.linear.scatter [tilespmem:s17], [sflag:$0x3], $0x80, $0x38;
	[tilespmem:$0x2B78] =	vst v63  }
0xc9: {  	_ =	swait.ge [sflag:s18], $0x80  }
0xca: {  	[sflag:s18] =	ssyncset.done $0x0  }
0xcb: {  	[sflag:s18] =	ssyncadd.s32 $0xFFFFFF80  }
0xcc: {  	[tilespmem:s17], [sflag:$0x3] =	stream.linear.gather [spmem:s9], $0x78, $0x38;
	[tilespmem:$0x2B78] =	vst v63  }
0xcd: {  	s23 =	sadd.s32 $0x1, s23;
	_ =	swait.ge [sflag:s18], $0x78  }
0xce: {  	p0 =	sne.s32 s23, s16;
	[sflag:s18] =	ssyncset.done $0x0  }
.Ltmp1:
0xcf: {  	[sflag:s18] =	ssyncadd.s32 $0xFFFFFF88;
	(pc) =	sbr.rel @p0 .LBB2_1-.Ltmp1, $4  }
0xd0: {  	[hbm4b:s15+s3] =	stream.linear.scatter [tilespmem:s17], [sflag:$0x3], $0x78, $0x38;
	[tilespmem:$0x2B78] =	vst v63  }
0xd1: {  	_ =	swait.ge [sflag:s18], $0x78  }
0xd2: {  	[sflag:s18] =	ssyncset.done $0x0  }
0xd3: {  	[sflag:s18] =	ssyncadd.s32 $0xFFFFFF88  }
0xd4: {  	_ =	sfence.sel $0x180000  }
0xd5: {  	[bflag:$0x0] =	sbarrier.arrive $0xFFFF  }
0xd6: {  	p0 =	sne.s32 s1, $0x0;
	_ =	strace $0x90000047  }
0xd7: {  	s0 =	sadd.s32 @!p0 $0x100000, s0;
	[bflag:$0x2] =	sbarrier.arrive $0xFFFF  }
0xd8: {  	[sflag:s0] =	ssyncadd.tile.s32 @!p0 $0x1;
	_ =	shalt  }
.Lfunc_end2:
_tile_overlayer_lowered:
.L_overlay_start_2:
0xd9: {  	(tag) =	ssettag $0x2  }
0xda: {  	s0 =	rddreg [dreg:$0x0];
	s2 =	stileid.u32  }
0xdb: {  	s1 =	rddreg [dreg:$0x1];
	p0 =	sne.s32 s2, $0x0  }
0xdc: {  	s3 =	rddreg [dreg:$0x2];
	[bflag:$0x3] =	sbarrier.arrive $0xFFFF;
	s2 =	simm.s32 @!p0 $0x1C03  }
0xdd: {  	[timem:s3], [sflag:s2] =	dma.local @!p0 [hbm:s0], s1  }
0xde: {  	s0 =	simm.s32 @!p0 $0x3  }
0xdf: {  	_ =	swait.ge @!p0 [sflag:s0], s1  }
0xe0: {  	s1 =	ssub.s32 @!p0 $0x0, s1;
	[sflag:s0] =	ssyncset.done @!p0 $0x0  }
0xe1: {  	[sflag:s0] =	ssyncadd.s32 @!p0 s1  }
0xe2: {  	[bflag:$0x3] =	sbarrier.arrive $0xFFFF  }
0xe3: {  	_ =	shalt  }

</sc_bundles>
